<compile_context>
chip_gen: v7x
topology: tpu7x:2x2x1
jax: 0.10.2.dev20260603
libtpu: 0.0.44.dev20260713+nightly
codegen_flags: <defaults>
</compile_context>

<pallas_src>
import functools

import jax
import jax.numpy as jnp
from jax import lax
from jax.experimental import pallas as pl
from jax.experimental.pallas import tpu as pltpu
from jax.experimental.pallas import tpu_sc as plsc

_NC = 2
_NS = 16
_NW = _NC * _NS
_LANES = 16

_IMGS = 12
_NBLK = 3 * _IMGS
_SC_BLKS = 2
_ROWS = 8
_UNROLL = 12


@functools.cache
def _get_stage1():
    mesh = plsc.VectorSubcoreMesh(
        core_axis_name="c", subcore_axis_name="s",
        num_cores=_NC, num_subcores=_NS,
    )
    return functools.partial(
        pl.kernel,
        out_type=jax.ShapeDtypeStruct((_NW, _LANES), jnp.float32),
        mesh=mesh,
        scratch_types=[pltpu.VMEM((_ROWS, 384), jnp.float32)] * 5 + [
            pltpu.VMEM((_LANES,), jnp.float32),
            pltpu.SemaphoreType.DMA,
        ],
        compiler_params=pltpu.CompilerParams(
            needs_layout_passes=False, use_tc_tiling_on_sc=True),
    )(_stage1_body)


def _stage1_body(gh_hbm, gah_hbm, pgh_hbm, pga_hbm, msk_hbm, out_hbm,
                 gv, av, qv, bv, mv, resv, sem):
    cid = lax.axis_index("c")
    sid = lax.axis_index("s")
    wid = cid * _NS + sid
    row0 = cid * 128 + sid * _ROWS
    lane = lax.iota(jnp.int32, _LANES)
    zero = jnp.zeros((_LANES,), jnp.float32)

    hs = []
    for src, dst in zip((gh_hbm, gah_hbm, pgh_hbm, pga_hbm, msk_hbm),
                        (gv, av, qv, bv, mv)):
        h = pltpu.make_async_copy(
            src.at[0, pl.ds(row0, _ROWS), :], dst, sem)
        h.start()
        hs.append(h)
    for h in hs:
        h.wait()

    def body(j, carry):
        pg, ng, spg, sng, pa, na, spa, sna = carry
        r = j // 2
        c0 = (j % 2) * (_UNROLL * _LANES)
        for u in range(_UNROLL):
            sl = pl.ds(c0 + u * _LANES, _LANES)
            lg = gv[r, sl]
            la = av[r, sl]
            mk = mv[r, sl]
            dg = qv[r, sl] - lg
            da = bv[r, sl] - la
            plg = dg * dg * mk
            pla = da * da * mk
            pos_g = lg > 0.1
            neg_g = lg < 0.1
            pos_a = la > 0.1
            neg_a = la < 0.1
            pg = pg + jnp.where(pos_g, 1.0, 0.0)
            ng = ng + jnp.where(neg_g, 1.0, 0.0)
            spg = spg + jnp.where(pos_g, plg, 0.0)
            sng = sng + jnp.where(neg_g, plg, 0.0)
            pa = pa + jnp.where(pos_a, 1.0, 0.0)
            na = na + jnp.where(neg_a, 1.0, 0.0)
            spa = spa + jnp.where(pos_a, pla, 0.0)
            sna = sna + jnp.where(neg_a, pla, 0.0)
        return pg, ng, spg, sng, pa, na, spa, sna

    acc = lax.fori_loop(0, _ROWS * 2, body, (zero,) * 8)
    res = zero
    for q in range(8):
        res = jnp.where(lane == q, jnp.sum(acc[q]), res)
    resv[...] = res
    pltpu.sync_copy(resv, out_hbm.at[wid])


def _tc_stats_body(gh_ref, gah_ref, pgh_ref, pga_ref, msk_ref, out_ref):
    lab_g = gh_ref[0]
    lab_a = gah_ref[0]
    mk = msk_ref[0]
    dg = pgh_ref[0] - lab_g
    da = pga_ref[0] - lab_a
    plg = dg * dg * mk
    pla = da * da * mk
    pos_g = lab_g > 0.1
    neg_g = lab_g < 0.1
    pos_a = lab_a > 0.1
    neg_a = lab_a < 0.1
    vals = (
        jnp.sum(pos_g.astype(jnp.float32)),
        jnp.sum(neg_g.astype(jnp.float32)),
        jnp.sum(jnp.where(pos_g, plg, 0.0)),
        jnp.sum(jnp.where(neg_g, plg, 0.0)),
        jnp.sum(pos_a.astype(jnp.float32)),
        jnp.sum(neg_a.astype(jnp.float32)),
        jnp.sum(jnp.where(pos_a, pla, 0.0)),
        jnp.sum(jnp.where(neg_a, pla, 0.0)),
    )
    lane = lax.broadcasted_iota(jnp.int32, (1, 1, 128), 2)
    res = jnp.zeros((1, 1, 128), jnp.float32)
    for q, v in enumerate(vals):
        res = jnp.where(lane == q, v, res)
    out_ref[...] = res


def _tc_stats(gh_label, gah_label, p_gh, p_gah, mask):
    spec = pl.BlockSpec((1, 384, 384), lambda i: (i + 1, 0, 0))
    imgs = pl.pallas_call(
        _tc_stats_body,
        grid=(_IMGS - 1,),
        in_specs=[spec] * 5,
        out_specs=pl.BlockSpec((1, 1, 128), lambda i: (i, 0, 0)),
        out_shape=jax.ShapeDtypeStruct((_IMGS - 1, 1, 128), jnp.float32),
    )(gh_label, gah_label, p_gh, p_gah, mask)
    rspec = pl.BlockSpec((1, 128, 384), lambda i: (0, 2, 0))
    rest = pl.pallas_call(
        _tc_stats_body,
        grid=(1,),
        in_specs=[rspec] * 5,
        out_specs=pl.BlockSpec((1, 1, 128), lambda i: (i, 0, 0)),
        out_shape=jax.ShapeDtypeStruct((1, 1, 128), jnp.float32),
    )(gh_label, gah_label, p_gh, p_gah, mask)
    return imgs, rest


def _sel_body(k_ref, lab_ref, pred_ref, msk_ref, tk_ref, t5_ref):
    r = pl.program_id(0)
    lab = lab_ref[0]
    d = pred_ref[0] - lab
    plv = d * d * msk_ref[0]
    bits = lax.bitcast_convert_type(plv, jnp.int32)
    negbits = jnp.where(lab < 0.1, bits, -1)
    kk = k_ref[r]

    def srch(b, carry):
        t1, t2 = carry
        bit = jnp.left_shift(jnp.int32(1), 30 - b)
        tr1 = t1 | bit
        tr2 = t2 | bit
        c1 = jnp.sum((negbits >= tr1).astype(jnp.int32))
        c2 = jnp.sum((bits >= tr2).astype(jnp.int32))
        t1 = jnp.where(c1 >= kk, tr1, t1)
        t2 = jnp.where(c2 >= 500, tr2, t2)
        return t1, t2

    t1, t2 = lax.fori_loop(0, 31, srch, (jnp.int32(0), jnp.int32(0)))

    thr1 = lax.bitcast_convert_type(jnp.full((1, 1, 128), t1, jnp.int32),
                                    jnp.float32)
    thr2 = lax.bitcast_convert_type(jnp.full((1, 1, 128), t2, jnp.int32),
                                    jnp.float32)
    gt1 = negbits > t1
    gt2 = bits > t2
    c1 = jnp.sum(gt1.astype(jnp.float32))
    c2 = jnp.sum(gt2.astype(jnp.float32))
    s1 = jnp.sum(jnp.where(gt1, plv, 0.0))
    s2 = jnp.sum(jnp.where(gt2, plv, 0.0))
    tk_ref[...] = s1 + (kk.astype(jnp.float32) - c1) * thr1
    t5_ref[...] = s2 + (500.0 - c2) * thr2


def _selection(kk, labs, preds, mask):
    tk, t5 = pl.pallas_call(
        _sel_body,
        grid=(2 * _IMGS,),
        in_specs=[
            pl.BlockSpec(memory_space=pltpu.SMEM),
            pl.BlockSpec((1, 384, 384), lambda r: (r, 0, 0)),
            pl.BlockSpec((1, 384, 384), lambda r: (r, 0, 0)),
            pl.BlockSpec((1, 384, 384), lambda r: (r % _IMGS, 0, 0)),
        ],
        out_specs=[
            pl.BlockSpec((1, 1, 128), lambda r: (r, 0, 0)),
            pl.BlockSpec((1, 1, 128), lambda r: (r, 0, 0)),
        ],
        out_shape=[
            jax.ShapeDtypeStruct((2 * _IMGS, 1, 128), jnp.float32),
            jax.ShapeDtypeStruct((2 * _IMGS, 1, 128), jnp.float32),
        ],
    )(kk, labs, preds, mask)
    return tk[:, 0, 0], t5[:, 0, 0]


def kernel(gh_label, gah_label, p_gh, p_gah, mask):
    sc_parts = _get_stage1()(gh_label, gah_label, p_gh, p_gah, mask)
    tc_imgs, tc_rest = _tc_stats(gh_label, gah_label, p_gh, p_gah, mask)

    img0 = sc_parts.sum(axis=0)[:8] + tc_rest[0, 0, :8]
    tot = jnp.concatenate([img0[None], tc_imgs[:, 0, :8]], axis=0)

    p = jnp.stack([tot[:, 0], tot[:, 4]])
    n = jnp.stack([tot[:, 1], tot[:, 5]])
    sp = jnp.stack([tot[:, 2], tot[:, 6]])
    sn = jnp.stack([tot[:, 3], tot[:, 7]])
    k = 3.0 * p

    need_sel = jnp.any((p == 0.0) | (n >= k))

    def sel_true(_):
        labs = jnp.concatenate([gh_label, gah_label], axis=0)
        preds = jnp.concatenate([p_gh, p_gah], axis=0)
        kints = k.reshape(-1).astype(jnp.int32)
        return _selection(kints, labs, preds, mask)

    def sel_false(_):
        z = jnp.zeros((2 * _IMGS,), jnp.float32)
        return z, z

    tk, t5 = lax.cond(need_sel, sel_true, sel_false, 0)
    tk = tk.reshape(2, _IMGS)
    t5 = t5.reshape(2, _IMGS)

    posi = sp / p
    nega = jnp.where(n < k, sn / n, tk / k)
    row = jnp.where(p != 0.0, posi + nega, t5 / 500.0)
    return jnp.sum(row) / 12.0

# --- scband reference (transcript-rebuilt; emitter-appended) ---
"""Pipeline reference for scband-maploss-3899830305163 (READ-ONLY COPY).

The authoritative reference and input builder live on the scoring server;
editing this copy changes nothing except your own understanding.
"""

import jax, jax.numpy as jnp
import numpy as np


def setup_inputs(seed: int = 0) -> dict:
    key = jax.random.key(seed)
    k1, k2, k3, k4, k5 = jax.random.split(key, 5)
    shape = (12, 384, 384)
    return {
        "gh_label": jax.random.uniform(k1, shape, dtype=jnp.float32),
        "gah_label": jax.random.uniform(k2, shape, dtype=jnp.float32),
        "p_gh": jax.random.uniform(k3, shape, dtype=jnp.float32),
        "p_gah": jax.random.uniform(k4, shape, dtype=jnp.float32),
        "mask": jax.random.uniform(k5, shape, dtype=jnp.float32),
    }


def _compute_plan(label):
    # masks depend only on labels (non-differentiated selection), fixed shape
    lab = label.reshape(12, -1)
    pos_mask = lab > 0.1
    neg_mask = lab < 0.1
    return pos_mask, neg_mask


def _single_image_loss(pre_loss, plan):
    sum_loss = jnp.mean(pre_loss.reshape(-1)) * 0.0
    pl = pre_loss.reshape(12, -1)
    pos_mask, neg_mask = plan
    m = pl.shape[1]
    for i in range(12):
        pos = pos_mask[i]
        neg = neg_mask[i]
        p = jnp.sum(pos)
        n = jnp.sum(neg)
        posi_loss = jnp.sum(jnp.where(pos, pl[i], 0.0)) / p
        mean_neg = jnp.sum(jnp.where(neg, pl[i], 0.0)) / n
        sorted_neg = jnp.sort(jnp.where(neg, pl[i], -jnp.inf))[::-1]
        cs = jnp.cumsum(sorted_neg)
        k = 3 * p
        idx = jnp.clip(k - 1, 0, m - 1)
        topk_mean = cs[idx] / k
        nega_when_pos = jnp.where(n < k, mean_neg, topk_mean)
        nega_when_empty = jnp.mean(jax.lax.top_k(pl[i], 500)[0])
        sum_pos_branch = (sum_loss + posi_loss) + nega_when_pos
        sum_empty_branch = sum_loss + nega_when_empty
        sum_loss = jnp.where(p != 0, sum_pos_branch, sum_empty_branch)
    return sum_loss


def reference(gh_label, gah_label, p_gh, p_gah, mask):
    # elementwise MSE (reduce=False)
    loss1 = (p_gh - gh_label) ** 2
    loss2 = (p_gah - gah_label) ** 2
    loss_g = loss1 * mask
    loss_a = loss2 * mask
    char_loss = _single_image_loss(loss_g, _compute_plan(gh_label))
    affi_loss = _single_image_loss(loss_a, _compute_plan(gah_label))
    return char_loss / 12.0 + affi_loss / 12.0

if __name__ == "__main__":
    import jax
    _d = setup_inputs()
    print(jax.jit(kernel)(*tuple(_d.values())))

</pallas_src>

<mosaic_0001>
#map = affine_map<(d0, d1) -> (0, 0, 0)>
#map1 = affine_map<(d0, d1) -> (0, 0)>
module attributes {stable_mosaic.version = 14 : i64} {
  func.func @_stage1_body(%arg0: i32, %arg1: i32, %arg2: memref<12x384x384xf32, #tpu.memory_space<hbm>>, %arg3: memref<12x384x384xf32, #tpu.memory_space<hbm>>, %arg4: memref<12x384x384xf32, #tpu.memory_space<hbm>>, %arg5: memref<12x384x384xf32, #tpu.memory_space<hbm>>, %arg6: memref<12x384x384xf32, #tpu.memory_space<hbm>>, %arg7: memref<32x16xf32, #tpu.memory_space<hbm>>, %arg8: memref<8x384xf32, #tpu.memory_space<vmem>>, %arg9: memref<8x384xf32, #tpu.memory_space<vmem>>, %arg10: memref<8x384xf32, #tpu.memory_space<vmem>>, %arg11: memref<8x384xf32, #tpu.memory_space<vmem>>, %arg12: memref<8x384xf32, #tpu.memory_space<vmem>>, %arg13: memref<16xf32, #tpu.memory_space<vmem>>, %arg14: memref<!tpu.dma_semaphore, #tpu.memory_space<semaphore_mem>>) attributes {dimension_semantics = [#tpu.dimension_semantics<core_parallel>, #tpu.dimension_semantics<subcore_parallel>], iteration_bounds = array<i64: 2, 16>, scalar_prefetch = 0 : i64, scratch_operands = 7 : i64, tpu.core_type = #tpu.core_type<sc_vector_subcore>, window_params = [{transform_indices = #map}, {transform_indices = #map}, {transform_indices = #map}, {transform_indices = #map}, {transform_indices = #map}, {transform_indices = #map1}]} {
    %mul3A = arith.constant 16 : i32
    %mul3A_0 = arith.muli %arg0, %mul3A : i32
    %add3A = arith.addi %mul3A_0, %arg1 : i32
    %mul3A_1 = arith.constant 128 : i32
    %mul3A_2 = arith.muli %arg0, %mul3A_1 : i32
    %mul3A_3 = arith.constant 8 : i32
    %mul3A_4 = arith.muli %arg1, %mul3A_3 : i32
    %add3A_5 = arith.addi %mul3A_2, %mul3A_4 : i32
    %iota3A = tpu.iota {dimensions = array<i32: 0>} : vector<16xi32>
    %broadcast_in_dim3A = arith.constant 0.000000e+00 : f32
    %broadcast_in_dim3A_6 = vector.broadcast %broadcast_in_dim3A : f32 to vector<16xf32>
    %dma_start3A = arith.constant 0 : i32
    %dma_start3A_7 = arith.constant 0 : i32
    %dma_start3A_8 = tpu.memref_slice %arg2[%dma_start3A, %add3A_5, %dma_start3A_7] : memref<12x384x384xf32, #tpu.memory_space<hbm>> -> memref<1x8x384xf32, #tpu.memory_space<hbm>>
    %dma_start3A_9 = tpu.memref_squeeze %dma_start3A_8 : memref<1x8x384xf32, #tpu.memory_space<hbm>> -> memref<8x384xf32, #tpu.memory_space<hbm>>
    %dma_start3A_10 = arith.constant 0 : i32
    %dma_start3A_11 = tpu.memref_slice %arg2[%dma_start3A, %add3A_5, %dma_start3A_10] : memref<12x384x384xf32, #tpu.memory_space<hbm>> -> memref<1x8x384xf32, #tpu.memory_space<hbm>>
    %dma_start3A_12 = tpu.memref_squeeze %dma_start3A_11 : memref<1x8x384xf32, #tpu.memory_space<hbm>> -> memref<8x384xf32, #tpu.memory_space<hbm>>
    tpu.enqueue_dma source(%dma_start3A_12 : memref<8x384xf32, #tpu.memory_space<hbm>>) target(%arg8 : memref<8x384xf32, #tpu.memory_space<vmem>>) target_semaphore(%arg14 : memref<!tpu.dma_semaphore, #tpu.memory_space<semaphore_mem>>)
    %dma_start3A_13 = arith.constant 0 : i32
    %dma_start3A_14 = arith.constant 0 : i32
    %dma_start3A_15 = tpu.memref_slice %arg3[%dma_start3A_13, %add3A_5, %dma_start3A_14] : memref<12x384x384xf32, #tpu.memory_space<hbm>> -> memref<1x8x384xf32, #tpu.memory_space<hbm>>
    %dma_start3A_16 = tpu.memref_squeeze %dma_start3A_15 : memref<1x8x384xf32, #tpu.memory_space<hbm>> -> memref<8x384xf32, #tpu.memory_space<hbm>>
    %dma_start3A_17 = arith.constant 0 : i32
    %dma_start3A_18 = tpu.memref_slice %arg3[%dma_start3A_13, %add3A_5, %dma_start3A_17] : memref<12x384x384xf32, #tpu.memory_space<hbm>> -> memref<1x8x384xf32, #tpu.memory_space<hbm>>
    %dma_start3A_19 = tpu.memref_squeeze %dma_start3A_18 : memref<1x8x384xf32, #tpu.memory_space<hbm>> -> memref<8x384xf32, #tpu.memory_space<hbm>>
    tpu.enqueue_dma source(%dma_start3A_19 : memref<8x384xf32, #tpu.memory_space<hbm>>) target(%arg9 : memref<8x384xf32, #tpu.memory_space<vmem>>) target_semaphore(%arg14 : memref<!tpu.dma_semaphore, #tpu.memory_space<semaphore_mem>>)
    %dma_start3A_20 = arith.constant 0 : i32
    %dma_start3A_21 = arith.constant 0 : i32
    %dma_start3A_22 = tpu.memref_slice %arg4[%dma_start3A_20, %add3A_5, %dma_start3A_21] : memref<12x384x384xf32, #tpu.memory_space<hbm>> -> memref<1x8x384xf32, #tpu.memory_space<hbm>>
    %dma_start3A_23 = tpu.memref_squeeze %dma_start3A_22 : memref<1x8x384xf32, #tpu.memory_space<hbm>> -> memref<8x384xf32, #tpu.memory_space<hbm>>
    %dma_start3A_24 = arith.constant 0 : i32
    %dma_start3A_25 = tpu.memref_slice %arg4[%dma_start3A_20, %add3A_5, %dma_start3A_24] : memref<12x384x384xf32, #tpu.memory_space<hbm>> -> memref<1x8x384xf32, #tpu.memory_space<hbm>>
    %dma_start3A_26 = tpu.memref_squeeze %dma_start3A_25 : memref<1x8x384xf32, #tpu.memory_space<hbm>> -> memref<8x384xf32, #tpu.memory_space<hbm>>
    tpu.enqueue_dma source(%dma_start3A_26 : memref<8x384xf32, #tpu.memory_space<hbm>>) target(%arg10 : memref<8x384xf32, #tpu.memory_space<vmem>>) target_semaphore(%arg14 : memref<!tpu.dma_semaphore, #tpu.memory_space<semaphore_mem>>)
    %dma_start3A_27 = arith.constant 0 : i32
    %dma_start3A_28 = arith.constant 0 : i32
    %dma_start3A_29 = tpu.memref_slice %arg5[%dma_start3A_27, %add3A_5, %dma_start3A_28] : memref<12x384x384xf32, #tpu.memory_space<hbm>> -> memref<1x8x384xf32, #tpu.memory_space<hbm>>
    %dma_start3A_30 = tpu.memref_squeeze %dma_start3A_29 : memref<1x8x384xf32, #tpu.memory_space<hbm>> -> memref<8x384xf32, #tpu.memory_space<hbm>>
    %dma_start3A_31 = arith.constant 0 : i32
    %dma_start3A_32 = tpu.memref_slice %arg5[%dma_start3A_27, %add3A_5, %dma_start3A_31] : memref<12x384x384xf32, #tpu.memory_space<hbm>> -> memref<1x8x384xf32, #tpu.memory_space<hbm>>
    %dma_start3A_33 = tpu.memref_squeeze %dma_start3A_32 : memref<1x8x384xf32, #tpu.memory_space<hbm>> -> memref<8x384xf32, #tpu.memory_space<hbm>>
    tpu.enqueue_dma source(%dma_start3A_33 : memref<8x384xf32, #tpu.memory_space<hbm>>) target(%arg11 : memref<8x384xf32, #tpu.memory_space<vmem>>) target_semaphore(%arg14 : memref<!tpu.dma_semaphore, #tpu.memory_space<semaphore_mem>>)
    %dma_start3A_34 = arith.constant 0 : i32
    %dma_start3A_35 = arith.constant 0 : i32
    %dma_start3A_36 = tpu.memref_slice %arg6[%dma_start3A_34, %add3A_5, %dma_start3A_35] : memref<12x384x384xf32, #tpu.memory_space<hbm>> -> memref<1x8x384xf32, #tpu.memory_space<hbm>>
    %dma_start3A_37 = tpu.memref_squeeze %dma_start3A_36 : memref<1x8x384xf32, #tpu.memory_space<hbm>> -> memref<8x384xf32, #tpu.memory_space<hbm>>
    %dma_start3A_38 = arith.constant 0 : i32
    %dma_start3A_39 = tpu.memref_slice %arg6[%dma_start3A_34, %add3A_5, %dma_start3A_38] : memref<12x384x384xf32, #tpu.memory_space<hbm>> -> memref<1x8x384xf32, #tpu.memory_space<hbm>>
    %dma_start3A_40 = tpu.memref_squeeze %dma_start3A_39 : memref<1x8x384xf32, #tpu.memory_space<hbm>> -> memref<8x384xf32, #tpu.memory_space<hbm>>
    tpu.enqueue_dma source(%dma_start3A_40 : memref<8x384xf32, #tpu.memory_space<hbm>>) target(%arg12 : memref<8x384xf32, #tpu.memory_space<vmem>>) target_semaphore(%arg14 : memref<!tpu.dma_semaphore, #tpu.memory_space<semaphore_mem>>)
    %dma_wait3A = arith.constant 0 : i32
    %dma_wait3A_41 = arith.constant 0 : i32
    %dma_wait3A_42 = tpu.memref_slice %arg2[%dma_wait3A, %add3A_5, %dma_wait3A_41] : memref<12x384x384xf32, #tpu.memory_space<hbm>> -> memref<1x8x384xf32, #tpu.memory_space<hbm>>
    %dma_wait3A_43 = tpu.memref_squeeze %dma_wait3A_42 : memref<1x8x384xf32, #tpu.memory_space<hbm>> -> memref<8x384xf32, #tpu.memory_space<hbm>>
    %dma_wait3A_44 = arith.constant 0 : i32
    %dma_wait3A_45 = tpu.memref_slice %arg2[%dma_wait3A, %add3A_5, %dma_wait3A_44] : memref<12x384x384xf32, #tpu.memory_space<hbm>> -> memref<1x8x384xf32, #tpu.memory_space<hbm>>
    %dma_wait3A_46 = tpu.memref_squeeze %dma_wait3A_45 : memref<1x8x384xf32, #tpu.memory_space<hbm>> -> memref<8x384xf32, #tpu.memory_space<hbm>>
    tpu.wait_dma2 semaphore(%arg14 : memref<!tpu.dma_semaphore, #tpu.memory_space<semaphore_mem>>) src(%dma_wait3A_46 : memref<8x384xf32, #tpu.memory_space<hbm>>) dst(%arg8 : memref<8x384xf32, #tpu.memory_space<vmem>>)
    %dma_wait3A_47 = arith.constant 0 : i32
    %dma_wait3A_48 = arith.constant 0 : i32
    %dma_wait3A_49 = tpu.memref_slice %arg3[%dma_wait3A_47, %add3A_5, %dma_wait3A_48] : memref<12x384x384xf32, #tpu.memory_space<hbm>> -> memref<1x8x384xf32, #tpu.memory_space<hbm>>
    %dma_wait3A_50 = tpu.memref_squeeze %dma_wait3A_49 : memref<1x8x384xf32, #tpu.memory_space<hbm>> -> memref<8x384xf32, #tpu.memory_space<hbm>>
    %dma_wait3A_51 = arith.constant 0 : i32
    %dma_wait3A_52 = tpu.memref_slice %arg3[%dma_wait3A_47, %add3A_5, %dma_wait3A_51] : memref<12x384x384xf32, #tpu.memory_space<hbm>> -> memref<1x8x384xf32, #tpu.memory_space<hbm>>
    %dma_wait3A_53 = tpu.memref_squeeze %dma_wait3A_52 : memref<1x8x384xf32, #tpu.memory_space<hbm>> -> memref<8x384xf32, #tpu.memory_space<hbm>>
    tpu.wait_dma2 semaphore(%arg14 : memref<!tpu.dma_semaphore, #tpu.memory_space<semaphore_mem>>) src(%dma_wait3A_53 : memref<8x384xf32, #tpu.memory_space<hbm>>) dst(%arg9 : memref<8x384xf32, #tpu.memory_space<vmem>>)
    %dma_wait3A_54 = arith.constant 0 : i32
    %dma_wait3A_55 = arith.constant 0 : i32
    %dma_wait3A_56 = tpu.memref_slice %arg4[%dma_wait3A_54, %add3A_5, %dma_wait3A_55] : memref<12x384x384xf32, #tpu.memory_space<hbm>> -> memref<1x8x384xf32, #tpu.memory_space<hbm>>
    %dma_wait3A_57 = tpu.memref_squeeze %dma_wait3A_56 : memref<1x8x384xf32, #tpu.memory_space<hbm>> -> memref<8x384xf32, #tpu.memory_space<hbm>>
    %dma_wait3A_58 = arith.constant 0 : i32
    %dma_wait3A_59 = tpu.memref_slice %arg4[%dma_wait3A_54, %add3A_5, %dma_wait3A_58] : memref<12x384x384xf32, #tpu.memory_space<hbm>> -> memref<1x8x384xf32, #tpu.memory_space<hbm>>
    %dma_wait3A_60 = tpu.memref_squeeze %dma_wait3A_59 : memref<1x8x384xf32, #tpu.memory_space<hbm>> -> memref<8x384xf32, #tpu.memory_space<hbm>>
    tpu.wait_dma2 semaphore(%arg14 : memref<!tpu.dma_semaphore, #tpu.memory_space<semaphore_mem>>) src(%dma_wait3A_60 : memref<8x384xf32, #tpu.memory_space<hbm>>) dst(%arg10 : memref<8x384xf32, #tpu.memory_space<vmem>>)
    %dma_wait3A_61 = arith.constant 0 : i32
    %dma_wait3A_62 = arith.constant 0 : i32
    %dma_wait3A_63 = tpu.memref_slice %arg5[%dma_wait3A_61, %add3A_5, %dma_wait3A_62] : memref<12x384x384xf32, #tpu.memory_space<hbm>> -> memref<1x8x384xf32, #tpu.memory_space<hbm>>
    %dma_wait3A_64 = tpu.memref_squeeze %dma_wait3A_63 : memref<1x8x384xf32, #tpu.memory_space<hbm>> -> memref<8x384xf32, #tpu.memory_space<hbm>>
    %dma_wait3A_65 = arith.constant 0 : i32
    %dma_wait3A_66 = tpu.memref_slice %arg5[%dma_wait3A_61, %add3A_5, %dma_wait3A_65] : memref<12x384x384xf32, #tpu.memory_space<hbm>> -> memref<1x8x384xf32, #tpu.memory_space<hbm>>
    %dma_wait3A_67 = tpu.memref_squeeze %dma_wait3A_66 : memref<1x8x384xf32, #tpu.memory_space<hbm>> -> memref<8x384xf32, #tpu.memory_space<hbm>>
    tpu.wait_dma2 semaphore(%arg14 : memref<!tpu.dma_semaphore, #tpu.memory_space<semaphore_mem>>) src(%dma_wait3A_67 : memref<8x384xf32, #tpu.memory_space<hbm>>) dst(%arg11 : memref<8x384xf32, #tpu.memory_space<vmem>>)
    %dma_wait3A_68 = arith.constant 0 : i32
    %dma_wait3A_69 = arith.constant 0 : i32
    %dma_wait3A_70 = tpu.memref_slice %arg6[%dma_wait3A_68, %add3A_5, %dma_wait3A_69] : memref<12x384x384xf32, #tpu.memory_space<hbm>> -> memref<1x8x384xf32, #tpu.memory_space<hbm>>
    %dma_wait3A_71 = tpu.memref_squeeze %dma_wait3A_70 : memref<1x8x384xf32, #tpu.memory_space<hbm>> -> memref<8x384xf32, #tpu.memory_space<hbm>>
    %dma_wait3A_72 = arith.constant 0 : i32
    %dma_wait3A_73 = tpu.memref_slice %arg6[%dma_wait3A_68, %add3A_5, %dma_wait3A_72] : memref<12x384x384xf32, #tpu.memory_space<hbm>> -> memref<1x8x384xf32, #tpu.memory_space<hbm>>
    %dma_wait3A_74 = tpu.memref_squeeze %dma_wait3A_73 : memref<1x8x384xf32, #tpu.memory_space<hbm>> -> memref<8x384xf32, #tpu.memory_space<hbm>>
    tpu.wait_dma2 semaphore(%arg14 : memref<!tpu.dma_semaphore, #tpu.memory_space<semaphore_mem>>) src(%dma_wait3A_74 : memref<8x384xf32, #tpu.memory_space<hbm>>) dst(%arg12 : memref<8x384xf32, #tpu.memory_space<vmem>>)
    %scan3A = arith.constant 0 : i32
    %scan3A_75 = arith.constant 16 : i32
    %scan3A_76 = arith.addi %scan3A, %scan3A_75 : i32
    %scan3A_77 = arith.constant 1 : i32
    %scan3A_78:8 = scf.for %scan3A_150 = %scan3A to %scan3A_76 step %scan3A_77 iter_args(%scan3A_151 = %broadcast_in_dim3A_6, %scan3A_152 = %broadcast_in_dim3A_6, %scan3A_153 = %broadcast_in_dim3A_6, %scan3A_154 = %broadcast_in_dim3A_6, %scan3A_155 = %broadcast_in_dim3A_6, %scan3A_156 = %broadcast_in_dim3A_6, %scan3A_157 = %broadcast_in_dim3A_6, %scan3A_158 = %broadcast_in_dim3A_6) -> (vector<16xf32>, vector<16xf32>, vector<16xf32>, vector<16xf32>, vector<16xf32>, vector<16xf32>, vector<16xf32>, vector<16xf32>)  : i32 {
      %jit3A = arith.constant 2 : i32
      %div3A = arith.divsi %scan3A_150, %jit3A : i32
      %sign3A = arith.constant 0 : i32
      %sign3A_159 = arith.cmpi sgt, %scan3A_150, %sign3A : i32
      %sign3A_160 = arith.extui %sign3A_159 : i1 to i32
      %sign3A_161 = arith.constant 0 : i32
      %sign3A_162 = arith.cmpi slt, %scan3A_150, %sign3A_161 : i32
      %sign3A_163 = arith.extui %sign3A_162 : i1 to i32
      %sign3A_164 = arith.subi %sign3A_160, %sign3A_163 : i32
      %sign3A_165 = arith.constant 0 : i32
      %sign3A_166 = arith.cmpi sgt, %jit3A, %sign3A_165 : i32
      %sign3A_167 = arith.extui %sign3A_166 : i1 to i32
      %sign3A_168 = arith.constant 0 : i32
      %sign3A_169 = arith.cmpi slt, %jit3A, %sign3A_168 : i32
      %sign3A_170 = arith.extui %sign3A_169 : i1 to i32
      %sign3A_171 = arith.subi %sign3A_167, %sign3A_170 : i32
      %ne3A = arith.cmpi ne, %sign3A_164, %sign3A_171 : i32
      %rem3A = arith.remsi %scan3A_150, %jit3A : i32
      %ne3A_172 = arith.constant 0 : i32
      %ne3A_173 = arith.cmpi ne, %rem3A, %ne3A_172 : i32
      %and3A = arith.andi %ne3A, %ne3A_173 : i1
      %sub3A = arith.constant 1 : i32
      %sub3A_174 = arith.subi %div3A, %sub3A : i32
      %select_n3A_175 = arith.select %and3A, %sub3A_174, %div3A : i32
      %jit3A_176 = arith.constant 2 : i32
      %eq3A_177 = arith.constant 0 : i32
      %eq3A_178 = arith.cmpi eq, %jit3A_176, %eq3A_177 : i32
      %jit3A_179 = arith.constant 1 : i32
      %select_n3A_180 = arith.select %eq3A_178, %jit3A_179, %jit3A_176 : i32
      %rem3A_181 = arith.remsi %scan3A_150, %select_n3A_180 : i32
      %ne3A_182 = arith.constant 0 : i32
      %ne3A_183 = arith.cmpi ne, %rem3A_181, %ne3A_182 : i32
      %lt3A = arith.constant 0 : i32
      %lt3A_184 = arith.cmpi slt, %rem3A_181, %lt3A : i32
      %lt3A_185 = arith.constant 0 : i32
      %lt3A_186 = arith.cmpi slt, %select_n3A_180, %lt3A_185 : i32
      %ne3A_187 = arith.xori %lt3A_184, %lt3A_186 : i1
      %and3A_188 = arith.andi %ne3A_187, %ne3A_183 : i1
      %add3A_189 = arith.addi %rem3A_181, %select_n3A_180 : i32
      %select_n3A_190 = arith.select %and3A_188, %add3A_189, %rem3A_181 : i32
      %mul3A_191 = arith.constant 192 : i32
      %mul3A_192 = arith.muli %select_n3A_190, %mul3A_191 : i32
      %add3A_193 = arith.constant 0 : i32
      %add3A_194 = arith.addi %mul3A_192, %add3A_193 : i32
      %get3A = arith.index_cast %select_n3A_175 : i32 to index
      %get3A_195 = arith.index_cast %add3A_194 : i32 to index
      %get3A_196 = tpu.vector_load %arg8[%get3A, %get3A_195] {strides = array<i32>} : memref<8x384xf32, #tpu.memory_space<vmem>>, vector<16xf32>,
      %get3A_197 = arith.index_cast %select_n3A_175 : i32 to index
      %get3A_198 = arith.index_cast %add3A_194 : i32 to index
      %get3A_199 = tpu.vector_load %arg9[%get3A_197, %get3A_198] {strides = array<i32>} : memref<8x384xf32, #tpu.memory_space<vmem>>, vector<16xf32>,
      %get3A_200 = arith.index_cast %select_n3A_175 : i32 to index
      %get3A_201 = arith.index_cast %add3A_194 : i32 to index
      %get3A_202 = tpu.vector_load %arg12[%get3A_200, %get3A_201] {strides = array<i32>} : memref<8x384xf32, #tpu.memory_space<vmem>>, vector<16xf32>,
      %get3A_203 = arith.index_cast %select_n3A_175 : i32 to index
      %get3A_204 = arith.index_cast %add3A_194 : i32 to index
      %get3A_205 = tpu.vector_load %arg10[%get3A_203, %get3A_204] {strides = array<i32>} : memref<8x384xf32, #tpu.memory_space<vmem>>, vector<16xf32>,
      %sub3A_206 = arith.subf %get3A_205, %get3A_196 : vector<16xf32>
      %get3A_207 = arith.index_cast %select_n3A_175 : i32 to index
      %get3A_208 = arith.index_cast %add3A_194 : i32 to index
      %get3A_209 = tpu.vector_load %arg11[%get3A_207, %get3A_208] {strides = array<i32>} : memref<8x384xf32, #tpu.memory_space<vmem>>, vector<16xf32>,
      %sub3A_210 = arith.subf %get3A_209, %get3A_199 : vector<16xf32>
      %mul3A_211 = arith.mulf %sub3A_206, %sub3A_206 : vector<16xf32>
      %mul3A_212 = arith.mulf %mul3A_211, %get3A_202 : vector<16xf32>
      %mul3A_213 = arith.mulf %sub3A_210, %sub3A_210 : vector<16xf32>
      %mul3A_214 = arith.mulf %mul3A_213, %get3A_202 : vector<16xf32>
      %gt3A = arith.constant 1.000000e-01 : f32
      %gt3A_215 = vector.broadcast %gt3A : f32 to vector<16xf32>
      %gt3A_216 = arith.cmpf ogt, %get3A_196, %gt3A_215 : vector<16xf32>
      %lt3A_217 = arith.constant 1.000000e-01 : f32
      %lt3A_218 = vector.broadcast %lt3A_217 : f32 to vector<16xf32>
      %lt3A_219 = arith.cmpf olt, %get3A_196, %lt3A_218 : vector<16xf32>
      %gt3A_220 = arith.constant 1.000000e-01 : f32
      %gt3A_221 = vector.broadcast %gt3A_220 : f32 to vector<16xf32>
      %gt3A_222 = arith.cmpf ogt, %get3A_199, %gt3A_221 : vector<16xf32>
      %lt3A_223 = arith.constant 1.000000e-01 : f32
      %lt3A_224 = vector.broadcast %lt3A_223 : f32 to vector<16xf32>
      %lt3A_225 = arith.cmpf olt, %get3A_199, %lt3A_224 : vector<16xf32>
      %jit3A_226 = arith.constant 1.000000e+00 : f32
      %jit3A_227 = arith.constant 0.000000e+00 : f32
      %broadcast_in_dim3A_228 = vector.broadcast %jit3A_226 : f32 to vector<16xf32>
      %broadcast_in_dim3A_229 = vector.broadcast %jit3A_227 : f32 to vector<16xf32>
      %select_n3A_230 = arith.select %gt3A_216, %broadcast_in_dim3A_228, %broadcast_in_dim3A_229 : vector<16xi1>, vector<16xf32>
      %add3A_231 = arith.addf %scan3A_151, %select_n3A_230 : vector<16xf32>
      %jit3A_232 = arith.constant 1.000000e+00 : f32
      %jit3A_233 = arith.constant 0.000000e+00 : f32
      %broadcast_in_dim3A_234 = vector.broadcast %jit3A_232 : f32 to vector<16xf32>
      %broadcast_in_dim3A_235 = vector.broadcast %jit3A_233 : f32 to vector<16xf32>
      %select_n3A_236 = arith.select %lt3A_219, %broadcast_in_dim3A_234, %broadcast_in_dim3A_235 : vector<16xi1>, vector<16xf32>
      %add3A_237 = arith.addf %scan3A_152, %select_n3A_236 : vector<16xf32>
      %jit3A_238 = arith.constant 0.000000e+00 : f32
      %broadcast_in_dim3A_239 = vector.broadcast %jit3A_238 : f32 to vector<16xf32>
      %select_n3A_240 = arith.select %gt3A_216, %mul3A_212, %broadcast_in_dim3A_239 : vector<16xi1>, vector<16xf32>
      %add3A_241 = arith.addf %scan3A_153, %select_n3A_240 : vector<16xf32>
      %jit3A_242 = arith.constant 0.000000e+00 : f32
      %broadcast_in_dim3A_243 = vector.broadcast %jit3A_242 : f32 to vector<16xf32>
      %select_n3A_244 = arith.select %lt3A_219, %mul3A_212, %broadcast_in_dim3A_243 : vector<16xi1>, vector<16xf32>
      %add3A_245 = arith.addf %scan3A_154, %select_n3A_244 : vector<16xf32>
      %jit3A_246 = arith.constant 1.000000e+00 : f32
      %jit3A_247 = arith.constant 0.000000e+00 : f32
      %broadcast_in_dim3A_248 = vector.broadcast %jit3A_246 : f32 to vector<16xf32>
      %broadcast_in_dim3A_249 = vector.broadcast %jit3A_247 : f32 to vector<16xf32>
      %select_n3A_250 = arith.select %gt3A_222, %broadcast_in_dim3A_248, %broadcast_in_dim3A_249 : vector<16xi1>, vector<16xf32>
      %add3A_251 = arith.addf %scan3A_155, %select_n3A_250 : vector<16xf32>
      %jit3A_252 = arith.constant 1.000000e+00 : f32
      %jit3A_253 = arith.constant 0.000000e+00 : f32
      %broadcast_in_dim3A_254 = vector.broadcast %jit3A_252 : f32 to vector<16xf32>
      %broadcast_in_dim3A_255 = vector.broadcast %jit3A_253 : f32 to vector<16xf32>
      %select_n3A_256 = arith.select %lt3A_225, %broadcast_in_dim3A_254, %broadcast_in_dim3A_255 : vector<16xi1>, vector<16xf32>
      %add3A_257 = arith.addf %scan3A_156, %select_n3A_256 : vector<16xf32>
      %jit3A_258 = arith.constant 0.000000e+00 : f32
      %broadcast_in_dim3A_259 = vector.broadcast %jit3A_258 : f32 to vector<16xf32>
      %select_n3A_260 = arith.select %gt3A_222, %mul3A_214, %broadcast_in_dim3A_259 : vector<16xi1>, vector<16xf32>
      %add3A_261 = arith.addf %scan3A_157, %select_n3A_260 : vector<16xf32>
      %jit3A_262 = arith.constant 0.000000e+00 : f32
      %broadcast_in_dim3A_263 = vector.broadcast %jit3A_262 : f32 to vector<16xf32>
      %select_n3A_264 = arith.select %lt3A_225, %mul3A_214, %broadcast_in_dim3A_263 : vector<16xi1>, vector<16xf32>
      %add3A_265 = arith.addf %scan3A_158, %select_n3A_264 : vector<16xf32>
      %add3A_266 = arith.constant 16 : i32
      %add3A_267 = arith.addi %mul3A_192, %add3A_266 : i32
      %get3A_268 = arith.index_cast %select_n3A_175 : i32 to index
      %get3A_269 = arith.index_cast %add3A_267 : i32 to index
      %get3A_270 = tpu.vector_load %arg8[%get3A_268, %get3A_269] {strides = array<i32>} : memref<8x384xf32, #tpu.memory_space<vmem>>, vector<16xf32>,
      %get3A_271 = arith.index_cast %select_n3A_175 : i32 to index
      %get3A_272 = arith.index_cast %add3A_267 : i32 to index
      %get3A_273 = tpu.vector_load %arg9[%get3A_271, %get3A_272] {strides = array<i32>} : memref<8x384xf32, #tpu.memory_space<vmem>>, vector<16xf32>,
      %get3A_274 = arith.index_cast %select_n3A_175 : i32 to index
      %get3A_275 = arith.index_cast %add3A_267 : i32 to index
      %get3A_276 = tpu.vector_load %arg12[%get3A_274, %get3A_275] {strides = array<i32>} : memref<8x384xf32, #tpu.memory_space<vmem>>, vector<16xf32>,
      %get3A_277 = arith.index_cast %select_n3A_175 : i32 to index
      %get3A_278 = arith.index_cast %add3A_267 : i32 to index
      %get3A_279 = tpu.vector_load %arg10[%get3A_277, %get3A_278] {strides = array<i32>} : memref<8x384xf32, #tpu.memory_space<vmem>>, vector<16xf32>,
      %sub3A_280 = arith.subf %get3A_279, %get3A_270 : vector<16xf32>
      %get3A_281 = arith.index_cast %select_n3A_175 : i32 to index
      %get3A_282 = arith.index_cast %add3A_267 : i32 to index
      %get3A_283 = tpu.vector_load %arg11[%get3A_281, %get3A_282] {strides = array<i32>} : memref<8x384xf32, #tpu.memory_space<vmem>>, vector<16xf32>,
      %sub3A_284 = arith.subf %get3A_283, %get3A_273 : vector<16xf32>
      %mul3A_285 = arith.mulf %sub3A_280, %sub3A_280 : vector<16xf32>
      %mul3A_286 = arith.mulf %mul3A_285, %get3A_276 : vector<16xf32>
      %mul3A_287 = arith.mulf %sub3A_284, %sub3A_284 : vector<16xf32>
      %mul3A_288 = arith.mulf %mul3A_287, %get3A_276 : vector<16xf32>
      %gt3A_289 = arith.constant 1.000000e-01 : f32
      %gt3A_290 = vector.broadcast %gt3A_289 : f32 to vector<16xf32>
      %gt3A_291 = arith.cmpf ogt, %get3A_270, %gt3A_290 : vector<16xf32>
      %lt3A_292 = arith.constant 1.000000e-01 : f32
      %lt3A_293 = vector.broadcast %lt3A_292 : f32 to vector<16xf32>
      %lt3A_294 = arith.cmpf olt, %get3A_270, %lt3A_293 : vector<16xf32>
      %gt3A_295 = arith.constant 1.000000e-01 : f32
      %gt3A_296 = vector.broadcast %gt3A_295 : f32 to vector<16xf32>
      %gt3A_297 = arith.cmpf ogt, %get3A_273, %gt3A_296 : vector<16xf32>
      %lt3A_298 = arith.constant 1.000000e-01 : f32
      %lt3A_299 = vector.broadcast %lt3A_298 : f32 to vector<16xf32>
      %lt3A_300 = arith.cmpf olt, %get3A_273, %lt3A_299 : vector<16xf32>
      %jit3A_301 = arith.constant 1.000000e+00 : f32
      %jit3A_302 = arith.constant 0.000000e+00 : f32
      %broadcast_in_dim3A_303 = vector.broadcast %jit3A_301 : f32 to vector<16xf32>
      %broadcast_in_dim3A_304 = vector.broadcast %jit3A_302 : f32 to vector<16xf32>
      %select_n3A_305 = arith.select %gt3A_291, %broadcast_in_dim3A_303, %broadcast_in_dim3A_304 : vector<16xi1>, vector<16xf32>
      %add3A_306 = arith.addf %add3A_231, %select_n3A_305 : vector<16xf32>
      %jit3A_307 = arith.constant 1.000000e+00 : f32
      %jit3A_308 = arith.constant 0.000000e+00 : f32
      %broadcast_in_dim3A_309 = vector.broadcast %jit3A_307 : f32 to vector<16xf32>
      %broadcast_in_dim3A_310 = vector.broadcast %jit3A_308 : f32 to vector<16xf32>
      %select_n3A_311 = arith.select %lt3A_294, %broadcast_in_dim3A_309, %broadcast_in_dim3A_310 : vector<16xi1>, vector<16xf32>
      %add3A_312 = arith.addf %add3A_237, %select_n3A_311 : vector<16xf32>
      %jit3A_313 = arith.constant 0.000000e+00 : f32
      %broadcast_in_dim3A_314 = vector.broadcast %jit3A_313 : f32 to vector<16xf32>
      %select_n3A_315 = arith.select %gt3A_291, %mul3A_286, %broadcast_in_dim3A_314 : vector<16xi1>, vector<16xf32>
      %add3A_316 = arith.addf %add3A_241, %select_n3A_315 : vector<16xf32>
      %jit3A_317 = arith.constant 0.000000e+00 : f32
      %broadcast_in_dim3A_318 = vector.broadcast %jit3A_317 : f32 to vector<16xf32>
      %select_n3A_319 = arith.select %lt3A_294, %mul3A_286, %broadcast_in_dim3A_318 : vector<16xi1>, vector<16xf32>
      %add3A_320 = arith.addf %add3A_245, %select_n3A_319 : vector<16xf32>
      %jit3A_321 = arith.constant 1.000000e+00 : f32
      %jit3A_322 = arith.constant 0.000000e+00 : f32
      %broadcast_in_dim3A_323 = vector.broadcast %jit3A_321 : f32 to vector<16xf32>
      %broadcast_in_dim3A_324 = vector.broadcast %jit3A_322 : f32 to vector<16xf32>
      %select_n3A_325 = arith.select %gt3A_297, %broadcast_in_dim3A_323, %broadcast_in_dim3A_324 : vector<16xi1>, vector<16xf32>
      %add3A_326 = arith.addf %add3A_251, %select_n3A_325 : vector<16xf32>
      %jit3A_327 = arith.constant 1.000000e+00 : f32
      %jit3A_328 = arith.constant 0.000000e+00 : f32
      %broadcast_in_dim3A_329 = vector.broadcast %jit3A_327 : f32 to vector<16xf32>
      %broadcast_in_dim3A_330 = vector.broadcast %jit3A_328 : f32 to vector<16xf32>
      %select_n3A_331 = arith.select %lt3A_300, %broadcast_in_dim3A_329, %broadcast_in_dim3A_330 : vector<16xi1>, vector<16xf32>
      %add3A_332 = arith.addf %add3A_257, %select_n3A_331 : vector<16xf32>
      %jit3A_333 = arith.constant 0.000000e+00 : f32
      %broadcast_in_dim3A_334 = vector.broadcast %jit3A_333 : f32 to vector<16xf32>
      %select_n3A_335 = arith.select %gt3A_297, %mul3A_288, %broadcast_in_dim3A_334 : vector<16xi1>, vector<16xf32>
      %add3A_336 = arith.addf %add3A_261, %select_n3A_335 : vector<16xf32>
      %jit3A_337 = arith.constant 0.000000e+00 : f32
      %broadcast_in_dim3A_338 = vector.broadcast %jit3A_337 : f32 to vector<16xf32>
      %select_n3A_339 = arith.select %lt3A_300, %mul3A_288, %broadcast_in_dim3A_338 : vector<16xi1>, vector<16xf32>
      %add3A_340 = arith.addf %add3A_265, %select_n3A_339 : vector<16xf32>
      %add3A_341 = arith.constant 32 : i32
      %add3A_342 = arith.addi %mul3A_192, %add3A_341 : i32
      %get3A_343 = arith.index_cast %select_n3A_175 : i32 to index
      %get3A_344 = arith.index_cast %add3A_342 : i32 to index
      %get3A_345 = tpu.vector_load %arg8[%get3A_343, %get3A_344] {strides = array<i32>} : memref<8x384xf32, #tpu.memory_space<vmem>>, vector<16xf32>,
      %get3A_346 = arith.index_cast %select_n3A_175 : i32 to index
      %get3A_347 = arith.index_cast %add3A_342 : i32 to index
      %get3A_348 = tpu.vector_load %arg9[%get3A_346, %get3A_347] {strides = array<i32>} : memref<8x384xf32, #tpu.memory_space<vmem>>, vector<16xf32>,
      %get3A_349 = arith.index_cast %select_n3A_175 : i32 to index
      %get3A_350 = arith.index_cast %add3A_342 : i32 to index
      %get3A_351 = tpu.vector_load %arg12[%get3A_349, %get3A_350] {strides = array<i32>} : memref<8x384xf32, #tpu.memory_space<vmem>>, vector<16xf32>,
      %get3A_352 = arith.index_cast %select_n3A_175 : i32 to index
      %get3A_353 = arith.index_cast %add3A_342 : i32 to index
      %get3A_354 = tpu.vector_load %arg10[%get3A_352, %get3A_353] {strides = array<i32>} : memref<8x384xf32, #tpu.memory_space<vmem>>, vector<16xf32>,
      %sub3A_355 = arith.subf %get3A_354, %get3A_345 : vector<16xf32>
      %get3A_356 = arith.index_cast %select_n3A_175 : i32 to index
      %get3A_357 = arith.index_cast %add3A_342 : i32 to index
      %get3A_358 = tpu.vector_load %arg11[%get3A_356, %get3A_357] {strides = array<i32>} : memref<8x384xf32, #tpu.memory_space<vmem>>, vector<16xf32>,
      %sub3A_359 = arith.subf %get3A_358, %get3A_348 : vector<16xf32>
      %mul3A_360 = arith.mulf %sub3A_355, %sub3A_355 : vector<16xf32>
      %mul3A_361 = arith.mulf %mul3A_360, %get3A_351 : vector<16xf32>
      %mul3A_362 = arith.mulf %sub3A_359, %sub3A_359 : vector<16xf32>
      %mul3A_363 = arith.mulf %mul3A_362, %get3A_351 : vector<16xf32>
      %gt3A_364 = arith.constant 1.000000e-01 : f32
      %gt3A_365 = vector.broadcast %gt3A_364 : f32 to vector<16xf32>
      %gt3A_366 = arith.cmpf ogt, %get3A_345, %gt3A_365 : vector<16xf32>
      %lt3A_367 = arith.constant 1.000000e-01 : f32
      %lt3A_368 = vector.broadcast %lt3A_367 : f32 to vector<16xf32>
      %lt3A_369 = arith.cmpf olt, %get3A_345, %lt3A_368 : vector<16xf32>
      %gt3A_370 = arith.constant 1.000000e-01 : f32
      %gt3A_371 = vector.broadcast %gt3A_370 : f32 to vector<16xf32>
      %gt3A_372 = arith.cmpf ogt, %get3A_348, %gt3A_371 : vector<16xf32>
      %lt3A_373 = arith.constant 1.000000e-01 : f32
      %lt3A_374 = vector.broadcast %lt3A_373 : f32 to vector<16xf32>
      %lt3A_375 = arith.cmpf olt, %get3A_348, %lt3A_374 : vector<16xf32>
      %jit3A_376 = arith.constant 1.000000e+00 : f32
      %jit3A_377 = arith.constant 0.000000e+00 : f32
      %broadcast_in_dim3A_378 = vector.broadcast %jit3A_376 : f32 to vector<16xf32>
      %broadcast_in_dim3A_379 = vector.broadcast %jit3A_377 : f32 to vector<16xf32>
      %select_n3A_380 = arith.select %gt3A_366, %broadcast_in_dim3A_378, %broadcast_in_dim3A_379 : vector<16xi1>, vector<16xf32>
      %add3A_381 = arith.addf %add3A_306, %select_n3A_380 : vector<16xf32>
      %jit3A_382 = arith.constant 1.000000e+00 : f32
      %jit3A_383 = arith.constant 0.000000e+00 : f32
      %broadcast_in_dim3A_384 = vector.broadcast %jit3A_382 : f32 to vector<16xf32>
      %broadcast_in_dim3A_385 = vector.broadcast %jit3A_383 : f32 to vector<16xf32>
      %select_n3A_386 = arith.select %lt3A_369, %broadcast_in_dim3A_384, %broadcast_in_dim3A_385 : vector<16xi1>, vector<16xf32>
      %add3A_387 = arith.addf %add3A_312, %select_n3A_386 : vector<16xf32>
      %jit3A_388 = arith.constant 0.000000e+00 : f32
      %broadcast_in_dim3A_389 = vector.broadcast %jit3A_388 : f32 to vector<16xf32>
      %select_n3A_390 = arith.select %gt3A_366, %mul3A_361, %broadcast_in_dim3A_389 : vector<16xi1>, vector<16xf32>
      %add3A_391 = arith.addf %add3A_316, %select_n3A_390 : vector<16xf32>
      %jit3A_392 = arith.constant 0.000000e+00 : f32
      %broadcast_in_dim3A_393 = vector.broadcast %jit3A_392 : f32 to vector<16xf32>
      %select_n3A_394 = arith.select %lt3A_369, %mul3A_361, %broadcast_in_dim3A_393 : vector<16xi1>, vector<16xf32>
      %add3A_395 = arith.addf %add3A_320, %select_n3A_394 : vector<16xf32>
      %jit3A_396 = arith.constant 1.000000e+00 : f32
      %jit3A_397 = arith.constant 0.000000e+00 : f32
      %broadcast_in_dim3A_398 = vector.broadcast %jit3A_396 : f32 to vector<16xf32>
      %broadcast_in_dim3A_399 = vector.broadcast %jit3A_397 : f32 to vector<16xf32>
      %select_n3A_400 = arith.select %gt3A_372, %broadcast_in_dim3A_398, %broadcast_in_dim3A_399 : vector<16xi1>, vector<16xf32>
      %add3A_401 = arith.addf %add3A_326, %select_n3A_400 : vector<16xf32>
      %jit3A_402 = arith.constant 1.000000e+00 : f32
      %jit3A_403 = arith.constant 0.000000e+00 : f32
      %broadcast_in_dim3A_404 = vector.broadcast %jit3A_402 : f32 to vector<16xf32>
      %broadcast_in_dim3A_405 = vector.broadcast %jit3A_403 : f32 to vector<16xf32>
      %select_n3A_406 = arith.select %lt3A_375, %broadcast_in_dim3A_404, %broadcast_in_dim3A_405 : vector<16xi1>, vector<16xf32>
      %add3A_407 = arith.addf %add3A_332, %select_n3A_406 : vector<16xf32>
      %jit3A_408 = arith.constant 0.000000e+00 : f32
      %broadcast_in_dim3A_409 = vector.broadcast %jit3A_408 : f32 to vector<16xf32>
      %select_n3A_410 = arith.select %gt3A_372, %mul3A_363, %broadcast_in_dim3A_409 : vector<16xi1>, vector<16xf32>
      %add3A_411 = arith.addf %add3A_336, %select_n3A_410 : vector<16xf32>
      %jit3A_412 = arith.constant 0.000000e+00 : f32
      %broadcast_in_dim3A_413 = vector.broadcast %jit3A_412 : f32 to vector<16xf32>
      %select_n3A_414 = arith.select %lt3A_375, %mul3A_363, %broadcast_in_dim3A_413 : vector<16xi1>, vector<16xf32>
      %add3A_415 = arith.addf %add3A_340, %select_n3A_414 : vector<16xf32>
      %add3A_416 = arith.constant 48 : i32
      %add3A_417 = arith.addi %mul3A_192, %add3A_416 : i32
      %get3A_418 = arith.index_cast %select_n3A_175 : i32 to index
      %get3A_419 = arith.index_cast %add3A_417 : i32 to index
      %get3A_420 = tpu.vector_load %arg8[%get3A_418, %get3A_419] {strides = array<i32>} : memref<8x384xf32, #tpu.memory_space<vmem>>, vector<16xf32>,
      %get3A_421 = arith.index_cast %select_n3A_175 : i32 to index
      %get3A_422 = arith.index_cast %add3A_417 : i32 to index
      %get3A_423 = tpu.vector_load %arg9[%get3A_421, %get3A_422] {strides = array<i32>} : memref<8x384xf32, #tpu.memory_space<vmem>>, vector<16xf32>,
      %get3A_424 = arith.index_cast %select_n3A_175 : i32 to index
      %get3A_425 = arith.index_cast %add3A_417 : i32 to index
      %get3A_426 = tpu.vector_load %arg12[%get3A_424, %get3A_425] {strides = array<i32>} : memref<8x384xf32, #tpu.memory_space<vmem>>, vector<16xf32>,
      %get3A_427 = arith.index_cast %select_n3A_175 : i32 to index
      %get3A_428 = arith.index_cast %add3A_417 : i32 to index
      %get3A_429 = tpu.vector_load %arg10[%get3A_427, %get3A_428] {strides = array<i32>} : memref<8x384xf32, #tpu.memory_space<vmem>>, vector<16xf32>,
      %sub3A_430 = arith.subf %get3A_429, %get3A_420 : vector<16xf32>
      %get3A_431 = arith.index_cast %select_n3A_175 : i32 to index
      %get3A_432 = arith.index_cast %add3A_417 : i32 to index
      %get3A_433 = tpu.vector_load %arg11[%get3A_431, %get3A_432] {strides = array<i32>} : memref<8x384xf32, #tpu.memory_space<vmem>>, vector<16xf32>,
      %sub3A_434 = arith.subf %get3A_433, %get3A_423 : vector<16xf32>
      %mul3A_435 = arith.mulf %sub3A_430, %sub3A_430 : vector<16xf32>
      %mul3A_436 = arith.mulf %mul3A_435, %get3A_426 : vector<16xf32>
      %mul3A_437 = arith.mulf %sub3A_434, %sub3A_434 : vector<16xf32>
      %mul3A_438 = arith.mulf %mul3A_437, %get3A_426 : vector<16xf32>
      %gt3A_439 = arith.constant 1.000000e-01 : f32
      %gt3A_440 = vector.broadcast %gt3A_439 : f32 to vector<16xf32>
      %gt3A_441 = arith.cmpf ogt, %get3A_420, %gt3A_440 : vector<16xf32>
      %lt3A_442 = arith.constant 1.000000e-01 : f32
      %lt3A_443 = vector.broadcast %lt3A_442 : f32 to vector<16xf32>
      %lt3A_444 = arith.cmpf olt, %get3A_420, %lt3A_443 : vector<16xf32>
      %gt3A_445 = arith.constant 1.000000e-01 : f32
      %gt3A_446 = vector.broadcast %gt3A_445 : f32 to vector<16xf32>
      %gt3A_447 = arith.cmpf ogt, %get3A_423, %gt3A_446 : vector<16xf32>
      %lt3A_448 = arith.constant 1.000000e-01 : f32
      %lt3A_449 = vector.broadcast %lt3A_448 : f32 to vector<16xf32>
      %lt3A_450 = arith.cmpf olt, %get3A_423, %lt3A_449 : vector<16xf32>
      %jit3A_451 = arith.constant 1.000000e+00 : f32
      %jit3A_452 = arith.constant 0.000000e+00 : f32
      %broadcast_in_dim3A_453 = vector.broadcast %jit3A_451 : f32 to vector<16xf32>
      %broadcast_in_dim3A_454 = vector.broadcast %jit3A_452 : f32 to vector<16xf32>
      %select_n3A_455 = arith.select %gt3A_441, %broadcast_in_dim3A_453, %broadcast_in_dim3A_454 : vector<16xi1>, vector<16xf32>
      %add3A_456 = arith.addf %add3A_381, %select_n3A_455 : vector<16xf32>
      %jit3A_457 = arith.constant 1.000000e+00 : f32
      %jit3A_458 = arith.constant 0.000000e+00 : f32
      %broadcast_in_dim3A_459 = vector.broadcast %jit3A_457 : f32 to vector<16xf32>
      %broadcast_in_dim3A_460 = vector.broadcast %jit3A_458 : f32 to vector<16xf32>
      %select_n3A_461 = arith.select %lt3A_444, %broadcast_in_dim3A_459, %broadcast_in_dim3A_460 : vector<16xi1>, vector<16xf32>
      %add3A_462 = arith.addf %add3A_387, %select_n3A_461 : vector<16xf32>
      %jit3A_463 = arith.constant 0.000000e+00 : f32
      %broadcast_in_dim3A_464 = vector.broadcast %jit3A_463 : f32 to vector<16xf32>
      %select_n3A_465 = arith.select %gt3A_441, %mul3A_436, %broadcast_in_dim3A_464 : vector<16xi1>, vector<16xf32>
      %add3A_466 = arith.addf %add3A_391, %select_n3A_465 : vector<16xf32>
      %jit3A_467 = arith.constant 0.000000e+00 : f32
      %broadcast_in_dim3A_468 = vector.broadcast %jit3A_467 : f32 to vector<16xf32>
      %select_n3A_469 = arith.select %lt3A_444, %mul3A_436, %broadcast_in_dim3A_468 : vector<16xi1>, vector<16xf32>
      %add3A_470 = arith.addf %add3A_395, %select_n3A_469 : vector<16xf32>
      %jit3A_471 = arith.constant 1.000000e+00 : f32
      %jit3A_472 = arith.constant 0.000000e+00 : f32
      %broadcast_in_dim3A_473 = vector.broadcast %jit3A_471 : f32 to vector<16xf32>
      %broadcast_in_dim3A_474 = vector.broadcast %jit3A_472 : f32 to vector<16xf32>
      %select_n3A_475 = arith.select %gt3A_447, %broadcast_in_dim3A_473, %broadcast_in_dim3A_474 : vector<16xi1>, vector<16xf32>
      %add3A_476 = arith.addf %add3A_401, %select_n3A_475 : vector<16xf32>
      %jit3A_477 = arith.constant 1.000000e+00 : f32
      %jit3A_478 = arith.constant 0.000000e+00 : f32
      %broadcast_in_dim3A_479 = vector.broadcast %jit3A_477 : f32 to vector<16xf32>
      %broadcast_in_dim3A_480 = vector.broadcast %jit3A_478 : f32 to vector<16xf32>
      %select_n3A_481 = arith.select %lt3A_450, %broadcast_in_dim3A_479, %broadcast_in_dim3A_480 : vector<16xi1>, vector<16xf32>
      %add3A_482 = arith.addf %add3A_407, %select_n3A_481 : vector<16xf32>
      %jit3A_483 = arith.constant 0.000000e+00 : f32
      %broadcast_in_dim3A_484 = vector.broadcast %jit3A_483 : f32 to vector<16xf32>
      %select_n3A_485 = arith.select %gt3A_447, %mul3A_438, %broadcast_in_dim3A_484 : vector<16xi1>, vector<16xf32>
      %add3A_486 = arith.addf %add3A_411, %select_n3A_485 : vector<16xf32>
      %jit3A_487 = arith.constant 0.000000e+00 : f32
      %broadcast_in_dim3A_488 = vector.broadcast %jit3A_487 : f32 to vector<16xf32>
      %select_n3A_489 = arith.select %lt3A_450, %mul3A_438, %broadcast_in_dim3A_488 : vector<16xi1>, vector<16xf32>
      %add3A_490 = arith.addf %add3A_415, %select_n3A_489 : vector<16xf32>
      %add3A_491 = arith.constant 64 : i32
      %add3A_492 = arith.addi %mul3A_192, %add3A_491 : i32
      %get3A_493 = arith.index_cast %select_n3A_175 : i32 to index
      %get3A_494 = arith.index_cast %add3A_492 : i32 to index
      %get3A_495 = tpu.vector_load %arg8[%get3A_493, %get3A_494] {strides = array<i32>} : memref<8x384xf32, #tpu.memory_space<vmem>>, vector<16xf32>,
      %get3A_496 = arith.index_cast %select_n3A_175 : i32 to index
      %get3A_497 = arith.index_cast %add3A_492 : i32 to index
      %get3A_498 = tpu.vector_load %arg9[%get3A_496, %get3A_497] {strides = array<i32>} : memref<8x384xf32, #tpu.memory_space<vmem>>, vector<16xf32>,
      %get3A_499 = arith.index_cast %select_n3A_175 : i32 to index
      %get3A_500 = arith.index_cast %add3A_492 : i32 to index
      %get3A_501 = tpu.vector_load %arg12[%get3A_499, %get3A_500] {strides = array<i32>} : memref<8x384xf32, #tpu.memory_space<vmem>>, vector<16xf32>,
      %get3A_502 = arith.index_cast %select_n3A_175 : i32 to index
      %get3A_503 = arith.index_cast %add3A_492 : i32 to index
      %get3A_504 = tpu.vector_load %arg10[%get3A_502, %get3A_503] {strides = array<i32>} : memref<8x384xf32, #tpu.memory_space<vmem>>, vector<16xf32>,
      %sub3A_505 = arith.subf %get3A_504, %get3A_495 : vector<16xf32>
      %get3A_506 = arith.index_cast %select_n3A_175 : i32 to index
      %get3A_507 = arith.index_cast %add3A_492 : i32 to index
      %get3A_508 = tpu.vector_load %arg11[%get3A_506, %get3A_507] {strides = array<i32>} : memref<8x384xf32, #tpu.memory_space<vmem>>, vector<16xf32>,
      %sub3A_509 = arith.subf %get3A_508, %get3A_498 : vector<16xf32>
      %mul3A_510 = arith.mulf %sub3A_505, %sub3A_505 : vector<16xf32>
      %mul3A_511 = arith.mulf %mul3A_510, %get3A_501 : vector<16xf32>
      %mul3A_512 = arith.mulf %sub3A_509, %sub3A_509 : vector<16xf32>
      %mul3A_513 = arith.mulf %mul3A_512, %get3A_501 : vector<16xf32>
      %gt3A_514 = arith.constant 1.000000e-01 : f32
      %gt3A_515 = vector.broadcast %gt3A_514 : f32 to vector<16xf32>
      %gt3A_516 = arith.cmpf ogt, %get3A_495, %gt3A_515 : vector<16xf32>
      %lt3A_517 = arith.constant 1.000000e-01 : f32
      %lt3A_518 = vector.broadcast %lt3A_517 : f32 to vector<16xf32>
      %lt3A_519 = arith.cmpf olt, %get3A_495, %lt3A_518 : vector<16xf32>
      %gt3A_520 = arith.constant 1.000000e-01 : f32
      %gt3A_521 = vector.broadcast %gt3A_520 : f32 to vector<16xf32>
      %gt3A_522 = arith.cmpf ogt, %get3A_498, %gt3A_521 : vector<16xf32>
      %lt3A_523 = arith.constant 1.000000e-01 : f32
      %lt3A_524 = vector.broadcast %lt3A_523 : f32 to vector<16xf32>
      %lt3A_525 = arith.cmpf olt, %get3A_498, %lt3A_524 : vector<16xf32>
      %jit3A_526 = arith.constant 1.000000e+00 : f32
      %jit3A_527 = arith.constant 0.000000e+00 : f32
      %broadcast_in_dim3A_528 = vector.broadcast %jit3A_526 : f32 to vector<16xf32>
      %broadcast_in_dim3A_529 = vector.broadcast %jit3A_527 : f32 to vector<16xf32>
      %select_n3A_530 = arith.select %gt3A_516, %broadcast_in_dim3A_528, %broadcast_in_dim3A_529 : vector<16xi1>, vector<16xf32>
      %add3A_531 = arith.addf %add3A_456, %select_n3A_530 : vector<16xf32>
      %jit3A_532 = arith.constant 1.000000e+00 : f32
      %jit3A_533 = arith.constant 0.000000e+00 : f32
      %broadcast_in_dim3A_534 = vector.broadcast %jit3A_532 : f32 to vector<16xf32>
      %broadcast_in_dim3A_535 = vector.broadcast %jit3A_533 : f32 to vector<16xf32>
      %select_n3A_536 = arith.select %lt3A_519, %broadcast_in_dim3A_534, %broadcast_in_dim3A_535 : vector<16xi1>, vector<16xf32>
      %add3A_537 = arith.addf %add3A_462, %select_n3A_536 : vector<16xf32>
      %jit3A_538 = arith.constant 0.000000e+00 : f32
      %broadcast_in_dim3A_539 = vector.broadcast %jit3A_538 : f32 to vector<16xf32>
      %select_n3A_540 = arith.select %gt3A_516, %mul3A_511, %broadcast_in_dim3A_539 : vector<16xi1>, vector<16xf32>
      %add3A_541 = arith.addf %add3A_466, %select_n3A_540 : vector<16xf32>
      %jit3A_542 = arith.constant 0.000000e+00 : f32
      %broadcast_in_dim3A_543 = vector.broadcast %jit3A_542 : f32 to vector<16xf32>
      %select_n3A_544 = arith.select %lt3A_519, %mul3A_511, %broadcast_in_dim3A_543 : vector<16xi1>, vector<16xf32>
      %add3A_545 = arith.addf %add3A_470, %select_n3A_544 : vector<16xf32>
      %jit3A_546 = arith.constant 1.000000e+00 : f32
      %jit3A_547 = arith.constant 0.000000e+00 : f32
      %broadcast_in_dim3A_548 = vector.broadcast %jit3A_546 : f32 to vector<16xf32>
      %broadcast_in_dim3A_549 = vector.broadcast %jit3A_547 : f32 to vector<16xf32>
      %select_n3A_550 = arith.select %gt3A_522, %broadcast_in_dim3A_548, %broadcast_in_dim3A_549 : vector<16xi1>, vector<16xf32>
      %add3A_551 = arith.addf %add3A_476, %select_n3A_550 : vector<16xf32>
      %jit3A_552 = arith.constant 1.000000e+00 : f32
      %jit3A_553 = arith.constant 0.000000e+00 : f32
      %broadcast_in_dim3A_554 = vector.broadcast %jit3A_552 : f32 to vector<16xf32>
      %broadcast_in_dim3A_555 = vector.broadcast %jit3A_553 : f32 to vector<16xf32>
      %select_n3A_556 = arith.select %lt3A_525, %broadcast_in_dim3A_554, %broadcast_in_dim3A_555 : vector<16xi1>, vector<16xf32>
      %add3A_557 = arith.addf %add3A_482, %select_n3A_556 : vector<16xf32>
      %jit3A_558 = arith.constant 0.000000e+00 : f32
      %broadcast_in_dim3A_559 = vector.broadcast %jit3A_558 : f32 to vector<16xf32>
      %select_n3A_560 = arith.select %gt3A_522, %mul3A_513, %broadcast_in_dim3A_559 : vector<16xi1>, vector<16xf32>
      %add3A_561 = arith.addf %add3A_486, %select_n3A_560 : vector<16xf32>
      %jit3A_562 = arith.constant 0.000000e+00 : f32
      %broadcast_in_dim3A_563 = vector.broadcast %jit3A_562 : f32 to vector<16xf32>
      %select_n3A_564 = arith.select %lt3A_525, %mul3A_513, %broadcast_in_dim3A_563 : vector<16xi1>, vector<16xf32>
      %add3A_565 = arith.addf %add3A_490, %select_n3A_564 : vector<16xf32>
      %add3A_566 = arith.constant 80 : i32
      %add3A_567 = arith.addi %mul3A_192, %add3A_566 : i32
      %get3A_568 = arith.index_cast %select_n3A_175 : i32 to index
      %get3A_569 = arith.index_cast %add3A_567 : i32 to index
      %get3A_570 = tpu.vector_load %arg8[%get3A_568, %get3A_569] {strides = array<i32>} : memref<8x384xf32, #tpu.memory_space<vmem>>, vector<16xf32>,
      %get3A_571 = arith.index_cast %select_n3A_175 : i32 to index
      %get3A_572 = arith.index_cast %add3A_567 : i32 to index
      %get3A_573 = tpu.vector_load %arg9[%get3A_571, %get3A_572] {strides = array<i32>} : memref<8x384xf32, #tpu.memory_space<vmem>>, vector<16xf32>,
      %get3A_574 = arith.index_cast %select_n3A_175 : i32 to index
      %get3A_575 = arith.index_cast %add3A_567 : i32 to index
      %get3A_576 = tpu.vector_load %arg12[%get3A_574, %get3A_575] {strides = array<i32>} : memref<8x384xf32, #tpu.memory_space<vmem>>, vector<16xf32>,
      %get3A_577 = arith.index_cast %select_n3A_175 : i32 to index
      %get3A_578 = arith.index_cast %add3A_567 : i32 to index
      %get3A_579 = tpu.vector_load %arg10[%get3A_577, %get3A_578] {strides = array<i32>} : memref<8x384xf32, #tpu.memory_space<vmem>>, vector<16xf32>,
      %sub3A_580 = arith.subf %get3A_579, %get3A_570 : vector<16xf32>
      %get3A_581 = arith.index_cast %select_n3A_175 : i32 to index
      %get3A_582 = arith.index_cast %add3A_567 : i32 to index
      %get3A_583 = tpu.vector_load %arg11[%get3A_581, %get3A_582] {strides = array<i32>} : memref<8x384xf32, #tpu.memory_space<vmem>>, vector<16xf32>,
      %sub3A_584 = arith.subf %get3A_583, %get3A_573 : vector<16xf32>
      %mul3A_585 = arith.mulf %sub3A_580, %sub3A_580 : vector<16xf32>
      %mul3A_586 = arith.mulf %mul3A_585, %get3A_576 : vector<16xf32>
      %mul3A_587 = arith.mulf %sub3A_584, %sub3A_584 : vector<16xf32>
      %mul3A_588 = arith.mulf %mul3A_587, %get3A_576 : vector<16xf32>
      %gt3A_589 = arith.constant 1.000000e-01 : f32
      %gt3A_590 = vector.broadcast %gt3A_589 : f32 to vector<16xf32>
      %gt3A_591 = arith.cmpf ogt, %get3A_570, %gt3A_590 : vector<16xf32>
      %lt3A_592 = arith.constant 1.000000e-01 : f32
      %lt3A_593 = vector.broadcast %lt3A_592 : f32 to vector<16xf32>
      %lt3A_594 = arith.cmpf olt, %get3A_570, %lt3A_593 : vector<16xf32>
      %gt3A_595 = arith.constant 1.000000e-01 : f32
      %gt3A_596 = vector.broadcast %gt3A_595 : f32 to vector<16xf32>
      %gt3A_597 = arith.cmpf ogt, %get3A_573, %gt3A_596 : vector<16xf32>
      %lt3A_598 = arith.constant 1.000000e-01 : f32
      %lt3A_599 = vector.broadcast %lt3A_598 : f32 to vector<16xf32>
      %lt3A_600 = arith.cmpf olt, %get3A_573, %lt3A_599 : vector<16xf32>
      %jit3A_601 = arith.constant 1.000000e+00 : f32
      %jit3A_602 = arith.constant 0.000000e+00 : f32
      %broadcast_in_dim3A_603 = vector.broadcast %jit3A_601 : f32 to vector<16xf32>
      %broadcast_in_dim3A_604 = vector.broadcast %jit3A_602 : f32 to vector<16xf32>
      %select_n3A_605 = arith.select %gt3A_591, %broadcast_in_dim3A_603, %broadcast_in_dim3A_604 : vector<16xi1>, vector<16xf32>
      %add3A_606 = arith.addf %add3A_531, %select_n3A_605 : vector<16xf32>
      %jit3A_607 = arith.constant 1.000000e+00 : f32
      %jit3A_608 = arith.constant 0.000000e+00 : f32
      %broadcast_in_dim3A_609 = vector.broadcast %jit3A_607 : f32 to vector<16xf32>
      %broadcast_in_dim3A_610 = vector.broadcast %jit3A_608 : f32 to vector<16xf32>
      %select_n3A_611 = arith.select %lt3A_594, %broadcast_in_dim3A_609, %broadcast_in_dim3A_610 : vector<16xi1>, vector<16xf32>
      %add3A_612 = arith.addf %add3A_537, %select_n3A_611 : vector<16xf32>
      %jit3A_613 = arith.constant 0.000000e+00 : f32
      %broadcast_in_dim3A_614 = vector.broadcast %jit3A_613 : f32 to vector<16xf32>
      %select_n3A_615 = arith.select %gt3A_591, %mul3A_586, %broadcast_in_dim3A_614 : vector<16xi1>, vector<16xf32>
      %add3A_616 = arith.addf %add3A_541, %select_n3A_615 : vector<16xf32>
      %jit3A_617 = arith.constant 0.000000e+00 : f32
      %broadcast_in_dim3A_618 = vector.broadcast %jit3A_617 : f32 to vector<16xf32>
      %select_n3A_619 = arith.select %lt3A_594, %mul3A_586, %broadcast_in_dim3A_618 : vector<16xi1>, vector<16xf32>
      %add3A_620 = arith.addf %add3A_545, %select_n3A_619 : vector<16xf32>
      %jit3A_621 = arith.constant 1.000000e+00 : f32
      %jit3A_622 = arith.constant 0.000000e+00 : f32
      %broadcast_in_dim3A_623 = vector.broadcast %jit3A_621 : f32 to vector<16xf32>
      %broadcast_in_dim3A_624 = vector.broadcast %jit3A_622 : f32 to vector<16xf32>
      %select_n3A_625 = arith.select %gt3A_597, %broadcast_in_dim3A_623, %broadcast_in_dim3A_624 : vector<16xi1>, vector<16xf32>
      %add3A_626 = arith.addf %add3A_551, %select_n3A_625 : vector<16xf32>
      %jit3A_627 = arith.constant 1.000000e+00 : f32
      %jit3A_628 = arith.constant 0.000000e+00 : f32
      %broadcast_in_dim3A_629 = vector.broadcast %jit3A_627 : f32 to vector<16xf32>
      %broadcast_in_dim3A_630 = vector.broadcast %jit3A_628 : f32 to vector<16xf32>
      %select_n3A_631 = arith.select %lt3A_600, %broadcast_in_dim3A_629, %broadcast_in_dim3A_630 : vector<16xi1>, vector<16xf32>
      %add3A_632 = arith.addf %add3A_557, %select_n3A_631 : vector<16xf32>
      %jit3A_633 = arith.constant 0.000000e+00 : f32
      %broadcast_in_dim3A_634 = vector.broadcast %jit3A_633 : f32 to vector<16xf32>
      %select_n3A_635 = arith.select %gt3A_597, %mul3A_588, %broadcast_in_dim3A_634 : vector<16xi1>, vector<16xf32>
      %add3A_636 = arith.addf %add3A_561, %select_n3A_635 : vector<16xf32>
      %jit3A_637 = arith.constant 0.000000e+00 : f32
      %broadcast_in_dim3A_638 = vector.broadcast %jit3A_637 : f32 to vector<16xf32>
      %select_n3A_639 = arith.select %lt3A_600, %mul3A_588, %broadcast_in_dim3A_638 : vector<16xi1>, vector<16xf32>
      %add3A_640 = arith.addf %add3A_565, %select_n3A_639 : vector<16xf32>
      %add3A_641 = arith.constant 96 : i32
      %add3A_642 = arith.addi %mul3A_192, %add3A_641 : i32
      %get3A_643 = arith.index_cast %select_n3A_175 : i32 to index
      %get3A_644 = arith.index_cast %add3A_642 : i32 to index
      %get3A_645 = tpu.vector_load %arg8[%get3A_643, %get3A_644] {strides = array<i32>} : memref<8x384xf32, #tpu.memory_space<vmem>>, vector<16xf32>,
      %get3A_646 = arith.index_cast %select_n3A_175 : i32 to index
      %get3A_647 = arith.index_cast %add3A_642 : i32 to index
      %get3A_648 = tpu.vector_load %arg9[%get3A_646, %get3A_647] {strides = array<i32>} : memref<8x384xf32, #tpu.memory_space<vmem>>, vector<16xf32>,
      %get3A_649 = arith.index_cast %select_n3A_175 : i32 to index
      %get3A_650 = arith.index_cast %add3A_642 : i32 to index
      %get3A_651 = tpu.vector_load %arg12[%get3A_649, %get3A_650] {strides = array<i32>} : memref<8x384xf32, #tpu.memory_space<vmem>>, vector<16xf32>,
      %get3A_652 = arith.index_cast %select_n3A_175 : i32 to index
      %get3A_653 = arith.index_cast %add3A_642 : i32 to index
      %get3A_654 = tpu.vector_load %arg10[%get3A_652, %get3A_653] {strides = array<i32>} : memref<8x384xf32, #tpu.memory_space<vmem>>, vector<16xf32>,
      %sub3A_655 = arith.subf %get3A_654, %get3A_645 : vector<16xf32>
      %get3A_656 = arith.index_cast %select_n3A_175 : i32 to index
      %get3A_657 = arith.index_cast %add3A_642 : i32 to index
      %get3A_658 = tpu.vector_load %arg11[%get3A_656, %get3A_657] {strides = array<i32>} : memref<8x384xf32, #tpu.memory_space<vmem>>, vector<16xf32>,
      %sub3A_659 = arith.subf %get3A_658, %get3A_648 : vector<16xf32>
      %mul3A_660 = arith.mulf %sub3A_655, %sub3A_655 : vector<16xf32>
      %mul3A_661 = arith.mulf %mul3A_660, %get3A_651 : vector<16xf32>
      %mul3A_662 = arith.mulf %sub3A_659, %sub3A_659 : vector<16xf32>
      %mul3A_663 = arith.mulf %mul3A_662, %get3A_651 : vector<16xf32>
      %gt3A_664 = arith.constant 1.000000e-01 : f32
      %gt3A_665 = vector.broadcast %gt3A_664 : f32 to vector<16xf32>
      %gt3A_666 = arith.cmpf ogt, %get3A_645, %gt3A_665 : vector<16xf32>
      %lt3A_667 = arith.constant 1.000000e-01 : f32
      %lt3A_668 = vector.broadcast %lt3A_667 : f32 to vector<16xf32>
      %lt3A_669 = arith.cmpf olt, %get3A_645, %lt3A_668 : vector<16xf32>
      %gt3A_670 = arith.constant 1.000000e-01 : f32
      %gt3A_671 = vector.broadcast %gt3A_670 : f32 to vector<16xf32>
      %gt3A_672 = arith.cmpf ogt, %get3A_648, %gt3A_671 : vector<16xf32>
      %lt3A_673 = arith.constant 1.000000e-01 : f32
      %lt3A_674 = vector.broadcast %lt3A_673 : f32 to vector<16xf32>
      %lt3A_675 = arith.cmpf olt, %get3A_648, %lt3A_674 : vector<16xf32>
      %jit3A_676 = arith.constant 1.000000e+00 : f32
      %jit3A_677 = arith.constant 0.000000e+00 : f32
      %broadcast_in_dim3A_678 = vector.broadcast %jit3A_676 : f32 to vector<16xf32>
      %broadcast_in_dim3A_679 = vector.broadcast %jit3A_677 : f32 to vector<16xf32>
      %select_n3A_680 = arith.select %gt3A_666, %broadcast_in_dim3A_678, %broadcast_in_dim3A_679 : vector<16xi1>, vector<16xf32>
      %add3A_681 = arith.addf %add3A_606, %select_n3A_680 : vector<16xf32>
      %jit3A_682 = arith.constant 1.000000e+00 : f32
      %jit3A_683 = arith.constant 0.000000e+00 : f32
      %broadcast_in_dim3A_684 = vector.broadcast %jit3A_682 : f32 to vector<16xf32>
      %broadcast_in_dim3A_685 = vector.broadcast %jit3A_683 : f32 to vector<16xf32>
      %select_n3A_686 = arith.select %lt3A_669, %broadcast_in_dim3A_684, %broadcast_in_dim3A_685 : vector<16xi1>, vector<16xf32>
      %add3A_687 = arith.addf %add3A_612, %select_n3A_686 : vector<16xf32>
      %jit3A_688 = arith.constant 0.000000e+00 : f32
      %broadcast_in_dim3A_689 = vector.broadcast %jit3A_688 : f32 to vector<16xf32>
      %select_n3A_690 = arith.select %gt3A_666, %mul3A_661, %broadcast_in_dim3A_689 : vector<16xi1>, vector<16xf32>
      %add3A_691 = arith.addf %add3A_616, %select_n3A_690 : vector<16xf32>
      %jit3A_692 = arith.constant 0.000000e+00 : f32
      %broadcast_in_dim3A_693 = vector.broadcast %jit3A_692 : f32 to vector<16xf32>
      %select_n3A_694 = arith.select %lt3A_669, %mul3A_661, %broadcast_in_dim3A_693 : vector<16xi1>, vector<16xf32>
      %add3A_695 = arith.addf %add3A_620, %select_n3A_694 : vector<16xf32>
      %jit3A_696 = arith.constant 1.000000e+00 : f32
      %jit3A_697 = arith.constant 0.000000e+00 : f32
      %broadcast_in_dim3A_698 = vector.broadcast %jit3A_696 : f32 to vector<16xf32>
      %broadcast_in_dim3A_699 = vector.broadcast %jit3A_697 : f32 to vector<16xf32>
      %select_n3A_700 = arith.select %gt3A_672, %broadcast_in_dim3A_698, %broadcast_in_dim3A_699 : vector<16xi1>, vector<16xf32>
      %add3A_701 = arith.addf %add3A_626, %select_n3A_700 : vector<16xf32>
      %jit3A_702 = arith.constant 1.000000e+00 : f32
      %jit3A_703 = arith.constant 0.000000e+00 : f32
      %broadcast_in_dim3A_704 = vector.broadcast %jit3A_702 : f32 to vector<16xf32>
      %broadcast_in_dim3A_705 = vector.broadcast %jit3A_703 : f32 to vector<16xf32>
      %select_n3A_706 = arith.select %lt3A_675, %broadcast_in_dim3A_704, %broadcast_in_dim3A_705 : vector<16xi1>, vector<16xf32>
      %add3A_707 = arith.addf %add3A_632, %select_n3A_706 : vector<16xf32>
      %jit3A_708 = arith.constant 0.000000e+00 : f32
      %broadcast_in_dim3A_709 = vector.broadcast %jit3A_708 : f32 to vector<16xf32>
      %select_n3A_710 = arith.select %gt3A_672, %mul3A_663, %broadcast_in_dim3A_709 : vector<16xi1>, vector<16xf32>
      %add3A_711 = arith.addf %add3A_636, %select_n3A_710 : vector<16xf32>
      %jit3A_712 = arith.constant 0.000000e+00 : f32
      %broadcast_in_dim3A_713 = vector.broadcast %jit3A_712 : f32 to vector<16xf32>
      %select_n3A_714 = arith.select %lt3A_675, %mul3A_663, %broadcast_in_dim3A_713 : vector<16xi1>, vector<16xf32>
      %add3A_715 = arith.addf %add3A_640, %select_n3A_714 : vector<16xf32>
      %add3A_716 = arith.constant 112 : i32
      %add3A_717 = arith.addi %mul3A_192, %add3A_716 : i32
      %get3A_718 = arith.index_cast %select_n3A_175 : i32 to index
      %get3A_719 = arith.index_cast %add3A_717 : i32 to index
      %get3A_720 = tpu.vector_load %arg8[%get3A_718, %get3A_719] {strides = array<i32>} : memref<8x384xf32, #tpu.memory_space<vmem>>, vector<16xf32>,
      %get3A_721 = arith.index_cast %select_n3A_175 : i32 to index
      %get3A_722 = arith.index_cast %add3A_717 : i32 to index
      %get3A_723 = tpu.vector_load %arg9[%get3A_721, %get3A_722] {strides = array<i32>} : memref<8x384xf32, #tpu.memory_space<vmem>>, vector<16xf32>,
      %get3A_724 = arith.index_cast %select_n3A_175 : i32 to index
      %get3A_725 = arith.index_cast %add3A_717 : i32 to index
      %get3A_726 = tpu.vector_load %arg12[%get3A_724, %get3A_725] {strides = array<i32>} : memref<8x384xf32, #tpu.memory_space<vmem>>, vector<16xf32>,
      %get3A_727 = arith.index_cast %select_n3A_175 : i32 to index
      %get3A_728 = arith.index_cast %add3A_717 : i32 to index
      %get3A_729 = tpu.vector_load %arg10[%get3A_727, %get3A_728] {strides = array<i32>} : memref<8x384xf32, #tpu.memory_space<vmem>>, vector<16xf32>,
      %sub3A_730 = arith.subf %get3A_729, %get3A_720 : vector<16xf32>
      %get3A_731 = arith.index_cast %select_n3A_175 : i32 to index
      %get3A_732 = arith.index_cast %add3A_717 : i32 to index
      %get3A_733 = tpu.vector_load %arg11[%get3A_731, %get3A_732] {strides = array<i32>} : memref<8x384xf32, #tpu.memory_space<vmem>>, vector<16xf32>,
      %sub3A_734 = arith.subf %get3A_733, %get3A_723 : vector<16xf32>
      %mul3A_735 = arith.mulf %sub3A_730, %sub3A_730 : vector<16xf32>
      %mul3A_736 = arith.mulf %mul3A_735, %get3A_726 : vector<16xf32>
      %mul3A_737 = arith.mulf %sub3A_734, %sub3A_734 : vector<16xf32>
      %mul3A_738 = arith.mulf %mul3A_737, %get3A_726 : vector<16xf32>
      %gt3A_739 = arith.constant 1.000000e-01 : f32
      %gt3A_740 = vector.broadcast %gt3A_739 : f32 to vector<16xf32>
      %gt3A_741 = arith.cmpf ogt, %get3A_720, %gt3A_740 : vector<16xf32>
      %lt3A_742 = arith.constant 1.000000e-01 : f32
      %lt3A_743 = vector.broadcast %lt3A_742 : f32 to vector<16xf32>
      %lt3A_744 = arith.cmpf olt, %get3A_720, %lt3A_743 : vector<16xf32>
      %gt3A_745 = arith.constant 1.000000e-01 : f32
      %gt3A_746 = vector.broadcast %gt3A_745 : f32 to vector<16xf32>
      %gt3A_747 = arith.cmpf ogt, %get3A_723, %gt3A_746 : vector<16xf32>
      %lt3A_748 = arith.constant 1.000000e-01 : f32
      %lt3A_749 = vector.broadcast %lt3A_748 : f32 to vector<16xf32>
      %lt3A_750 = arith.cmpf olt, %get3A_723, %lt3A_749 : vector<16xf32>
      %jit3A_751 = arith.constant 1.000000e+00 : f32
      %jit3A_752 = arith.constant 0.000000e+00 : f32
      %broadcast_in_dim3A_753 = vector.broadcast %jit3A_751 : f32 to vector<16xf32>
      %broadcast_in_dim3A_754 = vector.broadcast %jit3A_752 : f32 to vector<16xf32>
      %select_n3A_755 = arith.select %gt3A_741, %broadcast_in_dim3A_753, %broadcast_in_dim3A_754 : vector<16xi1>, vector<16xf32>
      %add3A_756 = arith.addf %add3A_681, %select_n3A_755 : vector<16xf32>
      %jit3A_757 = arith.constant 1.000000e+00 : f32
      %jit3A_758 = arith.constant 0.000000e+00 : f32
      %broadcast_in_dim3A_759 = vector.broadcast %jit3A_757 : f32 to vector<16xf32>
      %broadcast_in_dim3A_760 = vector.broadcast %jit3A_758 : f32 to vector<16xf32>
      %select_n3A_761 = arith.select %lt3A_744, %broadcast_in_dim3A_759, %broadcast_in_dim3A_760 : vector<16xi1>, vector<16xf32>
      %add3A_762 = arith.addf %add3A_687, %select_n3A_761 : vector<16xf32>
      %jit3A_763 = arith.constant 0.000000e+00 : f32
      %broadcast_in_dim3A_764 = vector.broadcast %jit3A_763 : f32 to vector<16xf32>
      %select_n3A_765 = arith.select %gt3A_741, %mul3A_736, %broadcast_in_dim3A_764 : vector<16xi1>, vector<16xf32>
      %add3A_766 = arith.addf %add3A_691, %select_n3A_765 : vector<16xf32>
      %jit3A_767 = arith.constant 0.000000e+00 : f32
      %broadcast_in_dim3A_768 = vector.broadcast %jit3A_767 : f32 to vector<16xf32>
      %select_n3A_769 = arith.select %lt3A_744, %mul3A_736, %broadcast_in_dim3A_768 : vector<16xi1>, vector<16xf32>
      %add3A_770 = arith.addf %add3A_695, %select_n3A_769 : vector<16xf32>
      %jit3A_771 = arith.constant 1.000000e+00 : f32
      %jit3A_772 = arith.constant 0.000000e+00 : f32
      %broadcast_in_dim3A_773 = vector.broadcast %jit3A_771 : f32 to vector<16xf32>
      %broadcast_in_dim3A_774 = vector.broadcast %jit3A_772 : f32 to vector<16xf32>
      %select_n3A_775 = arith.select %gt3A_747, %broadcast_in_dim3A_773, %broadcast_in_dim3A_774 : vector<16xi1>, vector<16xf32>
      %add3A_776 = arith.addf %add3A_701, %select_n3A_775 : vector<16xf32>
      %jit3A_777 = arith.constant 1.000000e+00 : f32
      %jit3A_778 = arith.constant 0.000000e+00 : f32
      %broadcast_in_dim3A_779 = vector.broadcast %jit3A_777 : f32 to vector<16xf32>
      %broadcast_in_dim3A_780 = vector.broadcast %jit3A_778 : f32 to vector<16xf32>
      %select_n3A_781 = arith.select %lt3A_750, %broadcast_in_dim3A_779, %broadcast_in_dim3A_780 : vector<16xi1>, vector<16xf32>
      %add3A_782 = arith.addf %add3A_707, %select_n3A_781 : vector<16xf32>
      %jit3A_783 = arith.constant 0.000000e+00 : f32
      %broadcast_in_dim3A_784 = vector.broadcast %jit3A_783 : f32 to vector<16xf32>
      %select_n3A_785 = arith.select %gt3A_747, %mul3A_738, %broadcast_in_dim3A_784 : vector<16xi1>, vector<16xf32>
      %add3A_786 = arith.addf %add3A_711, %select_n3A_785 : vector<16xf32>
      %jit3A_787 = arith.constant 0.000000e+00 : f32
      %broadcast_in_dim3A_788 = vector.broadcast %jit3A_787 : f32 to vector<16xf32>
      %select_n3A_789 = arith.select %lt3A_750, %mul3A_738, %broadcast_in_dim3A_788 : vector<16xi1>, vector<16xf32>
      %add3A_790 = arith.addf %add3A_715, %select_n3A_789 : vector<16xf32>
      %add3A_791 = arith.constant 128 : i32
      %add3A_792 = arith.addi %mul3A_192, %add3A_791 : i32
      %get3A_793 = arith.index_cast %select_n3A_175 : i32 to index
      %get3A_794 = arith.index_cast %add3A_792 : i32 to index
      %get3A_795 = tpu.vector_load %arg8[%get3A_793, %get3A_794] {strides = array<i32>} : memref<8x384xf32, #tpu.memory_space<vmem>>, vector<16xf32>,
      %get3A_796 = arith.index_cast %select_n3A_175 : i32 to index
      %get3A_797 = arith.index_cast %add3A_792 : i32 to index
      %get3A_798 = tpu.vector_load %arg9[%get3A_796, %get3A_797] {strides = array<i32>} : memref<8x384xf32, #tpu.memory_space<vmem>>, vector<16xf32>,
      %get3A_799 = arith.index_cast %select_n3A_175 : i32 to index
      %get3A_800 = arith.index_cast %add3A_792 : i32 to index
      %get3A_801 = tpu.vector_load %arg12[%get3A_799, %get3A_800] {strides = array<i32>} : memref<8x384xf32, #tpu.memory_space<vmem>>, vector<16xf32>,
      %get3A_802 = arith.index_cast %select_n3A_175 : i32 to index
      %get3A_803 = arith.index_cast %add3A_792 : i32 to index
      %get3A_804 = tpu.vector_load %arg10[%get3A_802, %get3A_803] {strides = array<i32>} : memref<8x384xf32, #tpu.memory_space<vmem>>, vector<16xf32>,
      %sub3A_805 = arith.subf %get3A_804, %get3A_795 : vector<16xf32>
      %get3A_806 = arith.index_cast %select_n3A_175 : i32 to index
      %get3A_807 = arith.index_cast %add3A_792 : i32 to index
      %get3A_808 = tpu.vector_load %arg11[%get3A_806, %get3A_807] {strides = array<i32>} : memref<8x384xf32, #tpu.memory_space<vmem>>, vector<16xf32>,
      %sub3A_809 = arith.subf %get3A_808, %get3A_798 : vector<16xf32>
      %mul3A_810 = arith.mulf %sub3A_805, %sub3A_805 : vector<16xf32>
      %mul3A_811 = arith.mulf %mul3A_810, %get3A_801 : vector<16xf32>
      %mul3A_812 = arith.mulf %sub3A_809, %sub3A_809 : vector<16xf32>
      %mul3A_813 = arith.mulf %mul3A_812, %get3A_801 : vector<16xf32>
      %gt3A_814 = arith.constant 1.000000e-01 : f32
      %gt3A_815 = vector.broadcast %gt3A_814 : f32 to vector<16xf32>
      %gt3A_816 = arith.cmpf ogt, %get3A_795, %gt3A_815 : vector<16xf32>
      %lt3A_817 = arith.constant 1.000000e-01 : f32
      %lt3A_818 = vector.broadcast %lt3A_817 : f32 to vector<16xf32>
      %lt3A_819 = arith.cmpf olt, %get3A_795, %lt3A_818 : vector<16xf32>
      %gt3A_820 = arith.constant 1.000000e-01 : f32
      %gt3A_821 = vector.broadcast %gt3A_820 : f32 to vector<16xf32>
      %gt3A_822 = arith.cmpf ogt, %get3A_798, %gt3A_821 : vector<16xf32>
      %lt3A_823 = arith.constant 1.000000e-01 : f32
      %lt3A_824 = vector.broadcast %lt3A_823 : f32 to vector<16xf32>
      %lt3A_825 = arith.cmpf olt, %get3A_798, %lt3A_824 : vector<16xf32>
      %jit3A_826 = arith.constant 1.000000e+00 : f32
      %jit3A_827 = arith.constant 0.000000e+00 : f32
      %broadcast_in_dim3A_828 = vector.broadcast %jit3A_826 : f32 to vector<16xf32>
      %broadcast_in_dim3A_829 = vector.broadcast %jit3A_827 : f32 to vector<16xf32>
      %select_n3A_830 = arith.select %gt3A_816, %broadcast_in_dim3A_828, %broadcast_in_dim3A_829 : vector<16xi1>, vector<16xf32>
      %add3A_831 = arith.addf %add3A_756, %select_n3A_830 : vector<16xf32>
      %jit3A_832 = arith.constant 1.000000e+00 : f32
      %jit3A_833 = arith.constant 0.000000e+00 : f32
      %broadcast_in_dim3A_834 = vector.broadcast %jit3A_832 : f32 to vector<16xf32>
      %broadcast_in_dim3A_835 = vector.broadcast %jit3A_833 : f32 to vector<16xf32>
      %select_n3A_836 = arith.select %lt3A_819, %broadcast_in_dim3A_834, %broadcast_in_dim3A_835 : vector<16xi1>, vector<16xf32>
      %add3A_837 = arith.addf %add3A_762, %select_n3A_836 : vector<16xf32>
      %jit3A_838 = arith.constant 0.000000e+00 : f32
      %broadcast_in_dim3A_839 = vector.broadcast %jit3A_838 : f32 to vector<16xf32>
      %select_n3A_840 = arith.select %gt3A_816, %mul3A_811, %broadcast_in_dim3A_839 : vector<16xi1>, vector<16xf32>
      %add3A_841 = arith.addf %add3A_766, %select_n3A_840 : vector<16xf32>
      %jit3A_842 = arith.constant 0.000000e+00 : f32
      %broadcast_in_dim3A_843 = vector.broadcast %jit3A_842 : f32 to vector<16xf32>
      %select_n3A_844 = arith.select %lt3A_819, %mul3A_811, %broadcast_in_dim3A_843 : vector<16xi1>, vector<16xf32>
      %add3A_845 = arith.addf %add3A_770, %select_n3A_844 : vector<16xf32>
      %jit3A_846 = arith.constant 1.000000e+00 : f32
      %jit3A_847 = arith.constant 0.000000e+00 : f32
      %broadcast_in_dim3A_848 = vector.broadcast %jit3A_846 : f32 to vector<16xf32>
      %broadcast_in_dim3A_849 = vector.broadcast %jit3A_847 : f32 to vector<16xf32>
      %select_n3A_850 = arith.select %gt3A_822, %broadcast_in_dim3A_848, %broadcast_in_dim3A_849 : vector<16xi1>, vector<16xf32>
      %add3A_851 = arith.addf %add3A_776, %select_n3A_850 : vector<16xf32>
      %jit3A_852 = arith.constant 1.000000e+00 : f32
      %jit3A_853 = arith.constant 0.000000e+00 : f32
      %broadcast_in_dim3A_854 = vector.broadcast %jit3A_852 : f32 to vector<16xf32>
      %broadcast_in_dim3A_855 = vector.broadcast %jit3A_853 : f32 to vector<16xf32>
      %select_n3A_856 = arith.select %lt3A_825, %broadcast_in_dim3A_854, %broadcast_in_dim3A_855 : vector<16xi1>, vector<16xf32>
      %add3A_857 = arith.addf %add3A_782, %select_n3A_856 : vector<16xf32>
      %jit3A_858 = arith.constant 0.000000e+00 : f32
      %broadcast_in_dim3A_859 = vector.broadcast %jit3A_858 : f32 to vector<16xf32>
      %select_n3A_860 = arith.select %gt3A_822, %mul3A_813, %broadcast_in_dim3A_859 : vector<16xi1>, vector<16xf32>
      %add3A_861 = arith.addf %add3A_786, %select_n3A_860 : vector<16xf32>
      %jit3A_862 = arith.constant 0.000000e+00 : f32
      %broadcast_in_dim3A_863 = vector.broadcast %jit3A_862 : f32 to vector<16xf32>
      %select_n3A_864 = arith.select %lt3A_825, %mul3A_813, %broadcast_in_dim3A_863 : vector<16xi1>, vector<16xf32>
      %add3A_865 = arith.addf %add3A_790, %select_n3A_864 : vector<16xf32>
      %add3A_866 = arith.constant 144 : i32
      %add3A_867 = arith.addi %mul3A_192, %add3A_866 : i32
      %get3A_868 = arith.index_cast %select_n3A_175 : i32 to index
      %get3A_869 = arith.index_cast %add3A_867 : i32 to index
      %get3A_870 = tpu.vector_load %arg8[%get3A_868, %get3A_869] {strides = array<i32>} : memref<8x384xf32, #tpu.memory_space<vmem>>, vector<16xf32>,
      %get3A_871 = arith.index_cast %select_n3A_175 : i32 to index
      %get3A_872 = arith.index_cast %add3A_867 : i32 to index
      %get3A_873 = tpu.vector_load %arg9[%get3A_871, %get3A_872] {strides = array<i32>} : memref<8x384xf32, #tpu.memory_space<vmem>>, vector<16xf32>,
      %get3A_874 = arith.index_cast %select_n3A_175 : i32 to index
      %get3A_875 = arith.index_cast %add3A_867 : i32 to index
      %get3A_876 = tpu.vector_load %arg12[%get3A_874, %get3A_875] {strides = array<i32>} : memref<8x384xf32, #tpu.memory_space<vmem>>, vector<16xf32>,
      %get3A_877 = arith.index_cast %select_n3A_175 : i32 to index
      %get3A_878 = arith.index_cast %add3A_867 : i32 to index
      %get3A_879 = tpu.vector_load %arg10[%get3A_877, %get3A_878] {strides = array<i32>} : memref<8x384xf32, #tpu.memory_space<vmem>>, vector<16xf32>,
      %sub3A_880 = arith.subf %get3A_879, %get3A_870 : vector<16xf32>
      %get3A_881 = arith.index_cast %select_n3A_175 : i32 to index
      %get3A_882 = arith.index_cast %add3A_867 : i32 to index
      %get3A_883 = tpu.vector_load %arg11[%get3A_881, %get3A_882] {strides = array<i32>} : memref<8x384xf32, #tpu.memory_space<vmem>>, vector<16xf32>,
      %sub3A_884 = arith.subf %get3A_883, %get3A_873 : vector<16xf32>
      %mul3A_885 = arith.mulf %sub3A_880, %sub3A_880 : vector<16xf32>
      %mul3A_886 = arith.mulf %mul3A_885, %get3A_876 : vector<16xf32>
      %mul3A_887 = arith.mulf %sub3A_884, %sub3A_884 : vector<16xf32>
      %mul3A_888 = arith.mulf %mul3A_887, %get3A_876 : vector<16xf32>
      %gt3A_889 = arith.constant 1.000000e-01 : f32
      %gt3A_890 = vector.broadcast %gt3A_889 : f32 to vector<16xf32>
      %gt3A_891 = arith.cmpf ogt, %get3A_870, %gt3A_890 : vector<16xf32>
      %lt3A_892 = arith.constant 1.000000e-01 : f32
      %lt3A_893 = vector.broadcast %lt3A_892 : f32 to vector<16xf32>
      %lt3A_894 = arith.cmpf olt, %get3A_870, %lt3A_893 : vector<16xf32>
      %gt3A_895 = arith.constant 1.000000e-01 : f32
      %gt3A_896 = vector.broadcast %gt3A_895 : f32 to vector<16xf32>
      %gt3A_897 = arith.cmpf ogt, %get3A_873, %gt3A_896 : vector<16xf32>
      %lt3A_898 = arith.constant 1.000000e-01 : f32
      %lt3A_899 = vector.broadcast %lt3A_898 : f32 to vector<16xf32>
      %lt3A_900 = arith.cmpf olt, %get3A_873, %lt3A_899 : vector<16xf32>
      %jit3A_901 = arith.constant 1.000000e+00 : f32
      %jit3A_902 = arith.constant 0.000000e+00 : f32
      %broadcast_in_dim3A_903 = vector.broadcast %jit3A_901 : f32 to vector<16xf32>
      %broadcast_in_dim3A_904 = vector.broadcast %jit3A_902 : f32 to vector<16xf32>
      %select_n3A_905 = arith.select %gt3A_891, %broadcast_in_dim3A_903, %broadcast_in_dim3A_904 : vector<16xi1>, vector<16xf32>
      %add3A_906 = arith.addf %add3A_831, %select_n3A_905 : vector<16xf32>
      %jit3A_907 = arith.constant 1.000000e+00 : f32
      %jit3A_908 = arith.constant 0.000000e+00 : f32
      %broadcast_in_dim3A_909 = vector.broadcast %jit3A_907 : f32 to vector<16xf32>
      %broadcast_in_dim3A_910 = vector.broadcast %jit3A_908 : f32 to vector<16xf32>
      %select_n3A_911 = arith.select %lt3A_894, %broadcast_in_dim3A_909, %broadcast_in_dim3A_910 : vector<16xi1>, vector<16xf32>
      %add3A_912 = arith.addf %add3A_837, %select_n3A_911 : vector<16xf32>
      %jit3A_913 = arith.constant 0.000000e+00 : f32
      %broadcast_in_dim3A_914 = vector.broadcast %jit3A_913 : f32 to vector<16xf32>
      %select_n3A_915 = arith.select %gt3A_891, %mul3A_886, %broadcast_in_dim3A_914 : vector<16xi1>, vector<16xf32>
      %add3A_916 = arith.addf %add3A_841, %select_n3A_915 : vector<16xf32>
      %jit3A_917 = arith.constant 0.000000e+00 : f32
      %broadcast_in_dim3A_918 = vector.broadcast %jit3A_917 : f32 to vector<16xf32>
      %select_n3A_919 = arith.select %lt3A_894, %mul3A_886, %broadcast_in_dim3A_918 : vector<16xi1>, vector<16xf32>
      %add3A_920 = arith.addf %add3A_845, %select_n3A_919 : vector<16xf32>
      %jit3A_921 = arith.constant 1.000000e+00 : f32
      %jit3A_922 = arith.constant 0.000000e+00 : f32
      %broadcast_in_dim3A_923 = vector.broadcast %jit3A_921 : f32 to vector<16xf32>
      %broadcast_in_dim3A_924 = vector.broadcast %jit3A_922 : f32 to vector<16xf32>
      %select_n3A_925 = arith.select %gt3A_897, %broadcast_in_dim3A_923, %broadcast_in_dim3A_924 : vector<16xi1>, vector<16xf32>
      %add3A_926 = arith.addf %add3A_851, %select_n3A_925 : vector<16xf32>
      %jit3A_927 = arith.constant 1.000000e+00 : f32
      %jit3A_928 = arith.constant 0.000000e+00 : f32
      %broadcast_in_dim3A_929 = vector.broadcast %jit3A_927 : f32 to vector<16xf32>
      %broadcast_in_dim3A_930 = vector.broadcast %jit3A_928 : f32 to vector<16xf32>
      %select_n3A_931 = arith.select %lt3A_900, %broadcast_in_dim3A_929, %broadcast_in_dim3A_930 : vector<16xi1>, vector<16xf32>
      %add3A_932 = arith.addf %add3A_857, %select_n3A_931 : vector<16xf32>
      %jit3A_933 = arith.constant 0.000000e+00 : f32
      %broadcast_in_dim3A_934 = vector.broadcast %jit3A_933 : f32 to vector<16xf32>
      %select_n3A_935 = arith.select %gt3A_897, %mul3A_888, %broadcast_in_dim3A_934 : vector<16xi1>, vector<16xf32>
      %add3A_936 = arith.addf %add3A_861, %select_n3A_935 : vector<16xf32>
      %jit3A_937 = arith.constant 0.000000e+00 : f32
      %broadcast_in_dim3A_938 = vector.broadcast %jit3A_937 : f32 to vector<16xf32>
      %select_n3A_939 = arith.select %lt3A_900, %mul3A_888, %broadcast_in_dim3A_938 : vector<16xi1>, vector<16xf32>
      %add3A_940 = arith.addf %add3A_865, %select_n3A_939 : vector<16xf32>
      %add3A_941 = arith.constant 160 : i32
      %add3A_942 = arith.addi %mul3A_192, %add3A_941 : i32
      %get3A_943 = arith.index_cast %select_n3A_175 : i32 to index
      %get3A_944 = arith.index_cast %add3A_942 : i32 to index
      %get3A_945 = tpu.vector_load %arg8[%get3A_943, %get3A_944] {strides = array<i32>} : memref<8x384xf32, #tpu.memory_space<vmem>>, vector<16xf32>,
      %get3A_946 = arith.index_cast %select_n3A_175 : i32 to index
      %get3A_947 = arith.index_cast %add3A_942 : i32 to index
      %get3A_948 = tpu.vector_load %arg9[%get3A_946, %get3A_947] {strides = array<i32>} : memref<8x384xf32, #tpu.memory_space<vmem>>, vector<16xf32>,
      %get3A_949 = arith.index_cast %select_n3A_175 : i32 to index
      %get3A_950 = arith.index_cast %add3A_942 : i32 to index
      %get3A_951 = tpu.vector_load %arg12[%get3A_949, %get3A_950] {strides = array<i32>} : memref<8x384xf32, #tpu.memory_space<vmem>>, vector<16xf32>,
      %get3A_952 = arith.index_cast %select_n3A_175 : i32 to index
      %get3A_953 = arith.index_cast %add3A_942 : i32 to index
      %get3A_954 = tpu.vector_load %arg10[%get3A_952, %get3A_953] {strides = array<i32>} : memref<8x384xf32, #tpu.memory_space<vmem>>, vector<16xf32>,
      %sub3A_955 = arith.subf %get3A_954, %get3A_945 : vector<16xf32>
      %get3A_956 = arith.index_cast %select_n3A_175 : i32 to index
      %get3A_957 = arith.index_cast %add3A_942 : i32 to index
      %get3A_958 = tpu.vector_load %arg11[%get3A_956, %get3A_957] {strides = array<i32>} : memref<8x384xf32, #tpu.memory_space<vmem>>, vector<16xf32>,
      %sub3A_959 = arith.subf %get3A_958, %get3A_948 : vector<16xf32>
      %mul3A_960 = arith.mulf %sub3A_955, %sub3A_955 : vector<16xf32>
      %mul3A_961 = arith.mulf %mul3A_960, %get3A_951 : vector<16xf32>
      %mul3A_962 = arith.mulf %sub3A_959, %sub3A_959 : vector<16xf32>
      %mul3A_963 = arith.mulf %mul3A_962, %get3A_951 : vector<16xf32>
      %gt3A_964 = arith.constant 1.000000e-01 : f32
      %gt3A_965 = vector.broadcast %gt3A_964 : f32 to vector<16xf32>
      %gt3A_966 = arith.cmpf ogt, %get3A_945, %gt3A_965 : vector<16xf32>
      %lt3A_967 = arith.constant 1.000000e-01 : f32
      %lt3A_968 = vector.broadcast %lt3A_967 : f32 to vector<16xf32>
      %lt3A_969 = arith.cmpf olt, %get3A_945, %lt3A_968 : vector<16xf32>
      %gt3A_970 = arith.constant 1.000000e-01 : f32
      %gt3A_971 = vector.broadcast %gt3A_970 : f32 to vector<16xf32>
      %gt3A_972 = arith.cmpf ogt, %get3A_948, %gt3A_971 : vector<16xf32>
      %lt3A_973 = arith.constant 1.000000e-01 : f32
      %lt3A_974 = vector.broadcast %lt3A_973 : f32 to vector<16xf32>
      %lt3A_975 = arith.cmpf olt, %get3A_948, %lt3A_974 : vector<16xf32>
      %jit3A_976 = arith.constant 1.000000e+00 : f32
      %jit3A_977 = arith.constant 0.000000e+00 : f32
      %broadcast_in_dim3A_978 = vector.broadcast %jit3A_976 : f32 to vector<16xf32>
      %broadcast_in_dim3A_979 = vector.broadcast %jit3A_977 : f32 to vector<16xf32>
      %select_n3A_980 = arith.select %gt3A_966, %broadcast_in_dim3A_978, %broadcast_in_dim3A_979 : vector<16xi1>, vector<16xf32>
      %add3A_981 = arith.addf %add3A_906, %select_n3A_980 : vector<16xf32>
      %jit3A_982 = arith.constant 1.000000e+00 : f32
      %jit3A_983 = arith.constant 0.000000e+00 : f32
      %broadcast_in_dim3A_984 = vector.broadcast %jit3A_982 : f32 to vector<16xf32>
      %broadcast_in_dim3A_985 = vector.broadcast %jit3A_983 : f32 to vector<16xf32>
      %select_n3A_986 = arith.select %lt3A_969, %broadcast_in_dim3A_984, %broadcast_in_dim3A_985 : vector<16xi1>, vector<16xf32>
      %add3A_987 = arith.addf %add3A_912, %select_n3A_986 : vector<16xf32>
      %jit3A_988 = arith.constant 0.000000e+00 : f32
      %broadcast_in_dim3A_989 = vector.broadcast %jit3A_988 : f32 to vector<16xf32>
      %select_n3A_990 = arith.select %gt3A_966, %mul3A_961, %broadcast_in_dim3A_989 : vector<16xi1>, vector<16xf32>
      %add3A_991 = arith.addf %add3A_916, %select_n3A_990 : vector<16xf32>
      %jit3A_992 = arith.constant 0.000000e+00 : f32
      %broadcast_in_dim3A_993 = vector.broadcast %jit3A_992 : f32 to vector<16xf32>
      %select_n3A_994 = arith.select %lt3A_969, %mul3A_961, %broadcast_in_dim3A_993 : vector<16xi1>, vector<16xf32>
      %add3A_995 = arith.addf %add3A_920, %select_n3A_994 : vector<16xf32>
      %jit3A_996 = arith.constant 1.000000e+00 : f32
      %jit3A_997 = arith.constant 0.000000e+00 : f32
      %broadcast_in_dim3A_998 = vector.broadcast %jit3A_996 : f32 to vector<16xf32>
      %broadcast_in_dim3A_999 = vector.broadcast %jit3A_997 : f32 to vector<16xf32>
      %select_n3A_1000 = arith.select %gt3A_972, %broadcast_in_dim3A_998, %broadcast_in_dim3A_999 : vector<16xi1>, vector<16xf32>
      %add3A_1001 = arith.addf %add3A_926, %select_n3A_1000 : vector<16xf32>
      %jit3A_1002 = arith.constant 1.000000e+00 : f32
      %jit3A_1003 = arith.constant 0.000000e+00 : f32
      %broadcast_in_dim3A_1004 = vector.broadcast %jit3A_1002 : f32 to vector<16xf32>
      %broadcast_in_dim3A_1005 = vector.broadcast %jit3A_1003 : f32 to vector<16xf32>
      %select_n3A_1006 = arith.select %lt3A_975, %broadcast_in_dim3A_1004, %broadcast_in_dim3A_1005 : vector<16xi1>, vector<16xf32>
      %add3A_1007 = arith.addf %add3A_932, %select_n3A_1006 : vector<16xf32>
      %jit3A_1008 = arith.constant 0.000000e+00 : f32
      %broadcast_in_dim3A_1009 = vector.broadcast %jit3A_1008 : f32 to vector<16xf32>
      %select_n3A_1010 = arith.select %gt3A_972, %mul3A_963, %broadcast_in_dim3A_1009 : vector<16xi1>, vector<16xf32>
      %add3A_1011 = arith.addf %add3A_936, %select_n3A_1010 : vector<16xf32>
      %jit3A_1012 = arith.constant 0.000000e+00 : f32
      %broadcast_in_dim3A_1013 = vector.broadcast %jit3A_1012 : f32 to vector<16xf32>
      %select_n3A_1014 = arith.select %lt3A_975, %mul3A_963, %broadcast_in_dim3A_1013 : vector<16xi1>, vector<16xf32>
      %add3A_1015 = arith.addf %add3A_940, %select_n3A_1014 : vector<16xf32>
      %add3A_1016 = arith.constant 176 : i32
      %add3A_1017 = arith.addi %mul3A_192, %add3A_1016 : i32
      %get3A_1018 = arith.index_cast %select_n3A_175 : i32 to index
      %get3A_1019 = arith.index_cast %add3A_1017 : i32 to index
      %get3A_1020 = tpu.vector_load %arg8[%get3A_1018, %get3A_1019] {strides = array<i32>} : memref<8x384xf32, #tpu.memory_space<vmem>>, vector<16xf32>,
      %get3A_1021 = arith.index_cast %select_n3A_175 : i32 to index
      %get3A_1022 = arith.index_cast %add3A_1017 : i32 to index
      %get3A_1023 = tpu.vector_load %arg9[%get3A_1021, %get3A_1022] {strides = array<i32>} : memref<8x384xf32, #tpu.memory_space<vmem>>, vector<16xf32>,
      %get3A_1024 = arith.index_cast %select_n3A_175 : i32 to index
      %get3A_1025 = arith.index_cast %add3A_1017 : i32 to index
      %get3A_1026 = tpu.vector_load %arg12[%get3A_1024, %get3A_1025] {strides = array<i32>} : memref<8x384xf32, #tpu.memory_space<vmem>>, vector<16xf32>,
      %get3A_1027 = arith.index_cast %select_n3A_175 : i32 to index
      %get3A_1028 = arith.index_cast %add3A_1017 : i32 to index
      %get3A_1029 = tpu.vector_load %arg10[%get3A_1027, %get3A_1028] {strides = array<i32>} : memref<8x384xf32, #tpu.memory_space<vmem>>, vector<16xf32>,
      %sub3A_1030 = arith.subf %get3A_1029, %get3A_1020 : vector<16xf32>
      %get3A_1031 = arith.index_cast %select_n3A_175 : i32 to index
      %get3A_1032 = arith.index_cast %add3A_1017 : i32 to index
      %get3A_1033 = tpu.vector_load %arg11[%get3A_1031, %get3A_1032] {strides = array<i32>} : memref<8x384xf32, #tpu.memory_space<vmem>>, vector<16xf32>,
      %sub3A_1034 = arith.subf %get3A_1033, %get3A_1023 : vector<16xf32>
      %mul3A_1035 = arith.mulf %sub3A_1030, %sub3A_1030 : vector<16xf32>
      %mul3A_1036 = arith.mulf %mul3A_1035, %get3A_1026 : vector<16xf32>
      %mul3A_1037 = arith.mulf %sub3A_1034, %sub3A_1034 : vector<16xf32>
      %mul3A_1038 = arith.mulf %mul3A_1037, %get3A_1026 : vector<16xf32>
      %gt3A_1039 = arith.constant 1.000000e-01 : f32
      %gt3A_1040 = vector.broadcast %gt3A_1039 : f32 to vector<16xf32>
      %gt3A_1041 = arith.cmpf ogt, %get3A_1020, %gt3A_1040 : vector<16xf32>
      %lt3A_1042 = arith.constant 1.000000e-01 : f32
      %lt3A_1043 = vector.broadcast %lt3A_1042 : f32 to vector<16xf32>
      %lt3A_1044 = arith.cmpf olt, %get3A_1020, %lt3A_1043 : vector<16xf32>
      %gt3A_1045 = arith.constant 1.000000e-01 : f32
      %gt3A_1046 = vector.broadcast %gt3A_1045 : f32 to vector<16xf32>
      %gt3A_1047 = arith.cmpf ogt, %get3A_1023, %gt3A_1046 : vector<16xf32>
      %lt3A_1048 = arith.constant 1.000000e-01 : f32
      %lt3A_1049 = vector.broadcast %lt3A_1048 : f32 to vector<16xf32>
      %lt3A_1050 = arith.cmpf olt, %get3A_1023, %lt3A_1049 : vector<16xf32>
      %jit3A_1051 = arith.constant 1.000000e+00 : f32
      %jit3A_1052 = arith.constant 0.000000e+00 : f32
      %broadcast_in_dim3A_1053 = vector.broadcast %jit3A_1051 : f32 to vector<16xf32>
      %broadcast_in_dim3A_1054 = vector.broadcast %jit3A_1052 : f32 to vector<16xf32>
      %select_n3A_1055 = arith.select %gt3A_1041, %broadcast_in_dim3A_1053, %broadcast_in_dim3A_1054 : vector<16xi1>, vector<16xf32>
      %add3A_1056 = arith.addf %add3A_981, %select_n3A_1055 : vector<16xf32>
      %jit3A_1057 = arith.constant 1.000000e+00 : f32
      %jit3A_1058 = arith.constant 0.000000e+00 : f32
      %broadcast_in_dim3A_1059 = vector.broadcast %jit3A_1057 : f32 to vector<16xf32>
      %broadcast_in_dim3A_1060 = vector.broadcast %jit3A_1058 : f32 to vector<16xf32>
      %select_n3A_1061 = arith.select %lt3A_1044, %broadcast_in_dim3A_1059, %broadcast_in_dim3A_1060 : vector<16xi1>, vector<16xf32>
      %add3A_1062 = arith.addf %add3A_987, %select_n3A_1061 : vector<16xf32>
      %jit3A_1063 = arith.constant 0.000000e+00 : f32
      %broadcast_in_dim3A_1064 = vector.broadcast %jit3A_1063 : f32 to vector<16xf32>
      %select_n3A_1065 = arith.select %gt3A_1041, %mul3A_1036, %broadcast_in_dim3A_1064 : vector<16xi1>, vector<16xf32>
      %add3A_1066 = arith.addf %add3A_991, %select_n3A_1065 : vector<16xf32>
      %jit3A_1067 = arith.constant 0.000000e+00 : f32
      %broadcast_in_dim3A_1068 = vector.broadcast %jit3A_1067 : f32 to vector<16xf32>
      %select_n3A_1069 = arith.select %lt3A_1044, %mul3A_1036, %broadcast_in_dim3A_1068 : vector<16xi1>, vector<16xf32>
      %add3A_1070 = arith.addf %add3A_995, %select_n3A_1069 : vector<16xf32>
      %jit3A_1071 = arith.constant 1.000000e+00 : f32
      %jit3A_1072 = arith.constant 0.000000e+00 : f32
      %broadcast_in_dim3A_1073 = vector.broadcast %jit3A_1071 : f32 to vector<16xf32>
      %broadcast_in_dim3A_1074 = vector.broadcast %jit3A_1072 : f32 to vector<16xf32>
      %select_n3A_1075 = arith.select %gt3A_1047, %broadcast_in_dim3A_1073, %broadcast_in_dim3A_1074 : vector<16xi1>, vector<16xf32>
      %add3A_1076 = arith.addf %add3A_1001, %select_n3A_1075 : vector<16xf32>
      %jit3A_1077 = arith.constant 1.000000e+00 : f32
      %jit3A_1078 = arith.constant 0.000000e+00 : f32
      %broadcast_in_dim3A_1079 = vector.broadcast %jit3A_1077 : f32 to vector<16xf32>
      %broadcast_in_dim3A_1080 = vector.broadcast %jit3A_1078 : f32 to vector<16xf32>
      %select_n3A_1081 = arith.select %lt3A_1050, %broadcast_in_dim3A_1079, %broadcast_in_dim3A_1080 : vector<16xi1>, vector<16xf32>
      %add3A_1082 = arith.addf %add3A_1007, %select_n3A_1081 : vector<16xf32>
      %jit3A_1083 = arith.constant 0.000000e+00 : f32
      %broadcast_in_dim3A_1084 = vector.broadcast %jit3A_1083 : f32 to vector<16xf32>
      %select_n3A_1085 = arith.select %gt3A_1047, %mul3A_1038, %broadcast_in_dim3A_1084 : vector<16xi1>, vector<16xf32>
      %add3A_1086 = arith.addf %add3A_1011, %select_n3A_1085 : vector<16xf32>
      %jit3A_1087 = arith.constant 0.000000e+00 : f32
      %broadcast_in_dim3A_1088 = vector.broadcast %jit3A_1087 : f32 to vector<16xf32>
      %select_n3A_1089 = arith.select %lt3A_1050, %mul3A_1038, %broadcast_in_dim3A_1088 : vector<16xi1>, vector<16xf32>
      %add3A_1090 = arith.addf %add3A_1015, %select_n3A_1089 : vector<16xf32>
      scf.yield %add3A_1056, %add3A_1062, %add3A_1066, %add3A_1070, %add3A_1076, %add3A_1082, %add3A_1086, %add3A_1090 : vector<16xf32>, vector<16xf32>, vector<16xf32>, vector<16xf32>, vector<16xf32>, vector<16xf32>, vector<16xf32>, vector<16xf32>
    }
    %scan3A_79 = arith.constant 16 : i32
    %eq3A = arith.constant 0 : i32
    %eq3A_80 = vector.broadcast %eq3A : i32 to vector<16xi32>
    %eq3A_81 = arith.cmpi eq, %iota3A, %eq3A_80 : vector<16xi32>
    %reduce_sum3A = arith.constant true
    %reduce_sum3A_82 = vector.broadcast %reduce_sum3A : i1 to vector<16xi1>
    %reduce_sum3A_83 = tpu.scan <sum>, %scan3A_78#0 masked %reduce_sum3A_82 : vector<16xf32>, vector<16xi1> -> vector<16xf32>
    %reduce_sum3A_84 = vector.extract %reduce_sum3A_83[15] : f32 from vector<16xf32>
    %broadcast_in_dim3A_85 = vector.broadcast %reduce_sum3A_84 : f32 to vector<16xf32>
    %select_n3A = arith.select %eq3A_81, %broadcast_in_dim3A_85, %broadcast_in_dim3A_6 : vector<16xi1>, vector<16xf32>
    %eq3A_86 = arith.constant 1 : i32
    %eq3A_87 = vector.broadcast %eq3A_86 : i32 to vector<16xi32>
    %eq3A_88 = arith.cmpi eq, %iota3A, %eq3A_87 : vector<16xi32>
    %reduce_sum3A_89 = arith.constant true
    %reduce_sum3A_90 = vector.broadcast %reduce_sum3A_89 : i1 to vector<16xi1>
    %reduce_sum3A_91 = tpu.scan <sum>, %scan3A_78#1 masked %reduce_sum3A_90 : vector<16xf32>, vector<16xi1> -> vector<16xf32>
    %reduce_sum3A_92 = vector.extract %reduce_sum3A_91[15] : f32 from vector<16xf32>
    %broadcast_in_dim3A_93 = vector.broadcast %reduce_sum3A_92 : f32 to vector<16xf32>
    %select_n3A_94 = arith.select %eq3A_88, %broadcast_in_dim3A_93, %select_n3A : vector<16xi1>, vector<16xf32>
    %eq3A_95 = arith.constant 2 : i32
    %eq3A_96 = vector.broadcast %eq3A_95 : i32 to vector<16xi32>
    %eq3A_97 = arith.cmpi eq, %iota3A, %eq3A_96 : vector<16xi32>
    %reduce_sum3A_98 = arith.constant true
    %reduce_sum3A_99 = vector.broadcast %reduce_sum3A_98 : i1 to vector<16xi1>
    %reduce_sum3A_100 = tpu.scan <sum>, %scan3A_78#2 masked %reduce_sum3A_99 : vector<16xf32>, vector<16xi1> -> vector<16xf32>
    %reduce_sum3A_101 = vector.extract %reduce_sum3A_100[15] : f32 from vector<16xf32>
    %broadcast_in_dim3A_102 = vector.broadcast %reduce_sum3A_101 : f32 to vector<16xf32>
    %select_n3A_103 = arith.select %eq3A_97, %broadcast_in_dim3A_102, %select_n3A_94 : vector<16xi1>, vector<16xf32>
    %eq3A_104 = arith.constant 3 : i32
    %eq3A_105 = vector.broadcast %eq3A_104 : i32 to vector<16xi32>
    %eq3A_106 = arith.cmpi eq, %iota3A, %eq3A_105 : vector<16xi32>
    %reduce_sum3A_107 = arith.constant true
    %reduce_sum3A_108 = vector.broadcast %reduce_sum3A_107 : i1 to vector<16xi1>
    %reduce_sum3A_109 = tpu.scan <sum>, %scan3A_78#3 masked %reduce_sum3A_108 : vector<16xf32>, vector<16xi1> -> vector<16xf32>
    %reduce_sum3A_110 = vector.extract %reduce_sum3A_109[15] : f32 from vector<16xf32>
    %broadcast_in_dim3A_111 = vector.broadcast %reduce_sum3A_110 : f32 to vector<16xf32>
    %select_n3A_112 = arith.select %eq3A_106, %broadcast_in_dim3A_111, %select_n3A_103 : vector<16xi1>, vector<16xf32>
    %eq3A_113 = arith.constant 4 : i32
    %eq3A_114 = vector.broadcast %eq3A_113 : i32 to vector<16xi32>
    %eq3A_115 = arith.cmpi eq, %iota3A, %eq3A_114 : vector<16xi32>
    %reduce_sum3A_116 = arith.constant true
    %reduce_sum3A_117 = vector.broadcast %reduce_sum3A_116 : i1 to vector<16xi1>
    %reduce_sum3A_118 = tpu.scan <sum>, %scan3A_78#4 masked %reduce_sum3A_117 : vector<16xf32>, vector<16xi1> -> vector<16xf32>
    %reduce_sum3A_119 = vector.extract %reduce_sum3A_118[15] : f32 from vector<16xf32>
    %broadcast_in_dim3A_120 = vector.broadcast %reduce_sum3A_119 : f32 to vector<16xf32>
    %select_n3A_121 = arith.select %eq3A_115, %broadcast_in_dim3A_120, %select_n3A_112 : vector<16xi1>, vector<16xf32>
    %eq3A_122 = arith.constant 5 : i32
    %eq3A_123 = vector.broadcast %eq3A_122 : i32 to vector<16xi32>
    %eq3A_124 = arith.cmpi eq, %iota3A, %eq3A_123 : vector<16xi32>
    %reduce_sum3A_125 = arith.constant true
    %reduce_sum3A_126 = vector.broadcast %reduce_sum3A_125 : i1 to vector<16xi1>
    %reduce_sum3A_127 = tpu.scan <sum>, %scan3A_78#5 masked %reduce_sum3A_126 : vector<16xf32>, vector<16xi1> -> vector<16xf32>
    %reduce_sum3A_128 = vector.extract %reduce_sum3A_127[15] : f32 from vector<16xf32>
    %broadcast_in_dim3A_129 = vector.broadcast %reduce_sum3A_128 : f32 to vector<16xf32>
    %select_n3A_130 = arith.select %eq3A_124, %broadcast_in_dim3A_129, %select_n3A_121 : vector<16xi1>, vector<16xf32>
    %eq3A_131 = arith.constant 6 : i32
    %eq3A_132 = vector.broadcast %eq3A_131 : i32 to vector<16xi32>
    %eq3A_133 = arith.cmpi eq, %iota3A, %eq3A_132 : vector<16xi32>
    %reduce_sum3A_134 = arith.constant true
    %reduce_sum3A_135 = vector.broadcast %reduce_sum3A_134 : i1 to vector<16xi1>
    %reduce_sum3A_136 = tpu.scan <sum>, %scan3A_78#6 masked %reduce_sum3A_135 : vector<16xf32>, vector<16xi1> -> vector<16xf32>
    %reduce_sum3A_137 = vector.extract %reduce_sum3A_136[15] : f32 from vector<16xf32>
    %broadcast_in_dim3A_138 = vector.broadcast %reduce_sum3A_137 : f32 to vector<16xf32>
    %select_n3A_139 = arith.select %eq3A_133, %broadcast_in_dim3A_138, %select_n3A_130 : vector<16xi1>, vector<16xf32>
    %eq3A_140 = arith.constant 7 : i32
    %eq3A_141 = vector.broadcast %eq3A_140 : i32 to vector<16xi32>
    %eq3A_142 = arith.cmpi eq, %iota3A, %eq3A_141 : vector<16xi32>
    %reduce_sum3A_143 = arith.constant true
    %reduce_sum3A_144 = vector.broadcast %reduce_sum3A_143 : i1 to vector<16xi1>
    %reduce_sum3A_145 = tpu.scan <sum>, %scan3A_78#7 masked %reduce_sum3A_144 : vector<16xf32>, vector<16xi1> -> vector<16xf32>
    %reduce_sum3A_146 = vector.extract %reduce_sum3A_145[15] : f32 from vector<16xf32>
    %broadcast_in_dim3A_147 = vector.broadcast %reduce_sum3A_146 : f32 to vector<16xf32>
    %select_n3A_148 = arith.select %eq3A_142, %broadcast_in_dim3A_147, %select_n3A_139 : vector<16xi1>, vector<16xf32>
    %swap3A = arith.constant 0 : index
    %swap3A_149 = tpu.vector_load %arg13[%swap3A] {strides = array<i32>} : memref<16xf32, #tpu.memory_space<vmem>>, vector<16xf32>,
    tpu.vector_store %arg13[%swap3A], %select_n3A_148 {strides = array<i32>} : memref<16xf32, #tpu.memory_space<vmem>>, vector<16xf32>,
    "tpu.region"() ({
      %run_scoped3A = tpu.sem_alloc : memref<!tpu.dma_semaphore, #tpu.memory_space<semaphore_mem>>
      %dma_start3A_150 = arith.constant 0 : i32
      %dma_start3A_151 = tpu.memref_slice %arg7[%add3A, %dma_start3A_150] : memref<32x16xf32, #tpu.memory_space<hbm>> -> memref<1x16xf32, #tpu.memory_space<hbm>>
      %dma_start3A_152 = tpu.memref_squeeze %dma_start3A_151 : memref<1x16xf32, #tpu.memory_space<hbm>> -> memref<16xf32, #tpu.memory_space<hbm>>
      %dma_start3A_153 = arith.constant 0 : i32
      %dma_start3A_154 = tpu.memref_slice %arg7[%add3A, %dma_start3A_153] : memref<32x16xf32, #tpu.memory_space<hbm>> -> memref<1x16xf32, #tpu.memory_space<hbm>>
      %dma_start3A_155 = tpu.memref_squeeze %dma_start3A_154 : memref<1x16xf32, #tpu.memory_space<hbm>> -> memref<16xf32, #tpu.memory_space<hbm>>
      tpu.enqueue_dma source(%arg13 : memref<16xf32, #tpu.memory_space<vmem>>) target(%dma_start3A_155 : memref<16xf32, #tpu.memory_space<hbm>>) target_semaphore(%run_scoped3A : memref<!tpu.dma_semaphore, #tpu.memory_space<semaphore_mem>>)
      %dma_wait3A_156 = arith.constant 0 : i32
      %dma_wait3A_157 = tpu.memref_slice %arg7[%add3A, %dma_wait3A_156] : memref<32x16xf32, #tpu.memory_space<hbm>> -> memref<1x16xf32, #tpu.memory_space<hbm>>
      %dma_wait3A_158 = tpu.memref_squeeze %dma_wait3A_157 : memref<1x16xf32, #tpu.memory_space<hbm>> -> memref<16xf32, #tpu.memory_space<hbm>>
      %dma_wait3A_159 = arith.constant 0 : i32
      %dma_wait3A_160 = tpu.memref_slice %arg7[%add3A, %dma_wait3A_159] : memref<32x16xf32, #tpu.memory_space<hbm>> -> memref<1x16xf32, #tpu.memory_space<hbm>>
      %dma_wait3A_161 = tpu.memref_squeeze %dma_wait3A_160 : memref<1x16xf32, #tpu.memory_space<hbm>> -> memref<16xf32, #tpu.memory_space<hbm>>
      tpu.wait_dma2 semaphore(%run_scoped3A : memref<!tpu.dma_semaphore, #tpu.memory_space<semaphore_mem>>) src(%arg13 : memref<16xf32, #tpu.memory_space<vmem>>) dst(%dma_wait3A_161 : memref<16xf32, #tpu.memory_space<hbm>>)
      tpu.yield
    }) : () -> ()
    return
  }
}

module attributes {stable_mosaic.version = 14 : i64} {
  func.func @_tc_stats_body(%arg0: i32, %arg1: memref<1x384x384xf32, #tpu.memory_space<vmem>>, %arg2: memref<1x384x384xf32, #tpu.memory_space<vmem>>, %arg3: memref<1x384x384xf32, #tpu.memory_space<vmem>>, %arg4: memref<1x384x384xf32, #tpu.memory_space<vmem>>, %arg5: memref<1x384x384xf32, #tpu.memory_space<vmem>>, %arg6: memref<1x1x128xf32, #tpu.memory_space<vmem>>) attributes {dimension_semantics = [#tpu.dimension_semantics<arbitrary>], iteration_bounds = array<i64: 11>, scalar_prefetch = 0 : i64, scratch_operands = 0 : i64, tpu.core_type = #tpu.core_type<tc>, window_params = [{transform_indices = @transform_0, window_bounds = array<i64: 1, 384, 384>}, {transform_indices = @transform_1, window_bounds = array<i64: 1, 384, 384>}, {transform_indices = @transform_2, window_bounds = array<i64: 1, 384, 384>}, {transform_indices = @transform_3, window_bounds = array<i64: 1, 384, 384>}, {transform_indices = @transform_4, window_bounds = array<i64: 1, 384, 384>}, {transform_indices = @transform_5, window_bounds = array<i64: 1, 1, 128>}]} {
    %get3A = arith.constant 0 : index
    %get3A_0 = arith.constant 0 : index
    %get3A_1 = arith.constant 0 : index
    %get3A_2 = vector.load %arg1[%get3A, %get3A_0, %get3A_1] : memref<1x384x384xf32, #tpu.memory_space<vmem>>, vector<1x384x384xf32>
    %get3A_3 = vector.shape_cast %get3A_2 : vector<1x384x384xf32> to vector<384x384xf32>
    %get3A_4 = arith.constant 0 : index
    %get3A_5 = arith.constant 0 : index
    %get3A_6 = arith.constant 0 : index
    %get3A_7 = vector.load %arg2[%get3A_4, %get3A_5, %get3A_6] : memref<1x384x384xf32, #tpu.memory_space<vmem>>, vector<1x384x384xf32>
    %get3A_8 = vector.shape_cast %get3A_7 : vector<1x384x384xf32> to vector<384x384xf32>
    %get3A_9 = arith.constant 0 : index
    %get3A_10 = arith.constant 0 : index
    %get3A_11 = arith.constant 0 : index
    %get3A_12 = vector.load %arg5[%get3A_9, %get3A_10, %get3A_11] : memref<1x384x384xf32, #tpu.memory_space<vmem>>, vector<1x384x384xf32>
    %get3A_13 = vector.shape_cast %get3A_12 : vector<1x384x384xf32> to vector<384x384xf32>
    %get3A_14 = arith.constant 0 : index
    %get3A_15 = arith.constant 0 : index
    %get3A_16 = arith.constant 0 : index
    %get3A_17 = vector.load %arg3[%get3A_14, %get3A_15, %get3A_16] : memref<1x384x384xf32, #tpu.memory_space<vmem>>, vector<1x384x384xf32>
    %get3A_18 = vector.shape_cast %get3A_17 : vector<1x384x384xf32> to vector<384x384xf32>
    %sub3A = arith.subf %get3A_18, %get3A_3 : vector<384x384xf32>
    %get3A_19 = arith.constant 0 : index
    %get3A_20 = arith.constant 0 : index
    %get3A_21 = arith.constant 0 : index
    %get3A_22 = vector.load %arg4[%get3A_19, %get3A_20, %get3A_21] : memref<1x384x384xf32, #tpu.memory_space<vmem>>, vector<1x384x384xf32>
    %get3A_23 = vector.shape_cast %get3A_22 : vector<1x384x384xf32> to vector<384x384xf32>
    %sub3A_24 = arith.subf %get3A_23, %get3A_8 : vector<384x384xf32>
    %mul3A = arith.mulf %sub3A, %sub3A : vector<384x384xf32>
    %mul3A_25 = arith.mulf %mul3A, %get3A_13 : vector<384x384xf32>
    %mul3A_26 = arith.mulf %sub3A_24, %sub3A_24 : vector<384x384xf32>
    %mul3A_27 = arith.mulf %mul3A_26, %get3A_13 : vector<384x384xf32>
    %gt3A = arith.constant 1.000000e-01 : f32
    %gt3A_28 = vector.broadcast %gt3A : f32 to vector<384x384xf32>
    %gt3A_29 = arith.cmpf ogt, %get3A_3, %gt3A_28 : vector<384x384xf32>
    %lt3A = arith.constant 1.000000e-01 : f32
    %lt3A_30 = vector.broadcast %lt3A : f32 to vector<384x384xf32>
    %lt3A_31 = arith.cmpf olt, %get3A_3, %lt3A_30 : vector<384x384xf32>
    %gt3A_32 = arith.constant 1.000000e-01 : f32
    %gt3A_33 = vector.broadcast %gt3A_32 : f32 to vector<384x384xf32>
    %gt3A_34 = arith.cmpf ogt, %get3A_8, %gt3A_33 : vector<384x384xf32>
    %lt3A_35 = arith.constant 1.000000e-01 : f32
    %lt3A_36 = vector.broadcast %lt3A_35 : f32 to vector<384x384xf32>
    %lt3A_37 = arith.cmpf olt, %get3A_8, %lt3A_36 : vector<384x384xf32>
    %convert_element_type3A = arith.extui %gt3A_29 : vector<384x384xi1> to vector<384x384xi32>
    %convert_element_type3A_38 = arith.sitofp %convert_element_type3A : vector<384x384xi32> to vector<384x384xf32>
    %reduce_sum3A = vector.shape_cast %convert_element_type3A_38 : vector<384x384xf32> to vector<1x384x384xf32>
    %reduce_sum3A_39 = arith.constant dense<0.000000e+00> : vector<1xf32>
    %reduce_sum3A_40 = vector.multi_reduction <add>, %reduce_sum3A, %reduce_sum3A_39 [1, 2] : vector<1x384x384xf32> to vector<1xf32>
    %reduce_sum3A_41 = vector.shape_cast %reduce_sum3A_40 : vector<1xf32> to vector<1x1x1xf32>
    %reduce_sum3A_42 = vector.extract %reduce_sum3A_41[0, 0, 0] : f32 from vector<1x1x1xf32>
    %convert_element_type3A_43 = arith.extui %lt3A_31 : vector<384x384xi1> to vector<384x384xi32>
    %convert_element_type3A_44 = arith.sitofp %convert_element_type3A_43 : vector<384x384xi32> to vector<384x384xf32>
    %reduce_sum3A_45 = vector.shape_cast %convert_element_type3A_44 : vector<384x384xf32> to vector<1x384x384xf32>
    %reduce_sum3A_46 = arith.constant dense<0.000000e+00> : vector<1xf32>
    %reduce_sum3A_47 = vector.multi_reduction <add>, %reduce_sum3A_45, %reduce_sum3A_46 [1, 2] : vector<1x384x384xf32> to vector<1xf32>
    %reduce_sum3A_48 = vector.shape_cast %reduce_sum3A_47 : vector<1xf32> to vector<1x1x1xf32>
    %reduce_sum3A_49 = vector.extract %reduce_sum3A_48[0, 0, 0] : f32 from vector<1x1x1xf32>
    %jit3A = arith.constant 0.000000e+00 : f32
    %broadcast_in_dim3A = vector.broadcast %jit3A : f32 to vector<384x384xf32>
    %select_n3A = arith.select %gt3A_29, %mul3A_25, %broadcast_in_dim3A : vector<384x384xi1>, vector<384x384xf32>
    %reduce_sum3A_50 = vector.shape_cast %select_n3A : vector<384x384xf32> to vector<1x384x384xf32>
    %reduce_sum3A_51 = arith.constant dense<0.000000e+00> : vector<1xf32>
    %reduce_sum3A_52 = vector.multi_reduction <add>, %reduce_sum3A_50, %reduce_sum3A_51 [1, 2] : vector<1x384x384xf32> to vector<1xf32>
    %reduce_sum3A_53 = vector.shape_cast %reduce_sum3A_52 : vector<1xf32> to vector<1x1x1xf32>
    %reduce_sum3A_54 = vector.extract %reduce_sum3A_53[0, 0, 0] : f32 from vector<1x1x1xf32>
    %jit3A_55 = arith.constant 0.000000e+00 : f32
    %broadcast_in_dim3A_56 = vector.broadcast %jit3A_55 : f32 to vector<384x384xf32>
    %select_n3A_57 = arith.select %lt3A_31, %mul3A_25, %broadcast_in_dim3A_56 : vector<384x384xi1>, vector<384x384xf32>
    %reduce_sum3A_58 = vector.shape_cast %select_n3A_57 : vector<384x384xf32> to vector<1x384x384xf32>
    %reduce_sum3A_59 = arith.constant dense<0.000000e+00> : vector<1xf32>
    %reduce_sum3A_60 = vector.multi_reduction <add>, %reduce_sum3A_58, %reduce_sum3A_59 [1, 2] : vector<1x384x384xf32> to vector<1xf32>
    %reduce_sum3A_61 = vector.shape_cast %reduce_sum3A_60 : vector<1xf32> to vector<1x1x1xf32>
    %reduce_sum3A_62 = vector.extract %reduce_sum3A_61[0, 0, 0] : f32 from vector<1x1x1xf32>
    %convert_element_type3A_63 = arith.extui %gt3A_34 : vector<384x384xi1> to vector<384x384xi32>
    %convert_element_type3A_64 = arith.sitofp %convert_element_type3A_63 : vector<384x384xi32> to vector<384x384xf32>
    %reduce_sum3A_65 = vector.shape_cast %convert_element_type3A_64 : vector<384x384xf32> to vector<1x384x384xf32>
    %reduce_sum3A_66 = arith.constant dense<0.000000e+00> : vector<1xf32>
    %reduce_sum3A_67 = vector.multi_reduction <add>, %reduce_sum3A_65, %reduce_sum3A_66 [1, 2] : vector<1x384x384xf32> to vector<1xf32>
    %reduce_sum3A_68 = vector.shape_cast %reduce_sum3A_67 : vector<1xf32> to vector<1x1x1xf32>
    %reduce_sum3A_69 = vector.extract %reduce_sum3A_68[0, 0, 0] : f32 from vector<1x1x1xf32>
    %convert_element_type3A_70 = arith.extui %lt3A_37 : vector<384x384xi1> to vector<384x384xi32>
    %convert_element_type3A_71 = arith.sitofp %convert_element_type3A_70 : vector<384x384xi32> to vector<384x384xf32>
    %reduce_sum3A_72 = vector.shape_cast %convert_element_type3A_71 : vector<384x384xf32> to vector<1x384x384xf32>
    %reduce_sum3A_73 = arith.constant dense<0.000000e+00> : vector<1xf32>
    %reduce_sum3A_74 = vector.multi_reduction <add>, %reduce_sum3A_72, %reduce_sum3A_73 [1, 2] : vector<1x384x384xf32> to vector<1xf32>
    %reduce_sum3A_75 = vector.shape_cast %reduce_sum3A_74 : vector<1xf32> to vector<1x1x1xf32>
    %reduce_sum3A_76 = vector.extract %reduce_sum3A_75[0, 0, 0] : f32 from vector<1x1x1xf32>
    %jit3A_77 = arith.constant 0.000000e+00 : f32
    %broadcast_in_dim3A_78 = vector.broadcast %jit3A_77 : f32 to vector<384x384xf32>
    %select_n3A_79 = arith.select %gt3A_34, %mul3A_27, %broadcast_in_dim3A_78 : vector<384x384xi1>, vector<384x384xf32>
    %reduce_sum3A_80 = vector.shape_cast %select_n3A_79 : vector<384x384xf32> to vector<1x384x384xf32>
    %reduce_sum3A_81 = arith.constant dense<0.000000e+00> : vector<1xf32>
    %reduce_sum3A_82 = vector.multi_reduction <add>, %reduce_sum3A_80, %reduce_sum3A_81 [1, 2] : vector<1x384x384xf32> to vector<1xf32>
    %reduce_sum3A_83 = vector.shape_cast %reduce_sum3A_82 : vector<1xf32> to vector<1x1x1xf32>
    %reduce_sum3A_84 = vector.extract %reduce_sum3A_83[0, 0, 0] : f32 from vector<1x1x1xf32>
    %jit3A_85 = arith.constant 0.000000e+00 : f32
    %broadcast_in_dim3A_86 = vector.broadcast %jit3A_85 : f32 to vector<384x384xf32>
    %select_n3A_87 = arith.select %lt3A_37, %mul3A_27, %broadcast_in_dim3A_86 : vector<384x384xi1>, vector<384x384xf32>
    %reduce_sum3A_88 = vector.shape_cast %select_n3A_87 : vector<384x384xf32> to vector<1x384x384xf32>
    %reduce_sum3A_89 = arith.constant dense<0.000000e+00> : vector<1xf32>
    %reduce_sum3A_90 = vector.multi_reduction <add>, %reduce_sum3A_88, %reduce_sum3A_89 [1, 2] : vector<1x384x384xf32> to vector<1xf32>
    %reduce_sum3A_91 = vector.shape_cast %reduce_sum3A_90 : vector<1xf32> to vector<1x1x1xf32>
    %reduce_sum3A_92 = vector.extract %reduce_sum3A_91[0, 0, 0] : f32 from vector<1x1x1xf32>
    %iota3A = tpu.iota {dimensions = array<i32: 2>} : vector<1x1x128xi32>
    %broadcast_in_dim3A_93 = arith.constant 0.000000e+00 : f32
    %broadcast_in_dim3A_94 = vector.broadcast %broadcast_in_dim3A_93 : f32 to vector<1x1x128xf32>
    %eq3A = arith.constant 0 : i32
    %eq3A_95 = vector.broadcast %eq3A : i32 to vector<1x1x128xi32>
    %eq3A_96 = arith.cmpi eq, %iota3A, %eq3A_95 : vector<1x1x128xi32>
    %broadcast_in_dim3A_97 = vector.broadcast %reduce_sum3A_42 : f32 to vector<1x1x128xf32>
    %select_n3A_98 = arith.select %eq3A_96, %broadcast_in_dim3A_97, %broadcast_in_dim3A_94 : vector<1x1x128xi1>, vector<1x1x128xf32>
    %eq3A_99 = arith.constant 1 : i32
    %eq3A_100 = vector.broadcast %eq3A_99 : i32 to vector<1x1x128xi32>
    %eq3A_101 = arith.cmpi eq, %iota3A, %eq3A_100 : vector<1x1x128xi32>
    %broadcast_in_dim3A_102 = vector.broadcast %reduce_sum3A_49 : f32 to vector<1x1x128xf32>
    %select_n3A_103 = arith.select %eq3A_101, %broadcast_in_dim3A_102, %select_n3A_98 : vector<1x1x128xi1>, vector<1x1x128xf32>
    %eq3A_104 = arith.constant 2 : i32
    %eq3A_105 = vector.broadcast %eq3A_104 : i32 to vector<1x1x128xi32>
    %eq3A_106 = arith.cmpi eq, %iota3A, %eq3A_105 : vector<1x1x128xi32>
    %broadcast_in_dim3A_107 = vector.broadcast %reduce_sum3A_54 : f32 to vector<1x1x128xf32>
    %select_n3A_108 = arith.select %eq3A_106, %broadcast_in_dim3A_107, %select_n3A_103 : vector<1x1x128xi1>, vector<1x1x128xf32>
    %eq3A_109 = arith.constant 3 : i32
    %eq3A_110 = vector.broadcast %eq3A_109 : i32 to vector<1x1x128xi32>
    %eq3A_111 = arith.cmpi eq, %iota3A, %eq3A_110 : vector<1x1x128xi32>
    %broadcast_in_dim3A_112 = vector.broadcast %reduce_sum3A_62 : f32 to vector<1x1x128xf32>
    %select_n3A_113 = arith.select %eq3A_111, %broadcast_in_dim3A_112, %select_n3A_108 : vector<1x1x128xi1>, vector<1x1x128xf32>
    %eq3A_114 = arith.constant 4 : i32
    %eq3A_115 = vector.broadcast %eq3A_114 : i32 to vector<1x1x128xi32>
    %eq3A_116 = arith.cmpi eq, %iota3A, %eq3A_115 : vector<1x1x128xi32>
    %broadcast_in_dim3A_117 = vector.broadcast %reduce_sum3A_69 : f32 to vector<1x1x128xf32>
    %select_n3A_118 = arith.select %eq3A_116, %broadcast_in_dim3A_117, %select_n3A_113 : vector<1x1x128xi1>, vector<1x1x128xf32>
    %eq3A_119 = arith.constant 5 : i32
    %eq3A_120 = vector.broadcast %eq3A_119 : i32 to vector<1x1x128xi32>
    %eq3A_121 = arith.cmpi eq, %iota3A, %eq3A_120 : vector<1x1x128xi32>
    %broadcast_in_dim3A_122 = vector.broadcast %reduce_sum3A_76 : f32 to vector<1x1x128xf32>
    %select_n3A_123 = arith.select %eq3A_121, %broadcast_in_dim3A_122, %select_n3A_118 : vector<1x1x128xi1>, vector<1x1x128xf32>
    %eq3A_124 = arith.constant 6 : i32
    %eq3A_125 = vector.broadcast %eq3A_124 : i32 to vector<1x1x128xi32>
    %eq3A_126 = arith.cmpi eq, %iota3A, %eq3A_125 : vector<1x1x128xi32>
    %broadcast_in_dim3A_127 = vector.broadcast %reduce_sum3A_84 : f32 to vector<1x1x128xf32>
    %select_n3A_128 = arith.select %eq3A_126, %broadcast_in_dim3A_127, %select_n3A_123 : vector<1x1x128xi1>, vector<1x1x128xf32>
    %eq3A_129 = arith.constant 7 : i32
    %eq3A_130 = vector.broadcast %eq3A_129 : i32 to vector<1x1x128xi32>
    %eq3A_131 = arith.cmpi eq, %iota3A, %eq3A_130 : vector<1x1x128xi32>
    %broadcast_in_dim3A_132 = vector.broadcast %reduce_sum3A_92 : f32 to vector<1x1x128xf32>
    %select_n3A_133 = arith.select %eq3A_131, %broadcast_in_dim3A_132, %select_n3A_128 : vector<1x1x128xi1>, vector<1x1x128xf32>
    %swap3A = arith.constant 0 : index
    %swap3A_134 = arith.constant 0 : index
    %swap3A_135 = arith.constant 0 : index
    %swap3A_136 = vector.load %arg6[%swap3A, %swap3A_134, %swap3A_135] : memref<1x1x128xf32, #tpu.memory_space<vmem>>, vector<1x1x128xf32>
    tpu.vector_store %arg6[%swap3A, %swap3A_134, %swap3A_135], %select_n3A_133 {strides = array<i32>} : memref<1x1x128xf32, #tpu.memory_space<vmem>>, vector<1x1x128xf32>,
    return
  }
  func.func @transform_0(%arg0: i32) -> (i32, i32, i32) {
    %add3A = arith.constant 1 : i32
    %add3A_0 = arith.addi %arg0, %add3A : i32
    %c0_i32 = arith.constant 0 : i32
    %c0_i32_1 = arith.constant 0 : i32
    %c0_i32_2 = arith.constant 0 : i32
    return %add3A_0, %c0_i32, %c0_i32_1 : i32, i32, i32
  }
  func.func @transform_1(%arg0: i32) -> (i32, i32, i32) {
    %add3A = arith.constant 1 : i32
    %add3A_0 = arith.addi %arg0, %add3A : i32
    %c0_i32 = arith.constant 0 : i32
    %c0_i32_1 = arith.constant 0 : i32
    %c0_i32_2 = arith.constant 0 : i32
    return %add3A_0, %c0_i32, %c0_i32_1 : i32, i32, i32
  }
  func.func @transform_2(%arg0: i32) -> (i32, i32, i32) {
    %add3A = arith.constant 1 : i32
    %add3A_0 = arith.addi %arg0, %add3A : i32
    %c0_i32 = arith.constant 0 : i32
    %c0_i32_1 = arith.constant 0 : i32
    %c0_i32_2 = arith.constant 0 : i32
    return %add3A_0, %c0_i32, %c0_i32_1 : i32, i32, i32
  }
  func.func @transform_3(%arg0: i32) -> (i32, i32, i32) {
    %add3A = arith.constant 1 : i32
    %add3A_0 = arith.addi %arg0, %add3A : i32
    %c0_i32 = arith.constant 0 : i32
    %c0_i32_1 = arith.constant 0 : i32
    %c0_i32_2 = arith.constant 0 : i32
    return %add3A_0, %c0_i32, %c0_i32_1 : i32, i32, i32
  }
  func.func @transform_4(%arg0: i32) -> (i32, i32, i32) {
    %add3A = arith.constant 1 : i32
    %add3A_0 = arith.addi %arg0, %add3A : i32
    %c0_i32 = arith.constant 0 : i32
    %c0_i32_1 = arith.constant 0 : i32
    %c0_i32_2 = arith.constant 0 : i32
    return %add3A_0, %c0_i32, %c0_i32_1 : i32, i32, i32
  }
  func.func @transform_5(%arg0: i32) -> (i32, i32, i32) {
    %c0_i32 = arith.constant 0 : i32
    %c0_i32_0 = arith.constant 0 : i32
    %c0_i32_1 = arith.constant 0 : i32
    return %arg0, %c0_i32, %c0_i32_0 : i32, i32, i32
  }
}

module attributes {stable_mosaic.version = 14 : i64} {
  func.func @_tc_stats_body(%arg0: i32, %arg1: memref<1x128x384xf32, #tpu.memory_space<vmem>>, %arg2: memref<1x128x384xf32, #tpu.memory_space<vmem>>, %arg3: memref<1x128x384xf32, #tpu.memory_space<vmem>>, %arg4: memref<1x128x384xf32, #tpu.memory_space<vmem>>, %arg5: memref<1x128x384xf32, #tpu.memory_space<vmem>>, %arg6: memref<1x1x128xf32, #tpu.memory_space<vmem>>) attributes {dimension_semantics = [#tpu.dimension_semantics<arbitrary>], iteration_bounds = array<i64: 1>, scalar_prefetch = 0 : i64, scratch_operands = 0 : i64, tpu.core_type = #tpu.core_type<tc>, window_params = [{transform_indices = @transform_0, window_bounds = array<i64: 1, 128, 384>}, {transform_indices = @transform_1, window_bounds = array<i64: 1, 128, 384>}, {transform_indices = @transform_2, window_bounds = array<i64: 1, 128, 384>}, {transform_indices = @transform_3, window_bounds = array<i64: 1, 128, 384>}, {transform_indices = @transform_4, window_bounds = array<i64: 1, 128, 384>}, {transform_indices = @transform_5, window_bounds = array<i64: 1, 1, 128>}]} {
    %get3A = arith.constant 0 : index
    %get3A_0 = arith.constant 0 : index
    %get3A_1 = arith.constant 0 : index
    %get3A_2 = vector.load %arg1[%get3A, %get3A_0, %get3A_1] : memref<1x128x384xf32, #tpu.memory_space<vmem>>, vector<1x128x384xf32>
    %get3A_3 = vector.shape_cast %get3A_2 : vector<1x128x384xf32> to vector<128x384xf32>
    %get3A_4 = arith.constant 0 : index
    %get3A_5 = arith.constant 0 : index
    %get3A_6 = arith.constant 0 : index
    %get3A_7 = vector.load %arg2[%get3A_4, %get3A_5, %get3A_6] : memref<1x128x384xf32, #tpu.memory_space<vmem>>, vector<1x128x384xf32>
    %get3A_8 = vector.shape_cast %get3A_7 : vector<1x128x384xf32> to vector<128x384xf32>
    %get3A_9 = arith.constant 0 : index
    %get3A_10 = arith.constant 0 : index
    %get3A_11 = arith.constant 0 : index
    %get3A_12 = vector.load %arg5[%get3A_9, %get3A_10, %get3A_11] : memref<1x128x384xf32, #tpu.memory_space<vmem>>, vector<1x128x384xf32>
    %get3A_13 = vector.shape_cast %get3A_12 : vector<1x128x384xf32> to vector<128x384xf32>
    %get3A_14 = arith.constant 0 : index
    %get3A_15 = arith.constant 0 : index
    %get3A_16 = arith.constant 0 : index
    %get3A_17 = vector.load %arg3[%get3A_14, %get3A_15, %get3A_16] : memref<1x128x384xf32, #tpu.memory_space<vmem>>, vector<1x128x384xf32>
    %get3A_18 = vector.shape_cast %get3A_17 : vector<1x128x384xf32> to vector<128x384xf32>
    %sub3A = arith.subf %get3A_18, %get3A_3 : vector<128x384xf32>
    %get3A_19 = arith.constant 0 : index
    %get3A_20 = arith.constant 0 : index
    %get3A_21 = arith.constant 0 : index
    %get3A_22 = vector.load %arg4[%get3A_19, %get3A_20, %get3A_21] : memref<1x128x384xf32, #tpu.memory_space<vmem>>, vector<1x128x384xf32>
    %get3A_23 = vector.shape_cast %get3A_22 : vector<1x128x384xf32> to vector<128x384xf32>
    %sub3A_24 = arith.subf %get3A_23, %get3A_8 : vector<128x384xf32>
    %mul3A = arith.mulf %sub3A, %sub3A : vector<128x384xf32>
    %mul3A_25 = arith.mulf %mul3A, %get3A_13 : vector<128x384xf32>
    %mul3A_26 = arith.mulf %sub3A_24, %sub3A_24 : vector<128x384xf32>
    %mul3A_27 = arith.mulf %mul3A_26, %get3A_13 : vector<128x384xf32>
    %gt3A = arith.constant 1.000000e-01 : f32
    %gt3A_28 = vector.broadcast %gt3A : f32 to vector<128x384xf32>
    %gt3A_29 = arith.cmpf ogt, %get3A_3, %gt3A_28 : vector<128x384xf32>
    %lt3A = arith.constant 1.000000e-01 : f32
    %lt3A_30 = vector.broadcast %lt3A : f32 to vector<128x384xf32>
    %lt3A_31 = arith.cmpf olt, %get3A_3, %lt3A_30 : vector<128x384xf32>
    %gt3A_32 = arith.constant 1.000000e-01 : f32
    %gt3A_33 = vector.broadcast %gt3A_32 : f32 to vector<128x384xf32>
    %gt3A_34 = arith.cmpf ogt, %get3A_8, %gt3A_33 : vector<128x384xf32>
    %lt3A_35 = arith.constant 1.000000e-01 : f32
    %lt3A_36 = vector.broadcast %lt3A_35 : f32 to vector<128x384xf32>
    %lt3A_37 = arith.cmpf olt, %get3A_8, %lt3A_36 : vector<128x384xf32>
    %convert_element_type3A = arith.extui %gt3A_29 : vector<128x384xi1> to vector<128x384xi32>
    %convert_element_type3A_38 = arith.sitofp %convert_element_type3A : vector<128x384xi32> to vector<128x384xf32>
    %reduce_sum3A = vector.shape_cast %convert_element_type3A_38 : vector<128x384xf32> to vector<1x128x384xf32>
    %reduce_sum3A_39 = arith.constant dense<0.000000e+00> : vector<1xf32>
    %reduce_sum3A_40 = vector.multi_reduction <add>, %reduce_sum3A, %reduce_sum3A_39 [1, 2] : vector<1x128x384xf32> to vector<1xf32>
    %reduce_sum3A_41 = vector.shape_cast %reduce_sum3A_40 : vector<1xf32> to vector<1x1x1xf32>
    %reduce_sum3A_42 = vector.extract %reduce_sum3A_41[0, 0, 0] : f32 from vector<1x1x1xf32>
    %convert_element_type3A_43 = arith.extui %lt3A_31 : vector<128x384xi1> to vector<128x384xi32>
    %convert_element_type3A_44 = arith.sitofp %convert_element_type3A_43 : vector<128x384xi32> to vector<128x384xf32>
    %reduce_sum3A_45 = vector.shape_cast %convert_element_type3A_44 : vector<128x384xf32> to vector<1x128x384xf32>
    %reduce_sum3A_46 = arith.constant dense<0.000000e+00> : vector<1xf32>
    %reduce_sum3A_47 = vector.multi_reduction <add>, %reduce_sum3A_45, %reduce_sum3A_46 [1, 2] : vector<1x128x384xf32> to vector<1xf32>
    %reduce_sum3A_48 = vector.shape_cast %reduce_sum3A_47 : vector<1xf32> to vector<1x1x1xf32>
    %reduce_sum3A_49 = vector.extract %reduce_sum3A_48[0, 0, 0] : f32 from vector<1x1x1xf32>
    %jit3A = arith.constant 0.000000e+00 : f32
    %broadcast_in_dim3A = vector.broadcast %jit3A : f32 to vector<128x384xf32>
    %select_n3A = arith.select %gt3A_29, %mul3A_25, %broadcast_in_dim3A : vector<128x384xi1>, vector<128x384xf32>
    %reduce_sum3A_50 = vector.shape_cast %select_n3A : vector<128x384xf32> to vector<1x128x384xf32>
    %reduce_sum3A_51 = arith.constant dense<0.000000e+00> : vector<1xf32>
    %reduce_sum3A_52 = vector.multi_reduction <add>, %reduce_sum3A_50, %reduce_sum3A_51 [1, 2] : vector<1x128x384xf32> to vector<1xf32>
    %reduce_sum3A_53 = vector.shape_cast %reduce_sum3A_52 : vector<1xf32> to vector<1x1x1xf32>
    %reduce_sum3A_54 = vector.extract %reduce_sum3A_53[0, 0, 0] : f32 from vector<1x1x1xf32>
    %jit3A_55 = arith.constant 0.000000e+00 : f32
    %broadcast_in_dim3A_56 = vector.broadcast %jit3A_55 : f32 to vector<128x384xf32>
    %select_n3A_57 = arith.select %lt3A_31, %mul3A_25, %broadcast_in_dim3A_56 : vector<128x384xi1>, vector<128x384xf32>
    %reduce_sum3A_58 = vector.shape_cast %select_n3A_57 : vector<128x384xf32> to vector<1x128x384xf32>
    %reduce_sum3A_59 = arith.constant dense<0.000000e+00> : vector<1xf32>
    %reduce_sum3A_60 = vector.multi_reduction <add>, %reduce_sum3A_58, %reduce_sum3A_59 [1, 2] : vector<1x128x384xf32> to vector<1xf32>
    %reduce_sum3A_61 = vector.shape_cast %reduce_sum3A_60 : vector<1xf32> to vector<1x1x1xf32>
    %reduce_sum3A_62 = vector.extract %reduce_sum3A_61[0, 0, 0] : f32 from vector<1x1x1xf32>
    %convert_element_type3A_63 = arith.extui %gt3A_34 : vector<128x384xi1> to vector<128x384xi32>
    %convert_element_type3A_64 = arith.sitofp %convert_element_type3A_63 : vector<128x384xi32> to vector<128x384xf32>
    %reduce_sum3A_65 = vector.shape_cast %convert_element_type3A_64 : vector<128x384xf32> to vector<1x128x384xf32>
    %reduce_sum3A_66 = arith.constant dense<0.000000e+00> : vector<1xf32>
    %reduce_sum3A_67 = vector.multi_reduction <add>, %reduce_sum3A_65, %reduce_sum3A_66 [1, 2] : vector<1x128x384xf32> to vector<1xf32>
    %reduce_sum3A_68 = vector.shape_cast %reduce_sum3A_67 : vector<1xf32> to vector<1x1x1xf32>
    %reduce_sum3A_69 = vector.extract %reduce_sum3A_68[0, 0, 0] : f32 from vector<1x1x1xf32>
    %convert_element_type3A_70 = arith.extui %lt3A_37 : vector<128x384xi1> to vector<128x384xi32>
    %convert_element_type3A_71 = arith.sitofp %convert_element_type3A_70 : vector<128x384xi32> to vector<128x384xf32>
    %reduce_sum3A_72 = vector.shape_cast %convert_element_type3A_71 : vector<128x384xf32> to vector<1x128x384xf32>
    %reduce_sum3A_73 = arith.constant dense<0.000000e+00> : vector<1xf32>
    %reduce_sum3A_74 = vector.multi_reduction <add>, %reduce_sum3A_72, %reduce_sum3A_73 [1, 2] : vector<1x128x384xf32> to vector<1xf32>
    %reduce_sum3A_75 = vector.shape_cast %reduce_sum3A_74 : vector<1xf32> to vector<1x1x1xf32>
    %reduce_sum3A_76 = vector.extract %reduce_sum3A_75[0, 0, 0] : f32 from vector<1x1x1xf32>
    %jit3A_77 = arith.constant 0.000000e+00 : f32
    %broadcast_in_dim3A_78 = vector.broadcast %jit3A_77 : f32 to vector<128x384xf32>
    %select_n3A_79 = arith.select %gt3A_34, %mul3A_27, %broadcast_in_dim3A_78 : vector<128x384xi1>, vector<128x384xf32>
    %reduce_sum3A_80 = vector.shape_cast %select_n3A_79 : vector<128x384xf32> to vector<1x128x384xf32>
    %reduce_sum3A_81 = arith.constant dense<0.000000e+00> : vector<1xf32>
    %reduce_sum3A_82 = vector.multi_reduction <add>, %reduce_sum3A_80, %reduce_sum3A_81 [1, 2] : vector<1x128x384xf32> to vector<1xf32>
    %reduce_sum3A_83 = vector.shape_cast %reduce_sum3A_82 : vector<1xf32> to vector<1x1x1xf32>
    %reduce_sum3A_84 = vector.extract %reduce_sum3A_83[0, 0, 0] : f32 from vector<1x1x1xf32>
    %jit3A_85 = arith.constant 0.000000e+00 : f32
    %broadcast_in_dim3A_86 = vector.broadcast %jit3A_85 : f32 to vector<128x384xf32>
    %select_n3A_87 = arith.select %lt3A_37, %mul3A_27, %broadcast_in_dim3A_86 : vector<128x384xi1>, vector<128x384xf32>
    %reduce_sum3A_88 = vector.shape_cast %select_n3A_87 : vector<128x384xf32> to vector<1x128x384xf32>
    %reduce_sum3A_89 = arith.constant dense<0.000000e+00> : vector<1xf32>
    %reduce_sum3A_90 = vector.multi_reduction <add>, %reduce_sum3A_88, %reduce_sum3A_89 [1, 2] : vector<1x128x384xf32> to vector<1xf32>
    %reduce_sum3A_91 = vector.shape_cast %reduce_sum3A_90 : vector<1xf32> to vector<1x1x1xf32>
    %reduce_sum3A_92 = vector.extract %reduce_sum3A_91[0, 0, 0] : f32 from vector<1x1x1xf32>
    %iota3A = tpu.iota {dimensions = array<i32: 2>} : vector<1x1x128xi32>
    %broadcast_in_dim3A_93 = arith.constant 0.000000e+00 : f32
    %broadcast_in_dim3A_94 = vector.broadcast %broadcast_in_dim3A_93 : f32 to vector<1x1x128xf32>
    %eq3A = arith.constant 0 : i32
    %eq3A_95 = vector.broadcast %eq3A : i32 to vector<1x1x128xi32>
    %eq3A_96 = arith.cmpi eq, %iota3A, %eq3A_95 : vector<1x1x128xi32>
    %broadcast_in_dim3A_97 = vector.broadcast %reduce_sum3A_42 : f32 to vector<1x1x128xf32>
    %select_n3A_98 = arith.select %eq3A_96, %broadcast_in_dim3A_97, %broadcast_in_dim3A_94 : vector<1x1x128xi1>, vector<1x1x128xf32>
    %eq3A_99 = arith.constant 1 : i32
    %eq3A_100 = vector.broadcast %eq3A_99 : i32 to vector<1x1x128xi32>
    %eq3A_101 = arith.cmpi eq, %iota3A, %eq3A_100 : vector<1x1x128xi32>
    %broadcast_in_dim3A_102 = vector.broadcast %reduce_sum3A_49 : f32 to vector<1x1x128xf32>
    %select_n3A_103 = arith.select %eq3A_101, %broadcast_in_dim3A_102, %select_n3A_98 : vector<1x1x128xi1>, vector<1x1x128xf32>
    %eq3A_104 = arith.constant 2 : i32
    %eq3A_105 = vector.broadcast %eq3A_104 : i32 to vector<1x1x128xi32>
    %eq3A_106 = arith.cmpi eq, %iota3A, %eq3A_105 : vector<1x1x128xi32>
    %broadcast_in_dim3A_107 = vector.broadcast %reduce_sum3A_54 : f32 to vector<1x1x128xf32>
    %select_n3A_108 = arith.select %eq3A_106, %broadcast_in_dim3A_107, %select_n3A_103 : vector<1x1x128xi1>, vector<1x1x128xf32>
    %eq3A_109 = arith.constant 3 : i32
    %eq3A_110 = vector.broadcast %eq3A_109 : i32 to vector<1x1x128xi32>
    %eq3A_111 = arith.cmpi eq, %iota3A, %eq3A_110 : vector<1x1x128xi32>
    %broadcast_in_dim3A_112 = vector.broadcast %reduce_sum3A_62 : f32 to vector<1x1x128xf32>
    %select_n3A_113 = arith.select %eq3A_111, %broadcast_in_dim3A_112, %select_n3A_108 : vector<1x1x128xi1>, vector<1x1x128xf32>
    %eq3A_114 = arith.constant 4 : i32
    %eq3A_115 = vector.broadcast %eq3A_114 : i32 to vector<1x1x128xi32>
    %eq3A_116 = arith.cmpi eq, %iota3A, %eq3A_115 : vector<1x1x128xi32>
    %broadcast_in_dim3A_117 = vector.broadcast %reduce_sum3A_69 : f32 to vector<1x1x128xf32>
    %select_n3A_118 = arith.select %eq3A_116, %broadcast_in_dim3A_117, %select_n3A_113 : vector<1x1x128xi1>, vector<1x1x128xf32>
    %eq3A_119 = arith.constant 5 : i32
    %eq3A_120 = vector.broadcast %eq3A_119 : i32 to vector<1x1x128xi32>
    %eq3A_121 = arith.cmpi eq, %iota3A, %eq3A_120 : vector<1x1x128xi32>
    %broadcast_in_dim3A_122 = vector.broadcast %reduce_sum3A_76 : f32 to vector<1x1x128xf32>
    %select_n3A_123 = arith.select %eq3A_121, %broadcast_in_dim3A_122, %select_n3A_118 : vector<1x1x128xi1>, vector<1x1x128xf32>
    %eq3A_124 = arith.constant 6 : i32
    %eq3A_125 = vector.broadcast %eq3A_124 : i32 to vector<1x1x128xi32>
    %eq3A_126 = arith.cmpi eq, %iota3A, %eq3A_125 : vector<1x1x128xi32>
    %broadcast_in_dim3A_127 = vector.broadcast %reduce_sum3A_84 : f32 to vector<1x1x128xf32>
    %select_n3A_128 = arith.select %eq3A_126, %broadcast_in_dim3A_127, %select_n3A_123 : vector<1x1x128xi1>, vector<1x1x128xf32>
    %eq3A_129 = arith.constant 7 : i32
    %eq3A_130 = vector.broadcast %eq3A_129 : i32 to vector<1x1x128xi32>
    %eq3A_131 = arith.cmpi eq, %iota3A, %eq3A_130 : vector<1x1x128xi32>
    %broadcast_in_dim3A_132 = vector.broadcast %reduce_sum3A_92 : f32 to vector<1x1x128xf32>
    %select_n3A_133 = arith.select %eq3A_131, %broadcast_in_dim3A_132, %select_n3A_128 : vector<1x1x128xi1>, vector<1x1x128xf32>
    %swap3A = arith.constant 0 : index
    %swap3A_134 = arith.constant 0 : index
    %swap3A_135 = arith.constant 0 : index
    %swap3A_136 = vector.load %arg6[%swap3A, %swap3A_134, %swap3A_135] : memref<1x1x128xf32, #tpu.memory_space<vmem>>, vector<1x1x128xf32>
    tpu.vector_store %arg6[%swap3A, %swap3A_134, %swap3A_135], %select_n3A_133 {strides = array<i32>} : memref<1x1x128xf32, #tpu.memory_space<vmem>>, vector<1x1x128xf32>,
    return
  }
  func.func @transform_0(%arg0: i32) -> (i32, i32, i32) {
    %c0_i32 = arith.constant 0 : i32
    %c2_i32 = arith.constant 2 : i32
    %c0_i32_0 = arith.constant 0 : i32
    %c0_i32_1 = arith.constant 0 : i32
    return %c0_i32, %c2_i32, %c0_i32_0 : i32, i32, i32
  }
  func.func @transform_1(%arg0: i32) -> (i32, i32, i32) {
    %c0_i32 = arith.constant 0 : i32
    %c2_i32 = arith.constant 2 : i32
    %c0_i32_0 = arith.constant 0 : i32
    %c0_i32_1 = arith.constant 0 : i32
    return %c0_i32, %c2_i32, %c0_i32_0 : i32, i32, i32
  }
  func.func @transform_2(%arg0: i32) -> (i32, i32, i32) {
    %c0_i32 = arith.constant 0 : i32
    %c2_i32 = arith.constant 2 : i32
    %c0_i32_0 = arith.constant 0 : i32
    %c0_i32_1 = arith.constant 0 : i32
    return %c0_i32, %c2_i32, %c0_i32_0 : i32, i32, i32
  }
  func.func @transform_3(%arg0: i32) -> (i32, i32, i32) {
    %c0_i32 = arith.constant 0 : i32
    %c2_i32 = arith.constant 2 : i32
    %c0_i32_0 = arith.constant 0 : i32
    %c0_i32_1 = arith.constant 0 : i32
    return %c0_i32, %c2_i32, %c0_i32_0 : i32, i32, i32
  }
  func.func @transform_4(%arg0: i32) -> (i32, i32, i32) {
    %c0_i32 = arith.constant 0 : i32
    %c2_i32 = arith.constant 2 : i32
    %c0_i32_0 = arith.constant 0 : i32
    %c0_i32_1 = arith.constant 0 : i32
    return %c0_i32, %c2_i32, %c0_i32_0 : i32, i32, i32
  }
  func.func @transform_5(%arg0: i32) -> (i32, i32, i32) {
    %c0_i32 = arith.constant 0 : i32
    %c0_i32_0 = arith.constant 0 : i32
    %c0_i32_1 = arith.constant 0 : i32
    return %arg0, %c0_i32, %c0_i32_0 : i32, i32, i32
  }
}

module attributes {stable_mosaic.version = 14 : i64} {
  func.func @_sel_body(%arg0: i32, %arg1: memref<24xi32, #tpu.memory_space<smem>>, %arg2: memref<1x384x384xf32, #tpu.memory_space<vmem>>, %arg3: memref<1x384x384xf32, #tpu.memory_space<vmem>>, %arg4: memref<1x384x384xf32, #tpu.memory_space<vmem>>, %arg5: memref<1x1x128xf32, #tpu.memory_space<vmem>>, %arg6: memref<1x1x128xf32, #tpu.memory_space<vmem>>) attributes {dimension_semantics = [#tpu.dimension_semantics<arbitrary>], iteration_bounds = array<i64: 24>, scalar_prefetch = 0 : i64, scratch_operands = 0 : i64, tpu.core_type = #tpu.core_type<tc>, window_params = [{transform_indices = @transform_0, window_bounds = array<i64: 24>}, {transform_indices = @transform_1, window_bounds = array<i64: 1, 384, 384>}, {transform_indices = @transform_2, window_bounds = array<i64: 1, 384, 384>}, {transform_indices = @transform_3, window_bounds = array<i64: 1, 384, 384>}, {transform_indices = @transform_4, window_bounds = array<i64: 1, 1, 128>}, {transform_indices = @transform_5, window_bounds = array<i64: 1, 1, 128>}]} {
    %get3A = arith.constant 0 : index
    %get3A_0 = arith.constant 0 : index
    %get3A_1 = arith.constant 0 : index
    %get3A_2 = vector.load %arg2[%get3A, %get3A_0, %get3A_1] : memref<1x384x384xf32, #tpu.memory_space<vmem>>, vector<1x384x384xf32>
    %get3A_3 = vector.shape_cast %get3A_2 : vector<1x384x384xf32> to vector<384x384xf32>
    %get3A_4 = arith.constant 0 : index
    %get3A_5 = arith.constant 0 : index
    %get3A_6 = arith.constant 0 : index
    %get3A_7 = vector.load %arg3[%get3A_4, %get3A_5, %get3A_6] : memref<1x384x384xf32, #tpu.memory_space<vmem>>, vector<1x384x384xf32>
    %get3A_8 = vector.shape_cast %get3A_7 : vector<1x384x384xf32> to vector<384x384xf32>
    %sub3A = arith.subf %get3A_8, %get3A_3 : vector<384x384xf32>
    %mul3A = arith.mulf %sub3A, %sub3A : vector<384x384xf32>
    %get3A_9 = arith.constant 0 : index
    %get3A_10 = arith.constant 0 : index
    %get3A_11 = arith.constant 0 : index
    %get3A_12 = vector.load %arg4[%get3A_9, %get3A_10, %get3A_11] : memref<1x384x384xf32, #tpu.memory_space<vmem>>, vector<1x384x384xf32>
    %get3A_13 = vector.shape_cast %get3A_12 : vector<1x384x384xf32> to vector<384x384xf32>
    %mul3A_14 = arith.mulf %mul3A, %get3A_13 : vector<384x384xf32>
    %bitcast_convert_type3A = tpu.bitcast %mul3A_14 : vector<384x384xf32> -> vector<384x384xi32>
    %lt3A = arith.constant 1.000000e-01 : f32
    %lt3A_15 = vector.broadcast %lt3A : f32 to vector<384x384xf32>
    %lt3A_16 = arith.cmpf olt, %get3A_3, %lt3A_15 : vector<384x384xf32>
    %jit3A = arith.constant -1 : i32
    %broadcast_in_dim3A = vector.broadcast %jit3A : i32 to vector<384x384xi32>
    %select_n3A = arith.select %lt3A_16, %bitcast_convert_type3A, %broadcast_in_dim3A : vector<384x384xi1>, vector<384x384xi32>
    %get3A_17 = arith.index_cast %arg0 : i32 to index
    %get3A_18 = memref.load %arg1[%get3A_17] : memref<24xi32, #tpu.memory_space<smem>>
    %scan3A = arith.constant 0 : i32
    %scan3A_19 = arith.constant 0 : i32
    %scan3A_20 = arith.constant 0 : i32
    %scan3A_21 = arith.constant 31 : i32
    %scan3A_22 = arith.addi %scan3A_20, %scan3A_21 : i32
    %scan3A_23 = arith.constant 1 : i32
    %scan3A_24:2 = scf.for %scan3A_79 = %scan3A_20 to %scan3A_22 step %scan3A_23 iter_args(%scan3A_80 = %scan3A, %scan3A_81 = %scan3A_19) -> (i32, i32)  : i32 {
      %sub3A_82 = arith.constant 30 : i32
      %sub3A_83 = arith.subi %sub3A_82, %scan3A_79 : i32
      %shift_left3A = arith.constant 1 : i32
      %shift_left3A_84 = arith.shli %shift_left3A, %sub3A_83 : i32
      %or3A = arith.ori %scan3A_80, %shift_left3A_84 : i32
      %or3A_85 = arith.ori %scan3A_81, %shift_left3A_84 : i32
      %ge3A = vector.broadcast %or3A : i32 to vector<384x384xi32>
      %ge3A_86 = arith.cmpi sge, %select_n3A, %ge3A : vector<384x384xi32>
      %convert_element_type3A_87 = arith.extui %ge3A_86 : vector<384x384xi1> to vector<384x384xi32>
      %reduce_sum3A_88 = vector.shape_cast %convert_element_type3A_87 : vector<384x384xi32> to vector<1x384x384xi32>
      %reduce_sum3A_89 = arith.constant dense<0> : vector<1xi32>
      %reduce_sum3A_90 = vector.multi_reduction <add>, %reduce_sum3A_88, %reduce_sum3A_89 [1, 2] : vector<1x384x384xi32> to vector<1xi32>
      %reduce_sum3A_91 = vector.shape_cast %reduce_sum3A_90 : vector<1xi32> to vector<1x1x1xi32>
      %reduce_sum3A_92 = vector.extract %reduce_sum3A_91[0, 0, 0] : i32 from vector<1x1x1xi32>
      %ge3A_93 = vector.broadcast %or3A_85 : i32 to vector<384x384xi32>
      %ge3A_94 = arith.cmpi sge, %bitcast_convert_type3A, %ge3A_93 : vector<384x384xi32>
      %convert_element_type3A_95 = arith.extui %ge3A_94 : vector<384x384xi1> to vector<384x384xi32>
      %reduce_sum3A_96 = vector.shape_cast %convert_element_type3A_95 : vector<384x384xi32> to vector<1x384x384xi32>
      %reduce_sum3A_97 = arith.constant dense<0> : vector<1xi32>
      %reduce_sum3A_98 = vector.multi_reduction <add>, %reduce_sum3A_96, %reduce_sum3A_97 [1, 2] : vector<1x384x384xi32> to vector<1xi32>
      %reduce_sum3A_99 = vector.shape_cast %reduce_sum3A_98 : vector<1xi32> to vector<1x1x1xi32>
      %reduce_sum3A_100 = vector.extract %reduce_sum3A_99[0, 0, 0] : i32 from vector<1x1x1xi32>
      %ge3A_101 = arith.cmpi sge, %reduce_sum3A_92, %get3A_18 : i32
      %select_n3A_102 = arith.select %ge3A_101, %or3A, %scan3A_80 : i32
      %ge3A_103 = arith.constant 500 : i32
      %ge3A_104 = arith.cmpi sge, %reduce_sum3A_100, %ge3A_103 : i32
      %select_n3A_105 = arith.select %ge3A_104, %or3A_85, %scan3A_81 : i32
      scf.yield %select_n3A_102, %select_n3A_105 : i32, i32
    }
    %scan3A_25 = arith.constant 31 : i32
    %broadcast_in_dim3A_26 = vector.broadcast %scan3A_24#0 : i32 to vector<1x1x128xi32>
    %bitcast_convert_type3A_27 = tpu.bitcast %broadcast_in_dim3A_26 : vector<1x1x128xi32> -> vector<1x1x128xf32>
    %broadcast_in_dim3A_28 = vector.broadcast %scan3A_24#1 : i32 to vector<1x1x128xi32>
    %bitcast_convert_type3A_29 = tpu.bitcast %broadcast_in_dim3A_28 : vector<1x1x128xi32> -> vector<1x1x128xf32>
    %gt3A = vector.broadcast %scan3A_24#0 : i32 to vector<384x384xi32>
    %gt3A_30 = arith.cmpi sgt, %select_n3A, %gt3A : vector<384x384xi32>
    %gt3A_31 = vector.broadcast %scan3A_24#1 : i32 to vector<384x384xi32>
    %gt3A_32 = arith.cmpi sgt, %bitcast_convert_type3A, %gt3A_31 : vector<384x384xi32>
    %convert_element_type3A = arith.extui %gt3A_30 : vector<384x384xi1> to vector<384x384xi32>
    %convert_element_type3A_33 = arith.sitofp %convert_element_type3A : vector<384x384xi32> to vector<384x384xf32>
    %reduce_sum3A = vector.shape_cast %convert_element_type3A_33 : vector<384x384xf32> to vector<1x384x384xf32>
    %reduce_sum3A_34 = arith.constant dense<0.000000e+00> : vector<1xf32>
    %reduce_sum3A_35 = vector.multi_reduction <add>, %reduce_sum3A, %reduce_sum3A_34 [1, 2] : vector<1x384x384xf32> to vector<1xf32>
    %reduce_sum3A_36 = vector.shape_cast %reduce_sum3A_35 : vector<1xf32> to vector<1x1x1xf32>
    %reduce_sum3A_37 = vector.extract %reduce_sum3A_36[0, 0, 0] : f32 from vector<1x1x1xf32>
    %convert_element_type3A_38 = arith.extui %gt3A_32 : vector<384x384xi1> to vector<384x384xi32>
    %convert_element_type3A_39 = arith.sitofp %convert_element_type3A_38 : vector<384x384xi32> to vector<384x384xf32>
    %reduce_sum3A_40 = vector.shape_cast %convert_element_type3A_39 : vector<384x384xf32> to vector<1x384x384xf32>
    %reduce_sum3A_41 = arith.constant dense<0.000000e+00> : vector<1xf32>
    %reduce_sum3A_42 = vector.multi_reduction <add>, %reduce_sum3A_40, %reduce_sum3A_41 [1, 2] : vector<1x384x384xf32> to vector<1xf32>
    %reduce_sum3A_43 = vector.shape_cast %reduce_sum3A_42 : vector<1xf32> to vector<1x1x1xf32>
    %reduce_sum3A_44 = vector.extract %reduce_sum3A_43[0, 0, 0] : f32 from vector<1x1x1xf32>
    %jit3A_45 = arith.constant 0.000000e+00 : f32
    %broadcast_in_dim3A_46 = vector.broadcast %jit3A_45 : f32 to vector<384x384xf32>
    %select_n3A_47 = arith.select %gt3A_30, %mul3A_14, %broadcast_in_dim3A_46 : vector<384x384xi1>, vector<384x384xf32>
    %reduce_sum3A_48 = vector.shape_cast %select_n3A_47 : vector<384x384xf32> to vector<1x384x384xf32>
    %reduce_sum3A_49 = arith.constant dense<0.000000e+00> : vector<1xf32>
    %reduce_sum3A_50 = vector.multi_reduction <add>, %reduce_sum3A_48, %reduce_sum3A_49 [1, 2] : vector<1x384x384xf32> to vector<1xf32>
    %reduce_sum3A_51 = vector.shape_cast %reduce_sum3A_50 : vector<1xf32> to vector<1x1x1xf32>
    %reduce_sum3A_52 = vector.extract %reduce_sum3A_51[0, 0, 0] : f32 from vector<1x1x1xf32>
    %jit3A_53 = arith.constant 0.000000e+00 : f32
    %broadcast_in_dim3A_54 = vector.broadcast %jit3A_53 : f32 to vector<384x384xf32>
    %select_n3A_55 = arith.select %gt3A_32, %mul3A_14, %broadcast_in_dim3A_54 : vector<384x384xi1>, vector<384x384xf32>
    %reduce_sum3A_56 = vector.shape_cast %select_n3A_55 : vector<384x384xf32> to vector<1x384x384xf32>
    %reduce_sum3A_57 = arith.constant dense<0.000000e+00> : vector<1xf32>
    %reduce_sum3A_58 = vector.multi_reduction <add>, %reduce_sum3A_56, %reduce_sum3A_57 [1, 2] : vector<1x384x384xf32> to vector<1xf32>
    %reduce_sum3A_59 = vector.shape_cast %reduce_sum3A_58 : vector<1xf32> to vector<1x1x1xf32>
    %reduce_sum3A_60 = vector.extract %reduce_sum3A_59[0, 0, 0] : f32 from vector<1x1x1xf32>
    %convert_element_type3A_61 = arith.sitofp %get3A_18 : i32 to f32
    %sub3A_62 = arith.subf %convert_element_type3A_61, %reduce_sum3A_37 : f32
    %mul3A_63 = vector.broadcast %sub3A_62 : f32 to vector<1x1x128xf32>
    %mul3A_64 = arith.mulf %mul3A_63, %bitcast_convert_type3A_27 : vector<1x1x128xf32>
    %add3A = vector.broadcast %reduce_sum3A_52 : f32 to vector<1x1x128xf32>
    %add3A_65 = arith.addf %add3A, %mul3A_64 : vector<1x1x128xf32>
    %swap3A = arith.constant 0 : index
    %swap3A_66 = arith.constant 0 : index
    %swap3A_67 = arith.constant 0 : index
    %swap3A_68 = vector.load %arg5[%swap3A, %swap3A_66, %swap3A_67] : memref<1x1x128xf32, #tpu.memory_space<vmem>>, vector<1x1x128xf32>
    tpu.vector_store %arg5[%swap3A, %swap3A_66, %swap3A_67], %add3A_65 {strides = array<i32>} : memref<1x1x128xf32, #tpu.memory_space<vmem>>, vector<1x1x128xf32>,
    %sub3A_69 = arith.constant 5.000000e+02 : f32
    %sub3A_70 = arith.subf %sub3A_69, %reduce_sum3A_44 : f32
    %mul3A_71 = vector.broadcast %sub3A_70 : f32 to vector<1x1x128xf32>
    %mul3A_72 = arith.mulf %mul3A_71, %bitcast_convert_type3A_29 : vector<1x1x128xf32>
    %add3A_73 = vector.broadcast %reduce_sum3A_60 : f32 to vector<1x1x128xf32>
    %add3A_74 = arith.addf %add3A_73, %mul3A_72 : vector<1x1x128xf32>
    %swap3A_75 = arith.constant 0 : index
    %swap3A_76 = arith.constant 0 : index
    %swap3A_77 = arith.constant 0 : index
    %swap3A_78 = vector.load %arg6[%swap3A_75, %swap3A_76, %swap3A_77] : memref<1x1x128xf32, #tpu.memory_space<vmem>>, vector<1x1x128xf32>
    tpu.vector_store %arg6[%swap3A_75, %swap3A_76, %swap3A_77], %add3A_74 {strides = array<i32>} : memref<1x1x128xf32, #tpu.memory_space<vmem>>, vector<1x1x128xf32>,
    return
  }
  func.func @transform_0(%arg0: i32) -> i32 {
    %c0_i32 = arith.constant 0 : i32
    %c0_i32_0 = arith.constant 0 : i32
    return %c0_i32 : i32
  }
  func.func @transform_1(%arg0: i32) -> (i32, i32, i32) {
    %c0_i32 = arith.constant 0 : i32
    %c0_i32_0 = arith.constant 0 : i32
    %c0_i32_1 = arith.constant 0 : i32
    return %arg0, %c0_i32, %c0_i32_0 : i32, i32, i32
  }
  func.func @transform_2(%arg0: i32) -> (i32, i32, i32) {
    %c0_i32 = arith.constant 0 : i32
    %c0_i32_0 = arith.constant 0 : i32
    %c0_i32_1 = arith.constant 0 : i32
    return %arg0, %c0_i32, %c0_i32_0 : i32, i32, i32
  }
  func.func @transform_3(%arg0: i32) -> (i32, i32, i32) {
    %jit3A = arith.constant 12 : i32
    %eq3A = arith.constant 0 : i32
    %eq3A_0 = arith.cmpi eq, %jit3A, %eq3A : i32
    %jit3A_1 = arith.constant 1 : i32
    %select_n3A = arith.select %eq3A_0, %jit3A_1, %jit3A : i32
    %rem3A = arith.remsi %arg0, %select_n3A : i32
    %ne3A = arith.constant 0 : i32
    %ne3A_2 = arith.cmpi ne, %rem3A, %ne3A : i32
    %lt3A = arith.constant 0 : i32
    %lt3A_3 = arith.cmpi slt, %rem3A, %lt3A : i32
    %lt3A_4 = arith.constant 0 : i32
    %lt3A_5 = arith.cmpi slt, %select_n3A, %lt3A_4 : i32
    %ne3A_6 = arith.xori %lt3A_3, %lt3A_5 : i1
    %and3A = arith.andi %ne3A_6, %ne3A_2 : i1
    %add3A = arith.addi %rem3A, %select_n3A : i32
    %select_n3A_7 = arith.select %and3A, %add3A, %rem3A : i32
    %c0_i32 = arith.constant 0 : i32
    %c0_i32_8 = arith.constant 0 : i32
    %c0_i32_9 = arith.constant 0 : i32
    return %select_n3A_7, %c0_i32, %c0_i32_8 : i32, i32, i32
  }
  func.func @transform_4(%arg0: i32) -> (i32, i32, i32) {
    %c0_i32 = arith.constant 0 : i32
    %c0_i32_0 = arith.constant 0 : i32
    %c0_i32_1 = arith.constant 0 : i32
    return %arg0, %c0_i32, %c0_i32_0 : i32, i32, i32
  }
  func.func @transform_5(%arg0: i32) -> (i32, i32, i32) {
    %c0_i32 = arith.constant 0 : i32
    %c0_i32_0 = arith.constant 0 : i32
    %c0_i32_1 = arith.constant 0 : i32
    return %arg0, %c0_i32, %c0_i32_0 : i32, i32, i32
  }
}

</mosaic_0001>

<sc_bundles>
// kernel: kernel.5.cloned.1.call-start
scs
__scs_entry_jumppad:
0x0: {  	(pc) =	sbr.rel $0x88, $3  }
0x1: {  	(tag) =	ssettag $0x0;
	lr =	simm.s32 $0x1  }
0x2: {  	[smem:$0x3F9C] =	sst lr;
	_ =	strace $0xD0000000  }
0x3: {  	_ = 	snop  }
0x4: {  	_ = 	snop  }
0x5: {  	_ = 	snop  }
0x6: {  	_ = 	snop  }
0x7: {  	_ = 	snop  }
__scs_overlays_trampoline_lowered:
0x8: {  	[smem:$0x3FAB] =	sst s0  }
0x9: {  	[smem:$0x3FAC] =	sst s1  }
0xa: {  	[smem:$0x3FAD] =	sst s2  }
0xb: {  	[smem:$0x3FAE] =	sst s3  }
0xc: {  	[smem:$0x3FAF] =	sst s4  }
0xd: {  	[smem:$0x3FB0] =	sst s5  }
0xe: {  	[smem:$0x3FB1] =	sst s6  }
0xf: {  	[smem:$0x3FB2] =	sst s7  }
0x10: {  	[smem:$0x3FB3] =	sst s8  }
0x11: {  	[smem:$0x3FB4] =	sst s9;
	s0 =	simm.s32 @!p0 $0x0  }
0x12: {  	s1 =	sld [smem:$0x3F9A];
	s0 =	simm.s32 @p0 $0x1  }
0x13: {  	[smem:$0x3FB5] =	sst s0;
	s0 =	simm.s32 @!p1 $0x0  }
0x14: {  	s2 =	sld [smem:$0x3F99];
	s0 =	simm.s32 @p1 $0x1  }
0x15: {  	[smem:$0x3FB6] =	sst s0;
	s0 =	simm.s32 @!p2 $0x0  }
0x16: {  	s3 =	sld [smem:$0x3FDB];
	s0 =	simm.s32 @p2 $0x1  }
0x17: {  	s4 =	simm.s32 $0x1BF5;
	[smem:$0x3FB8] =	sst s0  }
0x18: {  	s0 =	sld [smem:$0x3F9B];
	_ =	swait.ge [sflag:s4], $0x0  }
0x19: {  	s7 =	sld [smem:$0x3F9C]  }
0x1a: {  	s8 =	sadd.s32 $0xFFFFE003, lr  }
0x1b: {  	s9 =	sadd.s32 $0xFFFFFEF7, lr;
	s5 =	simm.s32 $0xFFFFFFFF;
	p2 =	slt.u32 s8, $0xFFFFF086  }
0x1c: {  	p1 =	slt.u32 s9, $0xF7A;
	s5 =	simm.s32 @!p2 $0x0  }
0x1d: {  	s5 =	simm.s32 @p1 $0x1;
	p0 =	seq.s32 s7, s2  }
0x1e: {  	s7 =	smul.u32 @!p0 $0xF7A, s2;
	p2 =	seq.s32 @!p0 s5, $0x0  }
0x1f: {  	s9 =	smul.u32 $0xF7A, s1;
	s8 =	simm.s32 @!p0 $0x1BF5;
	p2 =	por !p2, p0  }
0x20: {  	[sflag:s8] =	ssyncset.s32 @!p0 $0xFFFFF086;
	s6 =	sadd.s32 @!p0 s3, s7;
	s7 =	simm.s32 @!p0 $0x108  }
0x21: {  	s3 =	sadd.s32 s3, s9;
	s6 =	sadd.s32 @!p0 $0x88, s6;
	s7 =	simm.s32 @p2 $0x1082  }
0x22: {  	[simem:s7], [sflag:s8] =	dma.local @!p0 [hbm:s6], $0xF7A  }
0x23: {  	s9 =	sor.u32 $0xD0000000, s2;
	s6 =	simm.s32 $0x108;
	_ =	swait.ge @!p0 [sflag:s8], $0x0  }
0x24: {  	s3 =	sadd.s32 $0x88, s3;
	s6 =	simm.s32 @!p1 $0x1082;
	[sflag:s4] =	ssyncset.s32 $0xFFFFF086  }
0x25: {  	[simem:s6], [sflag:s4] =	dma.local [hbm:s3], $0xF7A  }
0x26: {  	[smem:$0x3F9C] =	sst s1;
	(tag) =	ssettag s2;
	_ =	strace s9  }
0x27: {  	s1 =	sld [smem:$0x3FAC]  }
0x28: {  	s2 =	sld [smem:$0x3FAD]  }
0x29: {  	s4 =	sld [smem:$0x3FAF]  }
0x2a: {  	p0 =	seq.s32 s5, $0x0;
	s5 =	sld [smem:$0x3FB0]  }
0x2b: {  	s6 =	sld [smem:$0x3FB1]  }
0x2c: {  	s7 =	sld [smem:$0x3FB2]  }
0x2d: {  	s3 =	simm.s32 $0x108;
	s8 =	sld [smem:$0x3FB3]  }
0x2e: {  	s3 =	simm.s32 @!p0 $0x1082;
	s9 =	sld [smem:$0x3FB4]  }
0x2f: {  	lr =	sadd.s32 s0, s3;
	s0 =	sld [smem:$0x3FAB]  }
0x30: {  	s3 =	sld [smem:$0x3FAE]  }
0x31: {  	[smem:$0x3FB7] =	sst s10  }
0x32: {  	s10 =	sld [smem:$0x3FB5];
	_ =	sdelay $0x3  }
0x33: {  	p0 =	seq.s32 s10, $0x1;
	s10 =	sld [smem:$0x3FB7];
	_ =	sdelay $0x3  }
0x34: {  	[smem:$0x3FB7] =	sst s10  }
0x35: {  	s10 =	sld [smem:$0x3FB6];
	_ =	sdelay $0x3  }
0x36: {  	p1 =	seq.s32 s10, $0x1;
	s10 =	sld [smem:$0x3FB7];
	_ =	sdelay $0x3  }
0x37: {  	[smem:$0x3FB7] =	sst s10  }
0x38: {  	s10 =	sld [smem:$0x3FB8]  }
0x39: {  	_ = 	snop;
	(pc) =	sbr.ind lr, $3  }
0x3a: {  	_ = 	snop  }
0x3b: {  	_ = 	snop  }
0x3c: {  	p2 =	seq.s32 s10, $0x1;
	s10 =	sld [smem:$0x3FB7]  }
0x3d: {  	_ =	shalt  }
0x3e: {  	_ =	shalt  }
0x3f: {  	_ =	shalt  }
0x40: {  	_ =	shalt  }
0x41: {  	_ =	shalt  }
0x42: {  	_ =	shalt  }
0x43: {  	_ =	shalt  }
0x44: {  	_ =	shalt  }
0x45: {  	_ =	shalt  }
0x46: {  	_ =	shalt  }
0x47: {  	_ =	shalt  }
0x48: {  	_ =	shalt  }
0x49: {  	_ =	shalt  }
0x4a: {  	_ =	shalt  }
0x4b: {  	_ =	shalt  }
0x4c: {  	_ =	shalt  }
0x4d: {  	_ =	shalt  }
0x4e: {  	_ =	shalt  }
0x4f: {  	_ =	shalt  }
0x50: {  	_ =	shalt  }
0x51: {  	_ =	shalt  }
0x52: {  	_ =	shalt  }
0x53: {  	_ =	shalt  }
0x54: {  	_ =	shalt  }
0x55: {  	_ =	shalt  }
0x56: {  	_ =	shalt  }
0x57: {  	_ =	shalt  }
0x58: {  	_ =	shalt  }
0x59: {  	_ =	shalt  }
0x5a: {  	_ =	shalt  }
0x5b: {  	_ =	shalt  }
0x5c: {  	_ =	shalt  }
0x5d: {  	_ =	shalt  }
0x5e: {  	_ =	shalt  }
0x5f: {  	_ =	shalt  }
0x60: {  	_ =	shalt  }
0x61: {  	_ =	shalt  }
0x62: {  	_ =	shalt  }
0x63: {  	_ =	shalt  }
0x64: {  	_ =	shalt  }
0x65: {  	_ =	shalt  }
0x66: {  	_ =	shalt  }
0x67: {  	_ =	shalt  }
0x68: {  	_ =	shalt  }
0x69: {  	_ =	shalt  }
0x6a: {  	_ =	shalt  }
0x6b: {  	_ =	shalt  }
0x6c: {  	_ =	shalt  }
0x6d: {  	_ =	shalt  }
0x6e: {  	_ =	shalt  }
0x6f: {  	_ =	shalt  }
0x70: {  	_ =	shalt  }
0x71: {  	_ =	shalt  }
0x72: {  	_ =	shalt  }
0x73: {  	_ =	shalt  }
0x74: {  	_ =	shalt  }
0x75: {  	_ =	shalt  }
0x76: {  	_ =	shalt  }
0x77: {  	_ =	shalt  }
0x78: {  	_ =	shalt  }
0x79: {  	_ =	shalt  }
0x7a: {  	_ =	shalt  }
0x7b: {  	_ =	shalt  }
0x7c: {  	_ =	shalt  }
0x7d: {  	_ =	shalt  }
0x7e: {  	_ =	shalt  }
0x7f: {  	_ =	shalt  }
0x80: {  	_ =	shalt  }
0x81: {  	_ =	shalt  }
0x82: {  	_ =	shalt  }
0x83: {  	_ =	shalt  }
0x84: {  	_ =	shalt  }
0x85: {  	_ =	shalt  }
0x86: {  	_ =	shalt  }
0x87: {  	_ =	shalt  }
.Lfunc_end0:
.L_simem_size_0:
called_computation_lowered:
.L_overlay_start_0:
0x88: {  	s2 =	sld [smem:$0x3FD9]  }
0x89: {  	s3 =	sld [smem:$0x3FFE];
	_ =	sdelay $0x1  }
0x8a: {  	s1 =	srdreg.scid  }
0x8b: {  	s0 =	sand.u32 $0x1, s1  }
0x8c: {  	s17 =	sshll.u32 s0, $0xA;
	s2 =	sadd.s32 s3, s2  }
0x8d: {  	s2 =	sadd.s32 s2, s17  }
0x8e: {  	[smem:$0x3FC3] =	sst s2  }
0x8f: {  	_ = 	snop  }
0x90: {  	s2 =	sld [smem:$0x3FC9]  }
0x91: {  	s18 =	sld [smem:$0x3FC8]  }
0x92: {  	s4 =	sld [smem:$0x3FC7]  }
0x93: {  	s5 =	sld [smem:$0x3FC6]  }
0x94: {  	s6 =	sld [smem:$0x3FC5];
	(tm) =	ssettm $0x1  }
0x95: {  	s7 =	sld [smem:$0x3FFB];
	_ =	sdelay $0x3  }
0x96: {  	_ =	strace s7  }
0x97: {  	s7 =	sld [smem:$0x3FFC];
	_ =	sdelay $0x3  }
0x98: {  	_ =	strace s7  }
0x99: {  	s7 =	sld [smem:$0x3FFD];
	_ =	sdelay $0x3  }
0x9a: {  	_ =	strace s7  }
0x9b: {  	_ =	strace $0x8FFFFFFF  }
0x9c: {  	s19 =	sld [smem:$0x3FDB];
	_ =	sdelay $0x1  }
0x9d: {  	s8 =	simm.s32 $_scs_section_size  }
0x9e: {  	s9 =	simm.s32 $_size__tile_overlayer_lowered;
	s10 =	simm.s32 $_tile_overlayer_lowered  }
0x9f: {  	s22 =	simm.s32 $0x1BFF;
	s21 =	sshll.u32 s10, $0x1;
	s7 =	sadd.s32 s8, s19  }
0xa0: {  	s11 =	simm.s32 $0x0;
	s20 =	sshll.u32 s9, $0x1;
	s9 =	sadd.s32 s21, s7  }
0xa1: {  	[timem:s11], [sflag:s22] =	dma.local [hbm:s9], s20  }
0xa2: {  	_ =	swait.ge [sflag:s22], s20  }
0xa3: {  	s8 =	ssub.s32 $0x0, s20;
	[sflag:s22] =	ssyncset.done $0x0  }
0xa4: {  	[sflag:s22] =	ssyncadd.s32 s8;
	_ =	sdelay $0x1  }
0xa5: {  	s23 =	simm.s32 $0x1B8B  }
0xa6: {  	_ =	swait.ge [sflag:s23], $0x1  }
0xa7: {  	[sflag:s23] =	ssyncset.done $0x0  }
0xa8: {  	s25 =	simm.s32 $0x1B8E;
	s24 =	sld [smem:$0x3FFE];
	[sflag:s23] =	ssyncadd.s32 $0xFFFFFFFF  }
0xa9: {  	s26 =	simm.s32 $execute0_lowered;
	[smem:$0x3FD2] =	sst s25  }
0xaa: {  	s9 =	sshll.u32 s26, $0x1;
	_ =	strace $0x80000046;
	[dreg:$0x1] =	wrdreg $0xFFFFFFFF  }
0xab: {  	s28 =	simm.s32 $_size_execute0_lowered;
	s7 =	sadd.s32 s7, s9;
	[dreg:$0x0] =	wrdreg $0x0  }
0xac: {  	s9 =	sshll.u32 s28, $0x1;
	[dreg:$0x2] =	wrdreg s7  }
0xad: {  	[dreg:$0x3] =	wrdreg s9  }
0xae: {  	[dreg:$0x4] =	wrdreg $0xC0  }
0xaf: {  	_ =	task [dreg:s11], $0x5FFFF  }
0xb0: {  	[dreg:$0x1] =	wrdreg $0xFFFFFFFF  }
0xb1: {  	[dreg:$0x0] =	wrdreg $0x60  }
0xb2: {  	[dreg:$0x2] =	wrdreg s2  }
0xb3: {  	[dreg:$0x3] =	wrdreg s18  }
0xb4: {  	[dreg:$0x4] =	wrdreg s4  }
0xb5: {  	[dreg:$0x5] =	wrdreg s5  }
0xb6: {  	[dreg:$0x6] =	wrdreg s6  }
0xb7: {  	[dreg:$0x7] =	wrdreg s24  }
0xb8: {  	[dreg:$0x8] =	wrdreg $0x9  }
0xb9: {  	_ =	task.clear_ibuf [dreg:s11], $0x9FFFF;
	_ =	strace $0x90000046  }
0xba: {  	s29 =	simm.s32 $0x9;
	_ =	strace $0x80000048  }
0xbb: {  	_ =	swait.ge [sflag:s29], $0x1  }
0xbc: {  	[sflag:s29] =	ssyncadd.s32 $0xFFFFFFFF  }
0xbd: {  	_ =	strace $0x90000048  }
0xbe: {  	_ =	sfence  }
0xbf: {  	s30 =	sld [smem:$0x0];
	_ =	sdelay $0x2  }
0xc0: {  	s31 =	sshll.u32 s1, $0xD;
	s1 =	sshrl.u32 s1, $0x2  }
0xc1: {  	s3 =	sand.u32 $0x4000, s31;
	s1 =	sadd.s32 s1, s30  }
0xc2: {  	s0 =	sor.u32 s3, s0;
	s1 =	sshll.u32 s1, $0x11  }
0xc3: {  	s0 =	sor.u32 s1, s0  }
0xc4: {  	s0 =	sadd.s32 $0x8F2B, s0  }
0xc5: {  	[sflag:s0] =	ssyncadd.remote.s32 $0x1  }
0xc6: {  	_ =	sfence.sel $0xFFFF  }
0xc7: {  	[dreg:$0x0] =	wrdreg $0xFFFFFFFF;
	(pc) =	sbr.abs _section_cstart, $3  }
0xc8: {  	[dreg:$0x1] =	wrdreg $0xFFFFFFFF  }
0xc9: {  	_ =	task.clear_ibuf [dreg:s11], $0x2FFFF;
	_ =	strace $0x9FFFFFFF  }
0xca: {  	(tm) =	ssettm $0x7FFFFFFF  }
0xcb: {  	_ =	shalt  }
tec
execute0_lowered:
.L_overlay_start_1:
0x0: {  	(tag) =	ssettag $0x1  }
0x1: {  	s3 =	rddreg [dreg:$0x0]  }
0x2: {  	s4 =	rddreg [dreg:$0x1]  }
0x3: {  	s5 =	rddreg [dreg:$0x2]  }
0x4: {  	s6 =	rddreg [dreg:$0x3]  }
0x5: {  	s0 =	srdreg.scid;
	s7 =	rddreg [dreg:$0x4]  }
0x6: {  	s9 =	rddreg [dreg:$0x5];
	s1 =	stileid.u32  }
0x7: {  	s2 =	simm.s32 $0x0;
	s15 =	simm.s32 $0xC0;
	s13 =	simm.s32 $0x3000  }
0x8: {  	s14 =	simm.s32 $0x1;
	s16 =	simm.s32 $0x2;
	s17 =	simm.s32 $0x0  }
0x9: {  	s8 =	sand.u32 $0x1, s0;
	[smem:$0x7FF] =	sst s2;
	s31 =	sshll.u32 s1, $0x4  }
0xa: {  	s10 =	sshll.u32 s8, $0x4;
	s11 =	ssub.s32 $0x2, s8;
	_ =	strace $0x80000047  }
0xb: {  	s8 =	sshll.u32 s8, $0x8;
	s9 =	sadd.s32 s9, s31;
	[dreg:$0x7] =	wrdreg s15  }
0xc: {  	s15 =	simm.s32 $0x3C00;
	s10 =	sor.u32 s1, s10;
	s12 =	sshrl.u32 s11, $0x1  }
0xd: {  	s8 =	sadd.s32 s8, s9;
	s10 =	smul.u32 $0x180, s10;
	s11 =	ssub.s32 s11, s12  }
0xe: {  	s12 =	simm.s32 $0x2400;
	s9 =	smax.u32 s11, $0x1;
	s11 =	simm.s32 $0x1800  }
0xf: {  	s3 =	sadd.s32 s3, s10;
	s4 =	sadd.s32 s4, s10;
	s5 =	sadd.s32 s5, s10  }
0x10: {  	v0 =	vimm.f32 $0.0e+00;
	s6 =	sadd.s32 s6, s10;
	s7 =	sadd.s32 s7, s10;
	s10 =	simm.s32 $0xC00  }
.LBB2_1:
0x11: {  	[tilespmem:s2], [sflag:$0x1] =	stream.linear.gather [hbm4b:s3+s2], $0xC00, $0x38;
	[tilespmem:$0x3C80] =	vst v63  }
0x12: {  	_ = 	snop  }
0x13: {  	[tilespmem:s10], [sflag:$0x1] =	stream.linear.gather [hbm4b:s4+s2], $0xC00, $0x38;
	[tilespmem:$0x3C80] =	vst v63  }
0x14: {  	_ = 	snop  }
0x15: {  	[tilespmem:s11], [sflag:$0x1] =	stream.linear.gather [hbm4b:s5+s2], $0xC00, $0x38;
	[tilespmem:$0x3C80] =	vst v63  }
0x16: {  	_ = 	snop  }
0x17: {  	[tilespmem:s12], [sflag:$0x1] =	stream.linear.gather [hbm4b:s6+s2], $0xC00, $0x38;
	[tilespmem:$0x3C80] =	vst v63  }
0x18: {  	_ = 	snop  }
0x19: {  	[tilespmem:s13], [sflag:$0x1] =	stream.linear.gather [hbm4b:s7+s2], $0xC00, $0x38;
	[tilespmem:$0x3C80] =	vst v63  }
0x1a: {  	_ =	swait.ge [sflag:s14], $0xC00  }
0x1b: {  	[sflag:s14] =	ssyncset.done $0x0  }
0x1c: {  	[sflag:s14] =	ssyncadd.s32 $0xFFFFF400  }
0x1d: {  	_ =	swait.ge [sflag:s14], $0xC00  }
0x1e: {  	[sflag:s14] =	ssyncset.done $0x0  }
0x1f: {  	[sflag:s14] =	ssyncadd.s32 $0xFFFFF400  }
0x20: {  	_ =	swait.ge [sflag:s14], $0xC00  }
0x21: {  	[sflag:s14] =	ssyncset.done $0x0  }
0x22: {  	[sflag:s14] =	ssyncadd.s32 $0xFFFFF400  }
0x23: {  	_ =	swait.ge [sflag:s14], $0xC00  }
0x24: {  	[sflag:s14] =	ssyncset.done $0x0  }
0x25: {  	[sflag:s14] =	ssyncadd.s32 $0xFFFFF400  }
0x26: {  	s18 =	sand.u32 $0x1, s2;
	_ =	swait.ge [sflag:s14], $0xC00  }
0x27: {  	p0 =	seq.s32 s18, $0x1;
	s22 =	rddreg [dreg:$0x7]  }
0x28: {  	s22 =	simm.s32 @!p0 $0x0  }
0x29: {  	s24 =	sshll.u32 s22, $0x3  }
0x2a: {  	s18 =	sand.u32 $0x380, s2;
	s19 =	sand.u32 $0x400, s24  }
0x2b: {  	[sflag:s14] =	ssyncset.done $0x0;
	s23 =	sand.u32 $0x40, s22;
	s19 =	sor.u32 s19, s18  }
0x2c: {  	[sflag:s14] =	ssyncadd.s32 $0xFFFFF400;
	s25 =	sor.u32 s23, s19  }
0x2d: {  	v1 =	vld [tilespmem:s25+$0x30]  }
0x2e: {  	v2 =	vld [tilespmem:s25+$0xC30]  }
0x2f: {  	v5 =	vld [tilespmem:s25+$0x1830]  }
0x30: {  	v6 =	vld [tilespmem:s25+$0x2430]  }
0x31: {  	v7 =	vld [tilespmem:s25+$0x20]  }
0x32: {  	v10 =	vld [tilespmem:s25+$0xC20]  }
0x33: {  	v11 =	vld [tilespmem:s25+$0x1820]  }
0x34: {  	v13 =	vld [tilespmem:s25+$0x2420]  }
0x35: {  	v14 =	vld [tilespmem:s25+$0x10]  }
0x36: {  	v15 =	vld [tilespmem:s25+$0xC10]  }
0x37: {  	v16 =	vld [tilespmem:s25+$0x1810]  }
0x38: {  	v17 =	vld [tilespmem:s25+$0x2410]  }
0x39: {  	v12 =	vld [tilespmem:s25+$0x0]  }
0x3a: {  	v18 =	vld [tilespmem:s25+$0xC00]  }
0x3b: {  	v19 =	vld [tilespmem:s25+$0x1800]  }
0x3c: {  	s30 =	sadd.s32 $0xB0, s22;
	s24 =	sadd.s32 $0x400, s24;
	v20 =	vld [tilespmem:s25+$0x2400]  }
0x3d: {  	s20 =	sshll.u32 s30, $0x3;
	s24 =	sand.u32 $0xC00, s24;
	v45 =	vld [tilespmem:s25+$0x3000]  }
0x3e: {  	s19 =	sor.u32 s20, s30;
	s24 =	sor.u32 s24, s18;
	v34 =	vld [tilespmem:s25+$0x3010]  }
0x3f: {  	s19 =	sand.u32 $0xC70, s19;
	s23 =	sor.u32 s23, s24;
	v36 =	vld [tilespmem:s25+$0x3030]  }
0x40: {  	s31 =	sadd.s32 $0xA0, s22;
	s19 =	sor.u32 s18, s19;
	v60 =	vld [tilespmem:s23+$0x0]  }
0x41: {  	v3 =	vimm.s32 $0x0;
	s21 =	sshll.u32 s31, $0x3;
	v21 =	vld [tilespmem:s19+$0x0];
	vm0 =	vgt.f32 v1, $1.000000010e-01;
	vm8 =	vlt.f32 v1, $1.000000010e-01  }
0x42: {  	s20 =	sor.u32 s21, s31;
	v23 =	vld [tilespmem:s19+$0xC00];
	vm7 =	vgt.f32 v2, $1.000000010e-01;
	vm15 =	vlt.f32 v2, $1.000000010e-01;
	vm2 =	vgt.f32 v7, $1.000000010e-01  }
0x43: {  	s20 =	sand.u32 $0xC60, s20;
	v24 =	vld [tilespmem:s19+$0x1800];
	vm1 =	vlt.f32 v7, $1.000000010e-01;
	vm9 =	vgt.f32 v10, $1.000000010e-01;
	vm4 =	vgt.f32 v14, $1.000000010e-01  }
0x44: {  	s20 =	sor.u32 s18, s20;
	v26 =	vld [tilespmem:s19+$0x2400];
	vm3 =	vlt.f32 v14, $1.000000010e-01;
	vm5 =	vlt.f32 v10, $1.000000010e-01;
	v19 =	vsub.f32 v19, v12  }
0x45: {  	s0 =	sadd.s32 $0x90, s22;
	v27 =	vld [tilespmem:s20+$0x0];
	vm10 =	vlt.f32 v15, $1.000000010e-01;
	v5 =	vsub.f32 v5, v1;
	vm6 =	vlt.f32 v12, $1.000000010e-01  }
0x46: {  	s26 =	sshll.u32 s0, $0x3;
	v25 =	vld [tilespmem:s20+$0xC00];
	v35 =	vsub.f32 v6, v2;
	vm11 =	vgt.f32 v18, $1.000000010e-01;
	v2 =	vsub.f32 v16, v14  }
0x47: {  	s21 =	sor.u32 s26, s0;
	v6 =	vsub.f32 v11, v7;
	v7 =	vsub.f32 v13, v10;
	vm14 =	vlt.f32 v18, $1.000000010e-01;
	v11 =	vld [tilespmem:s25+$0x3020]  }
0x48: {  	s21 =	sand.u32 $0xC50, s21;
	v28 =	vld [tilespmem:s20+$0x1800];
	v10 =	vsub.f32 v17, v15;
	v17 =	vsub.f32 v20, v18;
	v1 =	vmul.f32 v19, v19  }
0x49: {  	s26 =	sadd.s32 $0x70, s22;
	s21 =	sor.u32 s18, s21;
	v30 =	vld [tilespmem:s20+$0x2400];
	v3 =	vsel vm5, $0xFFFFFFFF, v3;
	vm5 =	vgt.f32 v15, $1.000000010e-01;
	v2 =	vmul.f32 v2, v2  }
0x4a: {  	s28 =	sshll.u32 s26, $0x3;
	v9 =	vld [tilespmem:s21+$0x0];
	[tilespmem:$0x1FDE0] =	vst v3;
	v3 =	vimm.s32 $0x0;
	v6 =	vmul.f32 v6, v6;
	v1 =	vmul.f32 v1, v45  }
0x4b: {  	s24 =	sor.u32 s28, s26;
	v22 =	vld [tilespmem:s21+$0xC00];
	v3 =	vsel vm5, $0xFFFFFFFF, v3;
	vm5 =	vgt.f32 v12, $1.000000010e-01;
	v2 =	vmul.f32 v2, v34  }
0x4c: {  	v32 =	vld [tilespmem:s21+$0x1800];
	s24 =	sand.u32 $0xC70, s24;
	v37 =	vmul.f32 v6, v11;
	v57 =	vnsel vm5, $0x0, v1;
	v1 =	vnsel vm6, $0x0, v1  }
0x4d: {  	v33 =	vld [tilespmem:s21+$0x2400];
	s24 =	sor.u32 s18, s24;
	v31 =	vsel vm6, $0x3F800000, v0;
	v48 =	vsel vm4, $0x3F800000, v0;
	[tilespmem:$0x1FF40] =	vst v1;
	v1 =	vnsel vm3, $0x0, v2  }
0x4e: {  	v8 =	vld [tilespmem:s24+$0xC00];
	v56 =	vsel vm3, $0x3F800000, v0;
	v29 =	vsel vm2, $0x3F800000, v0;
	[tilespmem:$0x1FF70] =	vst v1;
	v1 =	vnsel vm2, $0x0, v37  }
0x4f: {  	s31 =	sadd.s32 $0x50, s22;
	v40 =	vld [tilespmem:s24+$0x1800];
	v55 =	vsel vm1, $0x3F800000, v0;
	vm13 =	vgt.f32 v21, $1.000000010e-01;
	[tilespmem:$0x1FFC0] =	vst v1;
	v1 =	vimm.s32 $0x0  }
0x50: {  	s29 =	sadd.s32 $0x60, s22;
	s0 =	sshll.u32 s31, $0x3;
	v14 =	vld [tilespmem:s23+$0xC00];
	vm12 =	vlt.f32 v21, $1.000000010e-01;
	v24 =	vsub.f32 v24, v21;
	v1 =	vsel vm8, $0xFFFFFFFF, v1  }
0x51: {  	s28 =	sshll.u32 s29, $0x3;
	s26 =	sor.u32 s0, s31;
	v13 =	vld [tilespmem:s23+$0x1800];
	v5 =	vmul.f32 v5, v5;
	v28 =	vsub.f32 v28, v27;
	[tilespmem:$0x1FD70] =	vst v1;
	v1 =	vsel vm8, $0x3F800000, v0  }
0x52: {  	s30 =	sor.u32 s28, s29;
	s26 =	sand.u32 $0xC50, s26;
	v20 =	vld [tilespmem:s23+$0x2400];
	v30 =	vsub.f32 v30, v25;
	v35 =	vmul.f32 v35, v35;
	[tilespmem:$0x1FD80] =	vst v1;
	v1 =	vimm.s32 $0x0  }
0x53: {  	s25 =	sand.u32 $0xC60, s30;
	s30 =	sor.u32 s18, s26;
	v15 =	vld [tilespmem:s24+$0x0];
	v7 =	vmul.f32 v7, v7;
	v10 =	vmul.f32 v10, v10;
	v1 =	vsel vm7, $0xFFFFFFFF, v1  }
0x54: {  	v54 =	vld [tilespmem:s30+$0x0];
	v17 =	vmul.f32 v17, v17;
	v18 =	vsel vm5, $0x3F800000, v0;
	[tilespmem:$0x1FD90] =	vst v1;
	v1 =	vsel vm7, $0x3F800000, v0  }
0x55: {  	v49 =	vld [tilespmem:s30+$0xC00];
	v53 =	vmul.f32 v5, v36;
	v5 =	vsub.f32 v32, v9;
	[tilespmem:$0x1FDA0] =	vst v1;
	v1 =	vimm.s32 $0x0  }
0x56: {  	v41 =	vld [tilespmem:s30+$0x1800];
	v51 =	vmul.f32 v24, v24;
	v47 =	vmul.f32 v28, v28;
	v1 =	vsel vm15, $0xFFFFFFFF, v1  }
0x57: {  	s29 =	sadd.s32 $0x40, s22;
	s25 =	sor.u32 s18, s25;
	v42 =	vld [tilespmem:s30+$0x2400];
	v30 =	vmul.f32 v30, v30;
	v45 =	vmul.f32 v17, v45;
	[tilespmem:$0x1FDB0] =	vst v1;
	v1 =	vsel vm15, $0x3F800000, v0  }
0x58: {  	s31 =	sshll.u32 s29, $0x3;
	v39 =	vld [tilespmem:s25+$0xC00];
	v19 =	vnsel vm4, $0x0, v2;
	vm4 =	vgt.f32 v23, $1.000000010e-01;
	[tilespmem:$0x1FDC0] =	vst v1;
	v1 =	vimm.s32 $0x0  }
0x59: {  	s26 =	sor.u32 s31, s29;
	vm5 =	vlt.f32 v23, $1.000000010e-01;
	v23 =	vsub.f32 v26, v23;
	v26 =	vld [tilespmem:s24+$0x2400];
	v1 =	vsel vm9, $0xFFFFFFFF, v1  }
0x5a: {  	s26 =	sand.u32 $0xC40, s26;
	v63 =	vsub.f32 v13, v60;
	v20 =	vsub.f32 v20, v14;
	v21 =	vnsel vm0, $0x0, v53;
	[tilespmem:$0x1FDD0] =	vst v1;
	v1 =	vld [tilespmem:$0x1FDE0]  }
0x5b: {  	v62 =	vld [tilespmem:s25+$0x1800];
	s18 =	sor.u32 s18, s26;
	v40 =	vsub.f32 v40, v15;
	v5 =	vmul.f32 v5, v5;
	v41 =	vsub.f32 v41, v54  }
0x5c: {  	v16 =	vld [tilespmem:s18+$0x0];
	v46 =	vsub.f32 v42, v49;
	v38 =	vnsel vm1, $0x0, v37;
	vm1 =	vlt.f32 v27, $1.000000010e-01  }
0x5d: {  	v6 =	vld [tilespmem:s25+$0x0];
	v59 =	vmul.f32 v63, v63;
	v61 =	vmul.f32 v20, v20;
	vm2 =	vgt.f32 v27, $1.000000010e-01  }
0x5e: {  	v28 =	vld [tilespmem:s18+$0x1800];
	v27 =	vsub.f32 v33, v22;
	v37 =	vsel vm0, $0x3F800000, v0;
	v26 =	vsub.f32 v26, v8  }
0x5f: {  	v13 =	vld [tilespmem:s25+$0x2400];
	vm0 =	vgt.f32 v9, $1.000000010e-01;
	v52 =	vmul.f32 v23, v23;
	vm3 =	vnez.u8 v1  }
0x60: {  	[tilespmem:$0x1FE00] =	vst v3;
	v42 =	vmul.f32 v40, v40;
	v63 =	vmul.f32 v26, v26;
	v26 =	vld [tilespmem:s19+$0x3000];
	v1 =	vsel vm3, $0x3F800000, v0  }
0x61: {  	v23 =	vsel vm9, $0x3F800000, v0;
	v3 =	vmul.f32 v41, v41;
	v2 =	vmul.f32 v46, v46;
	[tilespmem:$0x1FDF0] =	vst v1;
	v1 =	vld [tilespmem:$0x1FE00]  }
0x62: {  	v58 =	vld [tilespmem:s20+$0x3000];
	v40 =	vmul.f32 v10, v34;
	v33 =	vsel vm13, $0x3F800000, v0;
	v32 =	vsub.f32 v62, v6  }
0x63: {  	v41 =	vld [tilespmem:s21+$0x3000];
	v34 =	vsel vm12, $0x3F800000, v0;
	v24 =	vsub.f32 v28, v16;
	v50 =	vmul.f32 v27, v27  }
0x64: {  	v43 =	vsub.f32 v13, v39;
	v4 =	vmul.f32 v32, v32;
	v32 =	vmul.f32 v35, v36  }
0x65: {  	v28 =	vsel vm14, $0x3F800000, v0;
	v62 =	vld [tilespmem:s23+$0x3000];
	v36 =	vmul.f32 v7, v11;
	v7 =	vmul.f32 v52, v26  }
0x66: {  	v10 =	vld [tilespmem:s24+$0x3000];
	v43 =	vmul.f32 v43, v43;
	vm3 =	vnez.u8 v1;
	v1 =	vimm.s32 $0x0  }
0x67: {  	v11 =	vmul.f32 v30, v58;
	v52 =	vmul.f32 v47, v58;
	[tilespmem:$0x1FE40] =	vst v7;
	v1 =	vsel vm10, $0xFFFFFFFF, v1  }
0x68: {  	v58 =	vmul.f32 v5, v41;
	v5 =	vimm.s32 $0x0;
	[tilespmem:$0x1FE10] =	vst v1;
	v1 =	vsel vm10, $0x3F800000, v0  }
0x69: {  	v17 =	vmul.f32 v50, v41;
	v5 =	vsel vm12, $0xFFFFFFFF, v5;
	[tilespmem:$0x1FE20] =	vst v1;
	v1 =	vimm.s32 $0x0  }
0x6a: {  	v59 =	vmul.f32 v59, v62;
	v47 =	vld [tilespmem:s30+$0x3000];
	v7 =	vimm.s32 $0x0;
	[tilespmem:$0x1FE70] =	vst v5;
	v1 =	vsel vm11, $0xFFFFFFFF, v1  }
0x6b: {  	v30 =	vmul.f32 v63, v10;
	v5 =	vimm.s32 $0x0;
	v7 =	vsel vm14, $0xFFFFFFFF, v7;
	[tilespmem:$0x1FE30] =	vst v1;
	v1 =	vld [tilespmem:s25+$0x3000]  }
0x6c: {  	vm15 =	vmmov vm0;
	v51 =	vmul.f32 v51, v26;
	v5 =	vsel vm4, $0xFFFFFFFF, v5;
	[tilespmem:$0x1FE50] =	vst v7  }
0x6d: {  	v26 =	vmul.f32 v61, v62;
	v7 =	vimm.s32 $0x0;
	[tilespmem:$0x1FE80] =	vst v5;
	v5 =	vsel vm4, $0x3F800000, v0  }
0x6e: {  	v62 =	vmul.f32 v42, v10;
	v7 =	vsel vm13, $0xFFFFFFFF, v7;
	[tilespmem:$0x1FE90] =	vst v5;
	v5 =	vimm.s32 $0x0  }
0x6f: {  	v42 =	vmul.f32 v2, v47;
	v2 =	vimm.s32 $0x0;
	v5 =	vsel vm2, $0xFFFFFFFF, v5  }
0x70: {  	v50 =	vld [tilespmem:s18+$0x3000];
	[tilespmem:$0x1FE60] =	vst v7;
	v2 =	vsel vm5, $0xFFFFFFFF, v2;
	v63 =	vmul.f32 v4, v1;
	v35 =	vmul.f32 v43, v1  }
0x71: {  	v12 =	vld [tilespmem:s18+$0xC00];
	[tilespmem:$0x1FEA0] =	vst v5;
	v1 =	vimm.s32 $0x0;
	v4 =	vmul.f32 v3, v47;
	v47 =	vsel vm0, $0x3F800000, v0  }
0x72: {  	v27 =	vld [tilespmem:s18+$0x2400];
	[tilespmem:$0x1FEC0] =	vst v2;
	vm0 =	vgt.f32 v25, $1.000000010e-01;
	v3 =	vimm.s32 $0x0;
	v1 =	vsel vm1, $0xFFFFFFFF, v1  }
0x73: {  	v7 =	vimm.s32 $0x0;
	v3 =	vsel vm0, $0xFFFFFFFF, v3;
	[tilespmem:$0x1FEB0] =	vst v1;
	v1 =	vmul.f32 v24, v24  }
0x74: {  	v2 =	vsel vm5, $0x3F800000, v0;
	[tilespmem:$0x1FEE0] =	vst v3;
	v3 =	vsel vm0, $0x3F800000, v0;
	vm0 =	vlt.f32 v25, $1.000000010e-01  }
0x75: {  	[tilespmem:$0x1FEF0] =	vst v3;
	v3 =	vimm.s32 $0x0;
	v5 =	vmul.f32 v1, v50;
	v1 =	vadd.f32 v18, v0  }
0x76: {  	v3 =	vsel vm0, $0xFFFFFFFF, v3;
	v18 =	vsel vm0, $0x3F800000, v0;
	vm0 =	vgt.f32 v22, $1.000000010e-01  }
0x77: {  	v46 =	vsub.f32 v27, v12;
	[tilespmem:$0x1FED0] =	vst v2;
	v2 =	vadd.f32 v31, v0;
	v7 =	vsel vm0, $0xFFFFFFFF, v7  }
0x78: {  	v31 =	vsel vm0, $0x3F800000, v0;
	vm0 =	vlt.f32 v22, $1.000000010e-01;
	[tilespmem:$0x1FF10] =	vst v7;
	v7 =	vimm.s32 $0x0  }
0x79: {  	v44 =	vsel vm2, $0x3F800000, v0;
	v10 =	vmul.f32 v46, v46;
	[tilespmem:$0x1FF00] =	vst v3;
	v7 =	vsel vm0, $0xFFFFFFFF, v7  }
0x7a: {  	v27 =	vsel vm11, $0x3F800000, v0;
	v3 =	vadd.f32 v57, v0;
	[tilespmem:$0x1FF20] =	vst v7;
	v7 =	vsel vm0, $0x3F800000, v0  }
0x7b: {  	v46 =	vmul.f32 v10, v50;
	vm0 =	vgt.f32 v14, $1.000000010e-01;
	[tilespmem:$0x1FF30] =	vst v7;
	v7 =	vimm.s32 $0x0  }
0x7c: {  	vm4 =	vlt.f32 v9, $1.000000010e-01;
	v9 =	vadd.f32 v19, v3;
	v3 =	vld [tilespmem:$0x1FF40];
	v7 =	vsel vm0, $0xFFFFFFFF, v7  }
0x7d: {  	vm14 =	vgt.f32 v15, $1.000000010e-01;
	vm13 =	vgt.f32 v60, $1.000000010e-01;
	[tilespmem:$0x1FF50] =	vst v7;
	v7 =	vsel vm0, $0x3F800000, v0  }
0x7e: {  	vm2 =	vgt.f32 v16, $1.000000010e-01;
	v2 =	vadd.f32 v56, v2;
	v56 =	vsel vm13, $0x3F800000, v0;
	[tilespmem:$0x1FF60] =	vst v7;
	v7 =	vld [tilespmem:$0x1FF70]  }
0x7f: {  	v20 =	vsel vm3, $0x3F800000, v0;
	v43 =	vsel vm1, $0x3F800000, v0;
	vm1 =	vlt.f32 v60, $1.000000010e-01  }
0x80: {  	vm3 =	vmmov vm2;
	v60 =	vsel vm14, $0x3F800000, v0;
	vm6 =	vmmov vm1  }
0x81: {  	v24 =	vadd.f32 v55, v2;
	v50 =	vsel vm4, $0x3F800000, v0;
	v3 =	vadd.f32 v3, v0  }
0x82: {  	v57 =	vsel vm1, $0x3F800000, v0;
	vm1 =	vgt.f32 v6, $1.000000010e-01;
	v1 =	vadd.f32 v48, v1  }
0x83: {  	vm0 =	vlt.f32 v14, $1.000000010e-01;
	v10 =	vadd.f32 v7, v3;
	v3 =	vimm.s32 $0x0  }
0x84: {  	vm10 =	vmmov vm1;
	v22 =	vsel vm1, $0x3F800000, v0;
	v3 =	vsel vm0, $0xFFFFFFFF, v3  }
0x85: {  	vm1 =	vgt.f32 v54, $1.000000010e-01;
	[tilespmem:$0x1FF80] =	vst v3;
	v3 =	vsel vm0, $0x3F800000, v0;
	vm0 =	vlt.f32 v15, $1.000000010e-01  }
0x86: {  	vm7 =	vmmov vm1;
	[tilespmem:$0x1FF90] =	vst v3;
	v3 =	vadd.f32 v29, v1;
	vm11 =	vmmov vm0  }
0x87: {  	v61 =	vsel vm0, $0x3F800000, v0;
	vm0 =	vgt.f32 v8, $1.000000010e-01;
	v1 =	vimm.s32 $0x0  }
0x88: {  	v1 =	vsel vm0, $0xFFFFFFFF, v1;
	v29 =	vsel vm0, $0x3F800000, v0;
	vm0 =	vlt.f32 v8, $1.000000010e-01  }
0x89: {  	v19 =	vimm.f32 $0.0e+00;
	[tilespmem:$0x1FFA0] =	vst v1;
	v1 =	vimm.s32 $0x0;
	v41 =	vsel vm0, $0x3F800000, v0  }
0x8a: {  	v1 =	vsel vm0, $0xFFFFFFFF, v1;
	vm0 =	vlt.f32 v6, $1.000000010e-01;
	v6 =	vimm.s32 $0x0  }
0x8b: {  	vm9 =	vmmov vm0;
	v25 =	vsel vm0, $0x3F800000, v0;
	vm0 =	vgt.f32 v39, $1.000000010e-01  }
0x8c: {  	v14 =	vimm.f32 $0.0e+00;
	v2 =	vadd.f32 v38, v10;
	[tilespmem:$0x1FFB0] =	vst v1;
	v1 =	vld [tilespmem:$0x1FFC0];
	v6 =	vsel vm0, $0xFFFFFFFF, v6  }
0x8d: {  	v38 =	vsel vm0, $0x3F800000, v0;
	vm0 =	vlt.f32 v39, $1.000000010e-01;
	[tilespmem:$0x1FFD0] =	vst v6;
	v6 =	vimm.s32 $0x0  }
0x8e: {  	v7 =	vimm.s32 $0x0;
	v15 =	vimm.f32 $0.0e+00;
	v6 =	vsel vm0, $0xFFFFFFFF, v6  }
0x8f: {  	v39 =	vsel vm0, $0x3F800000, v0;
	vm0 =	vlt.f32 v54, $1.000000010e-01;
	[tilespmem:$0x1FFE0] =	vst v6;
	v6 =	vsel vm1, $0x3F800000, v0  }
0x90: {  	vm1 =	vmmov vm0;
	v8 =	vsel vm0, $0x3F800000, v0;
	vm0 =	vgt.f32 v49, $1.000000010e-01  }
0x91: {  	v1 =	vadd.f32 v1, v9;
	vm12 =	vmmov vm0;
	v48 =	vsel vm0, $0x3F800000, v0  }
0x92: {  	vm0 =	vlt.f32 v49, $1.000000010e-01;
	v9 =	vsel vm2, $0x3F800000, v0;
	vm2 =	vlt.f32 v16, $1.000000010e-01  }
0x93: {  	v16 =	vimm.f32 $0.0e+00;
	v7 =	vsel vm0, $0xFFFFFFFF, v7;
	v49 =	vsel vm0, $0x3F800000, v0  }
0x94: {  	vm5 =	vmmov vm2;
	v10 =	vsel vm2, $0x3F800000, v0;
	vm2 =	vgt.f32 v12, $1.000000010e-01  }
0x95: {  	vm0 =	vmmov vm4;
	vm4 =	vlt.f32 v12, $1.000000010e-01;
	vm8 =	vmmov vm2  }
0x96: {  	s18 =	simm.s32 $0x1;
	s19 =	simm.s32 $0x0;
	[tilespmem:$0x1FFF0] =	vst v7;
	v54 =	vsel vm2, $0x3F800000, v0;
	vm2 =	vmmov vm4;
	v55 =	vsel vm4, $0x3F800000, v0  }
.LBB2_2:
0x97: {  	v7 =	vld [tilespmem:$0x1FD80];
	_ =	sdelay $0x4  }
0x98: {  	v24 =	vadd.f32 v7, v24;
	v7 =	vld [tilespmem:$0x1FD70];
	_ =	sdelay $0x3  }
0x99: {  	v3 =	vadd.f32 v37, v3  }
0x9a: {  	vm4 =	vnez.u8 v7  }
0x9b: {  	v1 =	vadd.f32 v21, v1;
	v3 =	vadd.f32 v9, v3;
	v53 =	vnsel vm4, $0x0, v53  }
0x9c: {  	v21 =	vnsel vm3, $0x0, v5;
	v2 =	vadd.f32 v53, v2  }
0x9d: {  	v5 =	vnsel vm5, $0x0, v5;
	v1 =	vadd.f32 v21, v1;
	v3 =	vadd.f32 v6, v3  }
0x9e: {  	v2 =	vadd.f32 v5, v2;
	v5 =	vnsel vm7, $0x0, v4  }
0x9f: {  	v3 =	vadd.f32 v22, v3;
	v4 =	vnsel vm1, $0x0, v4;
	v1 =	vadd.f32 v5, v1  }
0xa0: {  	v9 =	vadd.f32 v10, v24;
	v2 =	vadd.f32 v4, v2;
	v4 =	vnsel vm10, $0x0, v63  }
0xa1: {  	v3 =	vadd.f32 v60, v3;
	v1 =	vadd.f32 v4, v1  }
0xa2: {  	v6 =	vadd.f32 v8, v9;
	v4 =	vnsel vm14, $0x0, v62  }
0xa3: {  	v3 =	vadd.f32 v56, v3;
	v1 =	vadd.f32 v4, v1  }
0xa4: {  	v5 =	vadd.f32 v25, v6;
	v4 =	vnsel vm13, $0x0, v59  }
0xa5: {  	v3 =	vadd.f32 v47, v3;
	v1 =	vadd.f32 v4, v1  }
0xa6: {  	v6 =	vnsel vm9, $0x0, v63;
	v5 =	vadd.f32 v61, v5;
	v4 =	vnsel vm15, $0x0, v58  }
0xa7: {  	v2 =	vadd.f32 v6, v2;
	v1 =	vadd.f32 v4, v1;
	v4 =	vld [tilespmem:$0x1FEA0]  }
0xa8: {  	v6 =	vnsel vm11, $0x0, v62;
	v5 =	vadd.f32 v57, v5  }
0xa9: {  	v3 =	vadd.f32 v44, v3;
	v2 =	vadd.f32 v6, v2  }
0xaa: {  	v6 =	vnsel vm6, $0x0, v59;
	v5 =	vadd.f32 v50, v5  }
0xab: {  	v3 =	vadd.f32 v33, v3;
	v2 =	vadd.f32 v6, v2  }
0xac: {  	v6 =	vnsel vm0, $0x0, v58;
	v5 =	vadd.f32 v43, v5;
	vm0 =	vnez.u8 v4  }
0xad: {  	v2 =	vadd.f32 v6, v2;
	v6 =	vld [tilespmem:$0x1FEB0];
	v4 =	vnsel vm0, $0x0, v52  }
0xae: {  	[tilespmem:$0x1FC60] =	vst v3;
	v3 =	vadd.f32 v34, v5;
	v1 =	vadd.f32 v4, v1;
	v4 =	vld [tilespmem:$0x1FE60];
	_ =	sdelay $0x1  }
0xaf: {  	[tilespmem:$0x1FC70] =	vst v3;
	v3 =	vld [tilespmem:$0x1FE70];
	_ =	sdelay $0x1  }
0xb0: {  	vm0 =	vnez.u8 v6  }
0xb1: {  	v6 =	vnsel vm0, $0x0, v52;
	vm0 =	vnez.u8 v4  }
0xb2: {  	v4 =	vnsel vm0, $0x0, v51  }
0xb3: {  	v2 =	vadd.f32 v6, v2;
	vm0 =	vnez.u8 v3;
	v1 =	vadd.f32 v4, v1  }
0xb4: {  	v3 =	vnsel vm0, $0x0, v51  }
0xb5: {  	[tilespmem:$0x1FC90] =	vst v1;
	v1 =	vadd.f32 v3, v2  }
0xb6: {  	v5 =	vld [tilespmem:$0x1FE30]  }
0xb7: {  	[tilespmem:$0x1FCA0] =	vst v1;
	v1 =	vadd.f32 v27, v15;
	_ =	sdelay $0x1  }
0xb8: {  	v6 =	vadd.f32 v20, v1;
	v1 =	vld [tilespmem:$0x1FE20];
	_ =	sdelay $0x1  }
0xb9: {  	vm0 =	vnez.u8 v5  }
0xba: {  	v5 =	vnsel vm0, $0x0, v45;
	v2 =	vadd.f32 v28, v16;
	v3 =	vld [tilespmem:$0x1FE50]  }
0xbb: {  	v4 =	vadd.f32 v5, v19;
	v5 =	vld [tilespmem:$0x1FE00]  }
0xbc: {  	v2 =	vadd.f32 v1, v2;
	v1 =	vld [tilespmem:$0x1FE10];
	_ =	sdelay $0x1  }
0xbd: {  	v7 =	vld [tilespmem:$0x1FDF0]  }
0xbe: {  	vm0 =	vnez.u8 v3  }
0xbf: {  	v3 =	vnsel vm0, $0x0, v45;
	vm0 =	vnez.u8 v5  }
0xc0: {  	v3 =	vadd.f32 v3, v14;
	v5 =	vnsel vm0, $0x0, v40;
	vm0 =	vnez.u8 v1  }
0xc1: {  	v4 =	vadd.f32 v5, v4;
	v5 =	vld [tilespmem:$0x1FDD0];
	v8 =	vnsel vm0, $0x0, v40  }
0xc2: {  	v3 =	vadd.f32 v8, v3;
	v8 =	vadd.f32 v7, v2;
	v2 =	vld [tilespmem:$0x1FDE0];
	_ =	sdelay $0x3  }
0xc3: {  	vm0 =	vnez.u8 v5  }
0xc4: {  	v5 =	vnsel vm0, $0x0, v36;
	vm0 =	vnez.u8 v2  }
0xc5: {  	v9 =	vnsel vm0, $0x0, v36  }
0xc6: {  	v9 =	vadd.f32 v9, v3;
	v3 =	vld [tilespmem:$0x1FD90];
	_ =	sdelay $0x4  }
0xc7: {  	vm0 =	vnez.u8 v3;
	v3 =	vld [tilespmem:$0x1FDA0];
	_ =	sdelay $0x2  }
0xc8: {  	v6 =	vadd.f32 v23, v6;
	_ =	sdelay $0x1  }
0xc9: {  	v6 =	vadd.f32 v3, v6;
	v3 =	vld [tilespmem:$0x1FDC0];
	_ =	sdelay $0x4  }
0xca: {  	v8 =	vadd.f32 v3, v8;
	v3 =	vld [tilespmem:$0x1FDB0]  }
0xcb: {  	v7 =	vld [tilespmem:$0x1FFF0];
	_ =	sdelay $0x3  }
0xcc: {  	v10 =	vnsel vm0, $0x0, v32;
	vm0 =	vnez.u8 v3  }
0xcd: {  	v12 =	vnsel vm0, $0x0, v32;
	vm0 =	vnez.u8 v7;
	v7 =	vld [tilespmem:$0x1FFD0];
	_ =	sdelay $0x2  }
0xce: {  	v9 =	vadd.f32 v12, v9  }
0xcf: {  	v14 =	vnsel vm2, $0x0, v46;
	v5 =	vadd.f32 v5, v4  }
0xd0: {  	v9 =	vadd.f32 v14, v9;
	v14 =	vnsel vm0, $0x0, v42;
	vm0 =	vnez.u8 v7;
	v7 =	vld [tilespmem:$0x1FFE0]  }
0xd1: {  	v10 =	vadd.f32 v10, v5  }
0xd2: {  	v12 =	vnsel vm8, $0x0, v46  }
0xd3: {  	v10 =	vadd.f32 v12, v10  }
0xd4: {  	v6 =	vadd.f32 v54, v6;
	v12 =	vnsel vm12, $0x0, v42  }
0xd5: {  	v10 =	vadd.f32 v12, v10;
	v12 =	vnsel vm0, $0x0, v35;
	vm0 =	vnez.u8 v7;
	v7 =	vld [tilespmem:$0x1FFA0];
	_ =	sdelay $0x1  }
0xd6: {  	v6 =	vadd.f32 v48, v6;
	_ =	sdelay $0x1  }
0xd7: {  	v6 =	vadd.f32 v38, v6  }
0xd8: {  	v9 =	vadd.f32 v14, v9;
	v14 =	vnsel vm0, $0x0, v35;
	vm0 =	vnez.u8 v7;
	v7 =	vld [tilespmem:$0x1FF60];
	_ =	sdelay $0x1  }
0xd9: {  	v8 =	vadd.f32 v55, v8;
	v15 =	vadd.f32 v29, v6;
	v6 =	vld [tilespmem:$0x1FFB0];
	_ =	sdelay $0x1  }
0xda: {  	v8 =	vadd.f32 v49, v8  }
0xdb: {  	v15 =	vadd.f32 v7, v15;
	v7 =	vld [tilespmem:$0x1FF90]  }
0xdc: {  	v8 =	vadd.f32 v39, v8  }
0xdd: {  	v9 =	vadd.f32 v14, v9;
	v14 =	vnsel vm0, $0x0, v30;
	vm0 =	vnez.u8 v6  }
0xde: {  	v8 =	vadd.f32 v41, v8;
	v6 =	vnsel vm0, $0x0, v30  }
0xdf: {  	v9 =	vadd.f32 v6, v9;
	v6 =	vld [tilespmem:$0x1FF50]  }
0xe0: {  	v8 =	vadd.f32 v7, v8;
	v7 =	vld [tilespmem:$0x1FF80];
	_ =	sdelay $0x2  }
0xe1: {  	v12 =	vadd.f32 v12, v10  }
0xe2: {  	vm0 =	vnez.u8 v6  }
0xe3: {  	v12 =	vadd.f32 v14, v12;
	v14 =	vnsel vm0, $0x0, v26;
	vm0 =	vnez.u8 v7;
	v7 =	vld [tilespmem:$0x1FF10];
	_ =	sdelay $0x4  }
0xe4: {  	v16 =	vnsel vm0, $0x0, v26;
	vm0 =	vnez.u8 v7;
	v7 =	vld [tilespmem:$0x1FF30];
	_ =	sdelay $0x4  }
0xe5: {  	v8 =	vadd.f32 v7, v8;
	v7 =	vld [tilespmem:$0x1FF20];
	_ =	sdelay $0x4  }
0xe6: {  	v12 =	vadd.f32 v14, v12;
	v14 =	vnsel vm0, $0x0, v17;
	vm0 =	vnez.u8 v7;
	v7 =	vld [tilespmem:$0x1FEE0];
	_ =	sdelay $0x4  }
0xe7: {  	v9 =	vadd.f32 v16, v9;
	v16 =	vnsel vm0, $0x0, v17;
	vm0 =	vnez.u8 v7;
	v7 =	vld [tilespmem:$0x1FEF0];
	_ =	sdelay $0x2  }
0xe8: {  	v15 =	vadd.f32 v31, v15;
	_ =	sdelay $0x1  }
0xe9: {  	v15 =	vadd.f32 v7, v15;
	v7 =	vld [tilespmem:$0x1FF00];
	_ =	sdelay $0x4  }
0xea: {  	v12 =	vadd.f32 v14, v12;
	v14 =	vnsel vm0, $0x0, v11;
	vm0 =	vnez.u8 v7;
	v7 =	vld [tilespmem:$0x1FE80];
	_ =	sdelay $0x4  }
0xeb: {  	v11 =	vnsel vm0, $0x0, v11;
	vm0 =	vnez.u8 v7;
	v7 =	vld [tilespmem:$0x1FE90];
	_ =	sdelay $0x4  }
0xec: {  	v7 =	vadd.f32 v7, v15;
	_ =	sdelay $0x1  }
0xed: {  	[tilespmem:$0x1FCF0] =	vst v7;
	v7 =	vld [tilespmem:$0x1FED0];
	_ =	sdelay $0x2  }
0xee: {  	v8 =	vadd.f32 v18, v8  }
0xef: {  	s20 =	sand.u32 $0x1, s18  }
0xf0: {  	s24 =	rddreg [dreg:$0x7];
	p1 =	seq.s32 s20, $0x1;
	v7 =	vadd.f32 v7, v8  }
0xf1: {  	s24 =	simm.s32 @!p1 $0x0;
	v12 =	vadd.f32 v14, v12;
	v14 =	vld [tilespmem:$0x1FE40]  }
0xf2: {  	s19 =	sadd.s32 $0x40, s19;
	s28 =	sshll.u32 s24, $0x3;
	[tilespmem:$0x1FC40] =	vst v7;
	v7 =	vld [tilespmem:$0x1FEC0]  }
0xf3: {  	s23 =	sand.u32 $0x380, s19;
	s30 =	sand.u32 $0x400, s28  }
0xf4: {  	s26 =	sand.u32 $0x40, s24;
	s20 =	sor.u32 s30, s23  }
0xf5: {  	s20 =	sor.u32 s26, s20;
	v9 =	vadd.f32 v16, v9  }
0xf6: {  	v51 =	vld [tilespmem:s20+$0xC30]  }
0xf7: {  	v9 =	vadd.f32 v11, v9;
	v11 =	vnsel vm0, $0x0, v14;
	vm0 =	vnez.u8 v7  }
0xf8: {  	v7 =	vnsel vm0, $0x0, v14  }
0xf9: {  	v7 =	vadd.f32 v7, v9  }
0xfa: {  	v1 =	vld [tilespmem:s20+$0x20]  }
0xfb: {  	vm1 =	vgt.f32 v51, $1.000000010e-01;
	[tilespmem:$0x1FD50] =	vst v7;
	v7 =	vimm.s32 $0x0  }
0xfc: {  	v7 =	vsel vm1, $0xFFFFFFFF, v7  }
0xfd: {  	v24 =	vld [tilespmem:s20+$0x1830];
	vm1 =	vlt.f32 v51, $1.000000010e-01;
	[tilespmem:$0x1FD90] =	vst v7;
	v7 =	vimm.s32 $0x0  }
0xfe: {  	v20 =	vld [tilespmem:s20+$0xC20];
	v7 =	vsel vm1, $0xFFFFFFFF, v7  }
0xff: {  	s21 =	sadd.s32 $0xB0, s24;
	s31 =	sadd.s32 $0xA0, s24;
	v25 =	vld [tilespmem:s20+$0x0];
	vm1 =	vgt.f32 v1, $1.000000010e-01;
	[tilespmem:$0x1FDB0] =	vst v7;
	v7 =	vimm.s32 $0x0  }
0x100: {  	s22 =	sshll.u32 s21, $0x3;
	s25 =	sshll.u32 s31, $0x3;
	v3 =	vld [tilespmem:s20+$0x10];
	v7 =	vsel vm1, $0xFFFFFFFF, v7  }
0x101: {  	s21 =	sor.u32 s22, s21;
	s22 =	sor.u32 s25, s31;
	v50 =	vld [tilespmem:s20+$0x30];
	vm1 =	vlt.f32 v1, $1.000000010e-01;
	[tilespmem:$0x1FD00] =	vst v7;
	v7 =	vimm.s32 $0x0  }
0x102: {  	s22 =	sand.u32 $0xC60, s22;
	v28 =	vld [tilespmem:s20+$0x1800];
	v7 =	vsel vm1, $0xFFFFFFFF, v7  }
0x103: {  	s22 =	sor.u32 s23, s22;
	v5 =	vld [tilespmem:s20+$0xC10];
	vm1 =	vgt.f32 v20, $1.000000010e-01;
	[tilespmem:$0x1FD30] =	vst v7;
	v7 =	vimm.s32 $0x0  }
0x104: {  	s0 =	sadd.s32 $0x90, s24;
	v30 =	vld [tilespmem:s22+$0x0];
	v7 =	vsel vm1, $0xFFFFFFFF, v7  }
0x105: {  	s29 =	sshll.u32 s0, $0x3;
	s28 =	sadd.s32 $0x400, s28;
	v22 =	vld [tilespmem:s20+$0x2430];
	vm1 =	vgt.f32 v3, $1.000000010e-01;
	[tilespmem:$0x1FDD0] =	vst v7;
	v7 =	vimm.s32 $0x0  }
0x106: {  	s25 =	sor.u32 s29, s0;
	s28 =	sand.u32 $0xC00, s28;
	s30 =	sadd.s32 $0x70, s24;
	v52 =	vld [tilespmem:s20+$0x2400];
	v8 =	vimm.s32 $0x0;
	vm0 =	vgt.f32 v50, $1.000000010e-01;
	v7 =	vsel vm1, $0xFFFFFFFF, v7  }
0x107: {  	s0 =	sadd.s32 $0x60, s24;
	s21 =	sand.u32 $0xC70, s21;
	s28 =	sor.u32 s28, s23;
	v27 =	vld [tilespmem:s20+$0xC00];
	v8 =	vsel vm0, $0xFFFFFFFF, v8;
	vm1 =	vlt.f32 v3, $1.000000010e-01;
	[tilespmem:$0x1FCB0] =	vst v7;
	v7 =	vimm.s32 $0x0  }
0x108: {  	s31 =	sshll.u32 s30, $0x3;
	s21 =	sor.u32 s23, s21;
	s26 =	sor.u32 s26, s28;
	v19 =	vsub.f32 v28, v25;
	v23 =	vld [tilespmem:s20+$0x2410];
	[tilespmem:$0x1FD60] =	vst v8;
	v8 =	vadd.f32 v11, v12;
	v7 =	vsel vm1, $0xFFFFFFFF, v7  }
0x109: {  	s28 =	sor.u32 s31, s30;
	s30 =	sshll.u32 s0, $0x3;
	s31 =	sadd.s32 $0x50, s24;
	v2 =	vld [tilespmem:s20+$0x1820];
	vm3 =	vgt.f32 v30, $1.000000010e-01;
	vm1 =	vlt.f32 v5, $1.000000010e-01;
	[tilespmem:$0x1FCD0] =	vst v7;
	v7 =	vimm.s32 $0x0  }
0x10a: {  	s29 =	sor.u32 s30, s0;
	s30 =	sshll.u32 s31, $0x3;
	v6 =	vld [tilespmem:s21+$0xC00];
	[tilespmem:$0x1FC50] =	vst v8;
	v8 =	vimm.s32 $0x0;
	v7 =	vsel vm1, $0xFFFFFFFF, v7;
	vm1 =	vgt.f32 v25, $1.000000010e-01  }
0x10b: {  	s0 =	sadd.s32 $0x40, s24;
	s30 =	sor.u32 s30, s31;
	v4 =	vld [tilespmem:s20+$0x2420];
	v9 =	vimm.s32 $0x0;
	v12 =	vimm.s32 $0x0;
	v8 =	vsel vm1, $0xFFFFFFFF, v8  }
0x10c: {  	s31 =	sshll.u32 s0, $0x3;
	s30 =	sand.u32 $0xC50, s30;
	v10 =	vld [tilespmem:s21+$0x0];
	v12 =	vsel vm3, $0xFFFFFFFF, v12;
	vm1 =	vlt.f32 v25, $1.000000010e-01;
	[tilespmem:$0x1FC30] =	vst v8;
	v8 =	vimm.s32 $0x0  }
0x10d: {  	s0 =	sor.u32 s31, s0;
	s31 =	sor.u32 s23, s30;
	[tilespmem:$0x1FE10] =	vst v7;
	v7 =	vsub.f32 v24, v50;
	v24 =	vld [tilespmem:s26+$0x0];
	v8 =	vsel vm1, $0xFFFFFFFF, v8;
	vm1 =	vgt.f32 v27, $1.000000010e-01  }
0x10e: {  	vm6 =	vgt.f32 v5, $1.000000010e-01;
	vm7 =	vlt.f32 v30, $1.000000010e-01;
	[tilespmem:$0x1FEA0] =	vst v12;
	v25 =	vld [tilespmem:s31+$0x0];
	v9 =	vsel vm1, $0xFFFFFFFF, v9  }
0x10f: {  	vm13 =	vgt.f32 v6, $1.000000010e-01;
	v12 =	vimm.s32 $0x0;
	[tilespmem:$0x1FE30] =	vst v9;
	v9 =	vsub.f32 v2, v1;
	v1 =	vld [tilespmem:s26+$0x1800]  }
0x110: {  	v54 =	vld [tilespmem:s22+$0x2400];
	v18 =	vsub.f32 v23, v5;
	v11 =	vsub.f32 v4, v20;
	v12 =	vsel vm7, $0xFFFFFFFF, v12  }
0x111: {  	v29 =	vld [tilespmem:s21+$0x2400];
	v4 =	vimm.s32 $0x0;
	[tilespmem:$0x1FEB0] =	vst v12;
	v12 =	vimm.s32 $0x0;
	v5 =	vimm.s32 $0x0  }
0x112: {  	s25 =	sand.u32 $0xC50, s25;
	v31 =	vld [tilespmem:s22+$0xC00];
	[tilespmem:$0x1FC80] =	vst v8;
	v8 =	vsub.f32 v22, v51;
	vm1 =	vlt.f32 v27, $1.000000010e-01;
	v2 =	vimm.s32 $0x0  }
0x113: {  	s25 =	sor.u32 s23, s25;
	v22 =	vsub.f32 v52, v27;
	v27 =	vld [tilespmem:s31+$0xC00];
	v2 =	vsel vm1, $0xFFFFFFFF, v2;
	vm1 =	vgt.f32 v10, $1.000000010e-01  }
0x114: {  	v55 =	vld [tilespmem:s25+$0x0];
	vm8 =	vgt.f32 v25, $1.000000010e-01;
	v35 =	vsub.f32 v1, v24;
	v1 =	vimm.s32 $0x0  }
0x115: {  	s28 =	sand.u32 $0xC70, s28;
	s29 =	sand.u32 $0xC60, s29;
	s0 =	sand.u32 $0xC40, s0;
	v4 =	vsel vm1, $0xFFFFFFFF, v4;
	vm1 =	vlt.f32 v6, $1.000000010e-01;
	v1 =	vsel vm8, $0xFFFFFFFF, v1  }
0x116: {  	s28 =	sor.u32 s23, s28;
	s24 =	sor.u32 s23, s29;
	s23 =	sor.u32 s23, s0;
	v6 =	vsub.f32 v29, v6;
	vm8 =	vlt.f32 v25, $1.000000010e-01;
	[tilespmem:$0x1FBC0] =	vst v1;
	v1 =	vimm.s32 $0x0  }
0x117: {  	v28 =	vld [tilespmem:s23+$0x0];
	v5 =	vsel vm1, $0xFFFFFFFF, v5;
	vm1 =	vgt.f32 v31, $1.000000010e-01;
	v1 =	vsel vm8, $0xFFFFFFFF, v1  }
0x118: {  	v12 =	vsel vm1, $0xFFFFFFFF, v12;
	vm8 =	vgt.f32 v27, $1.000000010e-01;
	[tilespmem:$0x1FBD0] =	vst v1;
	v1 =	vimm.s32 $0x0  }
0x119: {  	v29 =	vsub.f32 v54, v31;
	vm1 =	vlt.f32 v55, $1.000000010e-01;
	[tilespmem:$0x1FEE0] =	vst v12;
	v1 =	vsel vm8, $0xFFFFFFFF, v1  }
0x11a: {  	v12 =	vimm.s32 $0x0;
	vm8 =	vlt.f32 v27, $1.000000010e-01;
	[tilespmem:$0x1FBE0] =	vst v1;
	v1 =	vimm.s32 $0x0  }
0x11b: {  	v12 =	vsel vm1, $0xFFFFFFFF, v12;
	vm1 =	vlt.f32 v31, $1.000000010e-01;
	v31 =	vld [tilespmem:s23+$0xC00];
	v1 =	vsel vm8, $0xFFFFFFFF, v1  }
0x11c: {  	vm8 =	vgt.f32 v28, $1.000000010e-01;
	[tilespmem:$0x1FFF0] =	vst v1;
	v1 =	vimm.s32 $0x0  }
0x11d: {  	v1 =	vsel vm8, $0xFFFFFFFF, v1  }
0x11e: {  	vm8 =	vlt.f32 v28, $1.000000010e-01;
	[tilespmem:$0x1FBF0] =	vst v1;
	v1 =	vimm.s32 $0x0  }
0x11f: {  	v1 =	vsel vm8, $0xFFFFFFFF, v1  }
0x120: {  	v21 =	vsel vm0, $0x3F800000, v0;
	vm0 =	vgt.f32 v31, $1.000000010e-01;
	[tilespmem:$0x1FC00] =	vst v1;
	v1 =	vimm.s32 $0x0  }
0x121: {  	v1 =	vsel vm0, $0xFFFFFFFF, v1  }
0x122: {  	vm0 =	vlt.f32 v31, $1.000000010e-01;
	[tilespmem:$0x1FC10] =	vst v1;
	v1 =	vimm.s32 $0x0  }
0x123: {  	v1 =	vsel vm0, $0xFFFFFFFF, v1  }
0x124: {  	vm10 =	vlt.f32 v50, $1.000000010e-01;
	[tilespmem:$0x1FC20] =	vst v1;
	v1 =	vimm.s32 $0x0  }
0x125: {  	v1 =	vsel vm10, $0xFFFFFFFF, v1  }
0x126: {  	[tilespmem:$0x1FD70] =	vst v1;
	v1 =	vsel vm10, $0x3F800000, v0  }
0x127: {  	[tilespmem:$0x1FD80] =	vst v1;
	v1 =	vld [tilespmem:$0x1FD90];
	_ =	sdelay $0x4  }
0x128: {  	vm0 =	vnez.u8 v1  }
0x129: {  	v1 =	vsel vm0, $0x3F800000, v0  }
0x12a: {  	[tilespmem:$0x1FDA0] =	vst v1;
	v1 =	vld [tilespmem:$0x1FDB0];
	_ =	sdelay $0x4  }
0x12b: {  	vm0 =	vnez.u8 v1  }
0x12c: {  	v1 =	vsel vm0, $0x3F800000, v0  }
0x12d: {  	[tilespmem:$0x1FDC0] =	vst v1;
	v1 =	vld [tilespmem:$0x1FD00];
	_ =	sdelay $0x4  }
0x12e: {  	vm0 =	vnez.u8 v1  }
0x12f: {  	v1 =	vsel vm0, $0x3F800000, v0  }
0x130: {  	[tilespmem:$0x1FD10] =	vst v1;
	v1 =	vld [tilespmem:$0x1FD30];
	_ =	sdelay $0x4  }
0x131: {  	vm0 =	vnez.u8 v1  }
0x132: {  	v1 =	vsel vm0, $0x3F800000, v0  }
0x133: {  	[tilespmem:$0x1FD20] =	vst v1;
	v1 =	vld [tilespmem:$0x1FDD0];
	_ =	sdelay $0x4  }
0x134: {  	vm0 =	vnez.u8 v1  }
0x135: {  	v1 =	vsel vm0, $0x3F800000, v0  }
0x136: {  	vm2 =	vlt.f32 v20, $1.000000010e-01;
	[tilespmem:$0x1FCE0] =	vst v1;
	v1 =	vimm.s32 $0x0  }
0x137: {  	v1 =	vsel vm2, $0xFFFFFFFF, v1  }
0x138: {  	[tilespmem:$0x1FDE0] =	vst v1;
	v1 =	vld [tilespmem:$0x1FE10];
	_ =	sdelay $0x3  }
0x139: {  	[tilespmem:$0x1FE50] =	vst v2  }
0x13a: {  	vm8 =	vnez.u8 v1;
	v1 =	vld [tilespmem:$0x1FE50];
	_ =	sdelay $0x4  }
0x13b: {  	vm0 =	vnez.u8 v1;
	v1 =	vld [tilespmem:$0x1FE30];
	_ =	sdelay $0x2  }
0x13c: {  	v59 =	vld [tilespmem:s26+$0xC00]  }
0x13d: {  	v2 =	vld [tilespmem:s26+$0x2400]  }
0x13e: {  	vm10 =	vnez.u8 v1;
	v1 =	vld [tilespmem:$0x1FCB0];
	_ =	sdelay $0x4  }
0x13f: {  	v36 =	vsub.f32 v2, v59;
	v2 =	vsel vm2, $0x3F800000, v0;
	vm2 =	vnez.u8 v1  }
0x140: {  	v1 =	vsel vm2, $0x3F800000, v0  }
0x141: {  	[tilespmem:$0x1FCC0] =	vst v1;
	v1 =	vld [tilespmem:$0x1FCD0]  }
0x142: {  	v13 =	vld [tilespmem:s20+$0x1810];
	_ =	sdelay $0x2  }
0x143: {  	[tilespmem:$0x1FB70] =	vst v12;
	v12 =	vimm.s32 $0x0  }
0x144: {  	[tilespmem:$0x1FE60] =	vst v4;
	v12 =	vsel vm1, $0xFFFFFFFF, v12;
	vm2 =	vnez.u8 v1;
	v1 =	vimm.s32 $0x0  }
0x145: {  	v17 =	vsub.f32 v13, v3;
	v3 =	vld [tilespmem:s28+$0x0];
	[tilespmem:$0x1FF00] =	vst v12;
	v1 =	vsel vm6, $0xFFFFFFFF, v1  }
0x146: {  	v4 =	vld [tilespmem:s28+$0xC00];
	vm1 =	vgt.f32 v24, $1.000000010e-01;
	v12 =	vimm.s32 $0x0;
	[tilespmem:$0x1FE00] =	vst v1;
	v1 =	vsel vm6, $0x3F800000, v0  }
0x147: {  	v12 =	vsel vm1, $0xFFFFFFFF, v12;
	[tilespmem:$0x1FD40] =	vst v1;
	v1 =	vld [tilespmem:$0x1FEE0]  }
0x148: {  	vm1 =	vgt.f32 v59, $1.000000010e-01;
	[tilespmem:$0x1FB80] =	vst v12;
	v12 =	vimm.s32 $0x0  }
0x149: {  	v23 =	vld [tilespmem:s24+$0xC00];
	v12 =	vsel vm1, $0xFFFFFFFF, v12  }
0x14a: {  	v20 =	vld [tilespmem:s24+$0x0];
	vm5 =	vgt.f32 v3, $1.000000010e-01;
	[tilespmem:$0x1FF50] =	vst v12;
	v12 =	vimm.s32 $0x0  }
0x14b: {  	vm11 =	vlt.f32 v24, $1.000000010e-01;
	v24 =	vld [tilespmem:s24+$0x2400];
	v12 =	vsel vm5, $0xFFFFFFFF, v12  }
0x14c: {  	vm5 =	vgt.f32 v4, $1.000000010e-01;
	[tilespmem:$0x1FB90] =	vst v12;
	v12 =	vimm.s32 $0x0;
	vm6 =	vnez.u8 v1;
	v1 =	vld [tilespmem:$0x1FF00]  }
0x14d: {  	v12 =	vsel vm5, $0xFFFFFFFF, v12  }
0x14e: {  	vm5 =	vlt.f32 v4, $1.000000010e-01;
	[tilespmem:$0x1FFA0] =	vst v12;
	v12 =	vimm.s32 $0x0  }
0x14f: {  	v12 =	vsel vm5, $0xFFFFFFFF, v12  }
0x150: {  	v42 =	vsub.f32 v24, v23;
	vm5 =	vgt.f32 v20, $1.000000010e-01;
	[tilespmem:$0x1FFB0] =	vst v12;
	v12 =	vimm.s32 $0x0  }
0x151: {  	v12 =	vsel vm5, $0xFFFFFFFF, v12;
	v24 =	vsel vm2, $0x3F800000, v0;
	vm2 =	vnez.u8 v1;
	v1 =	vld [tilespmem:$0x1FC30]  }
0x152: {  	vm5 =	vlt.f32 v20, $1.000000010e-01;
	[tilespmem:$0x1FBA0] =	vst v12;
	v12 =	vimm.s32 $0x0  }
0x153: {  	v12 =	vsel vm5, $0xFFFFFFFF, v12  }
0x154: {  	vm5 =	vgt.f32 v23, $1.000000010e-01;
	[tilespmem:$0x1FBB0] =	vst v12;
	v12 =	vimm.s32 $0x0  }
0x155: {  	v12 =	vsel vm5, $0xFFFFFFFF, v12  }
0x156: {  	[tilespmem:$0x1FFD0] =	vst v12;
	v12 =	vsel vm8, $0x3F800000, v0;
	vm8 =	vnez.u8 v1;
	v1 =	vld [tilespmem:$0x1FC80];
	_ =	sdelay $0x3  }
0x157: {  	v13 =	vld [tilespmem:s28+$0x2400]  }
0x158: {  	[tilespmem:$0x1FE20] =	vst v12;
	v12 =	vsel vm8, $0x3F800000, v0;
	vm8 =	vnez.u8 v1;
	v1 =	vld [tilespmem:$0x1FE60];
	_ =	sdelay $0x4  }
0x159: {  	v4 =	vsub.f32 v13, v4;
	v13 =	vsel vm8, $0x3F800000, v0;
	vm8 =	vnez.u8 v1;
	v1 =	vld [tilespmem:$0x1FB70];
	_ =	sdelay $0x1  }
0x15a: {  	v14 =	vsel vm13, $0x3F800000, v0;
	[tilespmem:$0x1FEC0] =	vst v5  }
0x15b: {  	[tilespmem:$0x1FE90] =	vst v14;
	v14 =	vld [tilespmem:$0x1FEC0]  }
0x15c: {  	vm12 =	vlt.f32 v10, $1.000000010e-01  }
0x15d: {  	[tilespmem:$0x1FDF0] =	vst v2;
	v2 =	vsel vm0, $0x3F800000, v0;
	vm0 =	vnez.u8 v1;
	v1 =	vimm.s32 $0x0  }
0x15e: {  	v1 =	vsel vm12, $0xFFFFFFFF, v1  }
0x15f: {  	[tilespmem:$0x1FE70] =	vst v1;
	v1 =	vimm.s32 $0x0  }
0x160: {  	v44 =	vsel vm3, $0x3F800000, v0;
	vm3 =	vnez.u8 v14;
	v1 =	vsel vm13, $0xFFFFFFFF, v1  }
0x161: {  	v14 =	vsel vm3, $0x3F800000, v0;
	[tilespmem:$0x1FE80] =	vst v1;
	v1 =	vld [tilespmem:$0x1FB80]  }
0x162: {  	v56 =	vld [tilespmem:s25+$0xC00];
	[tilespmem:$0x1FED0] =	vst v14;
	v14 =	vsel vm6, $0x3F800000, v0  }
0x163: {  	[tilespmem:$0x1FEF0] =	vst v14;
	v14 =	vld [tilespmem:$0x1FFB0];
	_ =	sdelay $0x2  }
0x164: {  	vm13 =	vnez.u8 v1;
	v1 =	vld [tilespmem:$0x1FF50]  }
0x165: {  	vm4 =	vgt.f32 v56, $1.000000010e-01  }
0x166: {  	v33 =	vsel vm2, $0x3F800000, v0;
	vm2 =	vnez.u8 v14;
	v14 =	vimm.s32 $0x0  }
0x167: {  	v60 =	vld [tilespmem:s24+$0x1800];
	v14 =	vsel vm4, $0xFFFFFFFF, v14  }
0x168: {  	v53 =	vld [tilespmem:s22+$0x1800];
	vm9 =	vlt.f32 v56, $1.000000010e-01;
	[tilespmem:$0x1FF10] =	vst v14;
	v14 =	vimm.s32 $0x0  }
0x169: {  	v63 =	vld [tilespmem:s23+$0x2400];
	v34 =	vsel vm12, $0x3F800000, v0;
	v14 =	vsel vm9, $0xFFFFFFFF, v14;
	vm12 =	vnez.u8 v1  }
0x16a: {  	v58 =	vld [tilespmem:s25+$0x2400];
	v52 =	vmul.f32 v6, v6;
	[tilespmem:$0x1FF20] =	vst v14;
	v6 =	vsel vm12, $0x3F800000, v0  }
0x16b: {  	v26 =	vld [tilespmem:s21+$0x1800];
	vm1 =	vlt.f32 v59, $1.000000010e-01;
	v14 =	vsel vm9, $0x3F800000, v0;
	[tilespmem:$0x1FF60] =	vst v6;
	v6 =	vimm.s32 $0x0  }
0x16c: {  	[tilespmem:$0x1FF30] =	vst v14;
	v14 =	vld [tilespmem:$0x1FFA0];
	v6 =	vsel vm1, $0xFFFFFFFF, v6  }
0x16d: {  	v57 =	vld [tilespmem:s25+$0x1800];
	[tilespmem:$0x1FF80] =	vst v6;
	v6 =	vsel vm1, $0x3F800000, v0  }
0x16e: {  	[tilespmem:$0x1FF90] =	vst v6;
	v6 =	vld [tilespmem:s20+$0x3030]  }
0x16f: {  	v48 =	vmul.f32 v19, v19;
	v32 =	vsub.f32 v58, v56;
	vm15 =	vgt.f32 v55, $1.000000010e-01  }
0x170: {  	v61 =	vld [tilespmem:s31+$0x1800];
	v7 =	vmul.f32 v7, v7;
	v10 =	vsub.f32 v26, v10;
	v8 =	vmul.f32 v8, v8  }
0x171: {  	v39 =	vsub.f32 v63, v31;
	v31 =	vsel vm4, $0x3F800000, v0;
	vm4 =	vnez.u8 v14;
	v14 =	vld [tilespmem:$0x1FB90]  }
0x172: {  	v26 =	vsub.f32 v53, v30;
	v30 =	vsub.f32 v57, v55;
	v55 =	vmul.f32 v32, v32;
	v19 =	vld [tilespmem:$0x1FBA0]  }
0x173: {  	v40 =	vsub.f32 v60, v20;
	v53 =	vmul.f32 v7, v6;
	v32 =	vmul.f32 v8, v6;
	v6 =	vld [tilespmem:$0x1FBB0]  }
0x174: {  	vm14 =	vlt.f32 v3, $1.000000010e-01;
	v49 =	vmul.f32 v22, v22;
	v57 =	vsel vm11, $0x3F800000, v0  }
0x175: {  	v62 =	vld [tilespmem:s23+$0x1800];
	v25 =	vsub.f32 v61, v25;
	v61 =	vsel vm14, $0x3F800000, v0;
	v37 =	vsel vm10, $0x3F800000, v0  }
0x176: {  	v5 =	vld [tilespmem:s28+$0x1800];
	vm6 =	vmmov vm11;
	vm11 =	vmmov vm14;
	vm1 =	vnez.u8 v14  }
0x177: {  	v60 =	vsel vm1, $0x3F800000, v0;
	vm14 =	vmmov vm1;
	vm1 =	vnez.u8 v19  }
0x178: {  	vm10 =	vmmov vm1;
	v22 =	vsel vm1, $0x3F800000, v0;
	vm1 =	vnez.u8 v6;
	v6 =	vld [tilespmem:$0x1FFD0]  }
0x179: {  	v46 =	vmul.f32 v18, v18;
	v51 =	vld [tilespmem:s20+$0x3010]  }
0x17a: {  	v38 =	vsub.f32 v62, v28;
	v17 =	vmul.f32 v17, v17;
	v10 =	vmul.f32 v10, v10;
	v59 =	vld [tilespmem:s21+$0x3000]  }
0x17b: {  	v5 =	vsub.f32 v5, v3;
	v62 =	vmul.f32 v36, v36;
	v63 =	vmul.f32 v40, v40  }
0x17c: {  	v3 =	vld [tilespmem:s31+$0x2400];
	vm5 =	vlt.f32 v23, $1.000000010e-01;
	v14 =	vmul.f32 v25, v25;
	vm9 =	vmmov vm1  }
0x17d: {  	v36 =	vld [tilespmem:s20+$0x3020];
	v25 =	vsel vm1, $0x3F800000, v0;
	vm1 =	vnez.u8 v6;
	v6 =	vimm.s32 $0x0  }
0x17e: {  	v40 =	vmul.f32 v46, v51;
	v23 =	vmul.f32 v17, v51;
	v8 =	vld [tilespmem:$0x1FBD0];
	v6 =	vsel vm5, $0xFFFFFFFF, v6  }
0x17f: {  	v51 =	vmul.f32 v10, v59;
	v10 =	vmul.f32 v52, v59;
	[tilespmem:$0x1FFE0] =	vst v6;
	v6 =	vld [tilespmem:$0x1FBC0];
	_ =	sdelay $0x1  }
0x180: {  	v9 =	vmul.f32 v9, v9;
	[tilespmem:$0x1FE40] =	vst v10;
	v10 =	vld [tilespmem:$0x1FBE0]  }
0x181: {  	v16 =	vmul.f32 v38, v38;
	v30 =	vmul.f32 v30, v30  }
0x182: {  	v58 =	vld [tilespmem:s20+$0x3000];
	v45 =	vsub.f32 v3, v27;
	v20 =	vmul.f32 v9, v36;
	v41 =	vsel vm2, $0x3F800000, v0  }
0x183: {  	v9 =	vld [tilespmem:s25+$0x3000];
	vm2 =	vnez.u8 v8;
	v38 =	vsel vm1, $0x3F800000, v0;
	vm1 =	vnez.u8 v6  }
0x184: {  	v1 =	vsel vm7, $0x3F800000, v0;
	v8 =	vsel vm2, $0x3F800000, v0;
	vm7 =	vmmov vm1  }
0x185: {  	v6 =	vsel vm1, $0x3F800000, v0;
	vm1 =	vmmov vm2;
	vm2 =	vnez.u8 v10;
	v10 =	vld [tilespmem:$0x1FFF0]  }
0x186: {  	v54 =	vmul.f32 v29, v29;
	v35 =	vmul.f32 v35, v35;
	v27 =	vld [tilespmem:s28+$0x3000]  }
0x187: {  	v28 =	vld [tilespmem:s24+$0x3000];
	v15 =	vmul.f32 v45, v45;
	v45 =	vmul.f32 v49, v58  }
0x188: {  	v46 =	vld [tilespmem:s26+$0x3000];
	v4 =	vmul.f32 v4, v4;
	v17 =	vmul.f32 v55, v9  }
0x189: {  	v7 =	vmul.f32 v48, v58;
	v58 =	vmul.f32 v30, v9;
	v9 =	vld [tilespmem:$0x1FBF0]  }
0x18a: {  	vm12 =	vmmov vm2;
	v48 =	vsel vm2, $0x3F800000, v0;
	vm2 =	vnez.u8 v10;
	v10 =	vld [tilespmem:$0x1FC00]  }
0x18b: {  	v29 =	vld [tilespmem:s31+$0x3000];
	v18 =	vmul.f32 v39, v39;
	v42 =	vmul.f32 v42, v42  }
0x18c: {  	v63 =	vmul.f32 v63, v28;
	v30 =	vmul.f32 v4, v27;
	v4 =	vld [tilespmem:$0x1FC10]  }
0x18d: {  	v59 =	vmul.f32 v35, v46;
	v35 =	vmul.f32 v42, v28  }
0x18e: {  	v28 =	vmovc v2;
	v2 =	vld [tilespmem:$0x1FC20];
	v43 =	vsel vm4, $0x3F800000, v0;
	v49 =	vsel vm2, $0x3F800000, v0;
	vm2 =	vnez.u8 v9  }
0x18f: {  	vm3 =	vmmov vm2;
	v9 =	vsel vm2, $0x3F800000, v0;
	vm2 =	vnez.u8 v10  }
0x190: {  	v42 =	vmul.f32 v15, v29;
	v39 =	vsel vm5, $0x3F800000, v0;
	v19 =	vld [tilespmem:s22+$0x3000];
	vm5 =	vmmov vm2  }
0x191: {  	v10 =	vsel vm2, $0x3F800000, v0;
	vm2 =	vnez.u8 v4;
	v4 =	vmul.f32 v14, v29;
	v29 =	vmovc v43;
	v43 =	vmovc v1;
	v1 =	vld [tilespmem:$0x1FC30]  }
0x192: {  	v11 =	vmul.f32 v11, v11  }
0x193: {  	vm4 =	vnez.u8 v2  }
0x194: {  	v36 =	vmul.f32 v11, v36;
	v55 =	vsel vm4, $0x3F800000, v0  }
0x195: {  	v15 =	vld [tilespmem:$0x1FC60];
	v3 =	vsel vm8, $0x3F800000, v0;
	v11 =	vmul.f32 v54, v19;
	vm8 =	vmmov vm2  }
0x196: {  	v54 =	vsel vm2, $0x3F800000, v0;
	vm2 =	vmmov vm4;
	vm4 =	vnez.u8 v1;
	v1 =	vld [tilespmem:$0x1FC80];
	_ =	sdelay $0x3  }
0x197: {  	v12 =	vadd.f32 v12, v15;
	v15 =	vld [tilespmem:$0x1FC70]  }
0x198: {  	v14 =	vnsel vm4, $0x0, v7;
	vm4 =	vnez.u8 v1;
	v1 =	vld [tilespmem:$0x1FCB0];
	_ =	sdelay $0x3  }
0x199: {  	v13 =	vadd.f32 v13, v15;
	v15 =	vld [tilespmem:$0x1FC90]  }
0x19a: {  	v7 =	vnsel vm4, $0x0, v7;
	vm4 =	vnez.u8 v1;
	v1 =	vld [tilespmem:$0x1FCC0];
	_ =	sdelay $0x3  }
0x19b: {  	v14 =	vadd.f32 v14, v15;
	v15 =	vld [tilespmem:$0x1FCA0]  }
0x19c: {  	v2 =	vadd.f32 v1, v12;
	v1 =	vld [tilespmem:$0x1FCD0];
	_ =	sdelay $0x1  }
0x19d: {  	v26 =	vmul.f32 v26, v26;
	_ =	sdelay $0x1  }
0x19e: {  	v52 =	vmul.f32 v26, v19;
	v19 =	vld [tilespmem:s23+$0x3000]  }
0x19f: {  	v7 =	vadd.f32 v7, v15;
	v15 =	vnsel vm4, $0x0, v23;
	vm4 =	vnez.u8 v1;
	v1 =	vld [tilespmem:$0x1FD00];
	_ =	sdelay $0x3  }
0x1a0: {  	v26 =	vmul.f32 v62, v46  }
0x1a1: {  	v46 =	vmul.f32 v18, v19;
	v18 =	vmovc v33;
	v33 =	vmovc v3;
	v3 =	vnsel vm4, $0x0, v23;
	vm4 =	vnez.u8 v1;
	v1 =	vld [tilespmem:$0x1FD10];
	_ =	sdelay $0x4  }
0x1a2: {  	v7 =	vadd.f32 v3, v7;
	v3 =	vadd.f32 v1, v2;
	v1 =	vld [tilespmem:$0x1FD20];
	_ =	sdelay $0x2  }
0x1a3: {  	v12 =	vadd.f32 v24, v13;
	_ =	sdelay $0x1  }
0x1a4: {  	v24 =	vadd.f32 v1, v12;
	v1 =	vld [tilespmem:$0x1FD30];
	_ =	sdelay $0x4  }
0x1a5: {  	v13 =	vadd.f32 v15, v14;
	v14 =	vnsel vm4, $0x0, v20;
	vm4 =	vnez.u8 v1  }
0x1a6: {  	v5 =	vmul.f32 v5, v5;
	v2 =	vnsel vm4, $0x0, v20  }
0x1a7: {  	v2 =	vadd.f32 v2, v7;
	v7 =	vld [tilespmem:$0x1FD60]  }
0x1a8: {  	p0 =	sne.s32 s18, $0xF;
	v62 =	vmul.f32 v5, v27;
	v5 =	vmul.f32 v16, v19;
	v16 =	vld [tilespmem:$0x1FC40]  }
.Ltmp0:
0x1a9: {  	v19 =	vld [tilespmem:$0x1FC50];
	(pc) =	sbr.rel @p0 .LBB2_2-.Ltmp0, $4  }
0x1aa: {  	v15 =	vld [tilespmem:$0x1FCF0]  }
0x1ab: {  	v23 =	vld [tilespmem:$0x1FCE0]  }
0x1ac: {  	v47 =	vsel vm15, $0x3F800000, v0;
	v1 =	vadd.f32 v14, v13;
	v14 =	vld [tilespmem:$0x1FD50];
	vm4 =	vnez.u8 v7  }
0x1ad: {  	s18 =	sadd.s32 $0x1, s18;
	v50 =	vsel vm0, $0x3F800000, v0;
	v56 =	vsel vm13, $0x3F800000, v0;
	v27 =	vmovc v37;
	v37 =	vmovc v21;
	v20 =	vld [tilespmem:$0x1FD40];
	v21 =	vnsel vm4, $0x0, v53  }
0x1ae: {  	v7 =	vld [tilespmem:$0x1FD70]  }
0x1af: {  	v3 =	vadd.f32 v37, v3;
	v12 =	vld [tilespmem:$0x1FD80];
	_ =	sdelay $0x1  }
0x1b0: {  	v1 =	vadd.f32 v21, v1;
	v3 =	vadd.f32 v9, v3  }
0x1b1: {  	v13 =	vnsel vm3, $0x0, v5;
	v9 =	vld [tilespmem:$0x1FE60]  }
0x1b2: {  	v21 =	vnsel vm10, $0x0, v63;
	v1 =	vadd.f32 v13, v1;
	v3 =	vadd.f32 v6, v3  }
0x1b3: {  	vm4 =	vnez.u8 v7;
	v12 =	vadd.f32 v12, v24;
	v24 =	vnsel vm5, $0x0, v5  }
0x1b4: {  	v7 =	vnsel vm4, $0x0, v53;
	v53 =	vnsel vm7, $0x0, v4;
	v3 =	vadd.f32 v22, v3  }
0x1b5: {  	v2 =	vadd.f32 v7, v2;
	v37 =	vadd.f32 v10, v12;
	v12 =	vnsel vm1, $0x0, v4  }
0x1b6: {  	v1 =	vadd.f32 v53, v1;
	v53 =	vnsel vm13, $0x0, v59;
	vm7 =	vnez.u8 v9  }
0x1b7: {  	v22 =	vld [tilespmem:$0x1FE10];
	v3 =	vadd.f32 v60, v3;
	v60 =	vnsel vm6, $0x0, v59;
	v2 =	vadd.f32 v24, v2  }
0x1b8: {  	v10 =	vld [tilespmem:$0x1FE70];
	v13 =	vadd.f32 v8, v37;
	v24 =	vnsel vm9, $0x0, v63;
	v1 =	vadd.f32 v21, v1  }
0x1b9: {  	v37 =	vnsel vm11, $0x0, v62;
	v63 =	vld [tilespmem:$0x1FEA0];
	v3 =	vadd.f32 v56, v3;
	v2 =	vadd.f32 v12, v2  }
0x1ba: {  	v8 =	vld [tilespmem:$0x1FEB0];
	v5 =	vadd.f32 v25, v13;
	v25 =	vnsel vm14, $0x0, v62;
	v12 =	vadd.f32 v27, v15  }
0x1bb: {  	v21 =	vld [tilespmem:$0x1FE20];
	v62 =	vnsel vm0, $0x0, v58;
	v15 =	vadd.f32 v28, v16;
	v1 =	vadd.f32 v25, v1  }
0x1bc: {  	v13 =	vld [tilespmem:$0x1FE30];
	vm14 =	vnez.u8 v22;
	v3 =	vadd.f32 v47, v3;
	v2 =	vadd.f32 v24, v2  }
0x1bd: {  	v16 =	vld [tilespmem:$0x1FE50];
	vm9 =	vnez.u8 v10;
	v10 =	vnsel vm14, $0x0, v40;
	v5 =	vadd.f32 v61, v5  }
0x1be: {  	v27 =	vld [tilespmem:$0x1FDE0];
	v61 =	vnsel vm15, $0x0, v58;
	v1 =	vadd.f32 v53, v1;
	v2 =	vadd.f32 v37, v2  }
0x1bf: {  	v28 =	vld [tilespmem:$0x1FDA0];
	vm5 =	vnez.u8 v63;
	vm6 =	vnez.u8 v8;
	v3 =	vadd.f32 v44, v3  }
0x1c0: {  	v25 =	vld [tilespmem:$0x1FDF0];
	v5 =	vadd.f32 v57, v5;
	v6 =	vnsel vm5, $0x0, v52;
	v2 =	vadd.f32 v60, v2  }
0x1c1: {  	v47 =	vld [tilespmem:$0x1FFA0];
	v4 =	vnsel vm6, $0x0, v52;
	v37 =	vnsel vm8, $0x0, v46;
	v1 =	vadd.f32 v61, v1  }
0x1c2: {  	v24 =	vld [tilespmem:$0x1FDD0];
	v3 =	vadd.f32 v33, v3;
	vm10 =	vnez.u8 v13;
	v2 =	vadd.f32 v62, v2  }
0x1c3: {  	v53 =	vld [tilespmem:$0x1FF10];
	vm11 =	vnez.u8 v16;
	vm4 =	vnez.u8 v27;
	v1 =	vadd.f32 v6, v1  }
0x1c4: {  	v33 =	vld [tilespmem:$0x1FD90];
	v5 =	vadd.f32 v50, v5;
	v2 =	vadd.f32 v4, v2;
	v4 =	vnsel vm7, $0x0, v51  }
0x1c5: {  	v7 =	vnsel vm10, $0x0, v45;
	v1 =	vadd.f32 v4, v1;
	v4 =	vadd.f32 v20, v12;
	v20 =	vld [tilespmem:$0x1FE00]  }
0x1c6: {  	v44 =	vld [tilespmem:$0x1FFF0];
	v8 =	vnsel vm11, $0x0, v45;
	vm10 =	vnez.u8 v47;
	v7 =	vadd.f32 v7, v19  }
0x1c7: {  	v45 =	vld [tilespmem:$0x1FFD0];
	v6 =	vnsel vm9, $0x0, v51;
	v8 =	vadd.f32 v8, v14;
	v5 =	vadd.f32 v43, v5  }
0x1c8: {  	v50 =	vld [tilespmem:$0x1FF50];
	vm15 =	vnez.u8 v24;
	v43 =	vnsel vm12, $0x0, v42;
	vm14 =	vnez.u8 v53  }
0x1c9: {  	(xrf2) =	vadd.scan.msk.f32 $0xffff, v3;
	v3 =	vld [tilespmem:$0x1FEE0];
	v8 =	vadd.f32 v10, v8;
	v10 =	vnsel vm4, $0x0, v36;
	v5 =	vadd.f32 v34, v5  }
0x1ca: {  	vm5 =	vnez.u8 v33;
	v34 =	vld [tilespmem:$0x1FDC0];
	v2 =	vadd.f32 v6, v2;
	vm13 =	vnez.u8 v20  }
0x1cb: {  	v52 =	vld [tilespmem:$0x1FF80];
	v6 =	vadd.f32 v21, v15;
	v4 =	vadd.f32 v23, v4;
	v9 =	vnsel vm13, $0x0, v40  }
0x1cc: {  	v8 =	vadd.f32 v10, v8;
	v7 =	vadd.f32 v9, v7;
	v9 =	vnsel vm15, $0x0, v36;
	v36 =	vld [tilespmem:$0x1FDB0]  }
0x1cd: {  	vm7 =	vnez.u8 v44;
	v6 =	vadd.f32 v25, v6;
	v4 =	vadd.f32 v28, v4  }
0x1ce: {  	v57 =	vld [tilespmem:$0x1FF00];
	vm8 =	vnez.u8 v45;
	vm12 =	vnez.u8 v50;
	vm4 =	vnez.u8 v3  }
0x1cf: {  	v3 =	vnsel vm4, $0x0, v11;
	v6 =	vadd.f32 v34, v6;
	v4 =	vadd.f32 v54, v4  }
0x1d0: {  	v40 =	vnsel vm2, $0x0, v46;
	vm13 =	vnez.u8 v52;
	v7 =	vadd.f32 v9, v7  }
0x1d1: {  	v46 =	vld [tilespmem:$0x1FFE0];
	v6 =	vadd.f32 v55, v6;
	v9 =	vnsel vm5, $0x0, v32;
	vm6 =	vnez.u8 v36  }
0x1d2: {  	v55 =	vld [tilespmem:$0x1FF20];
	v4 =	vadd.f32 v48, v4;
	v7 =	vadd.f32 v9, v7;
	v10 =	vnsel vm6, $0x0, v32  }
0x1d3: {  	v59 =	vld [tilespmem:$0x1FE40];
	v6 =	vadd.f32 v49, v6;
	vm5 =	vnez.u8 v57;
	v8 =	vadd.f32 v10, v8  }
0x1d4: {  	(xrf2) =	vadd.scan.msk.f32 $0xffff, v5;
	v48 =	vld [tilespmem:$0x1FFB0];
	v4 =	vadd.f32 v38, v4;
	v5 =	vnsel vm5, $0x0, v11;
	v7 =	vadd.f32 v37, v7  }
0x1d5: {  	v49 =	vld [tilespmem:$0x1FF60];
	v9 =	vnsel vm8, $0x0, v35;
	v6 =	vadd.f32 v39, v6;
	v8 =	vadd.f32 v40, v8  }
0x1d6: {  	v51 =	vld [tilespmem:$0x1FF90];
	vm9 =	vnez.u8 v46;
	v10 =	vnsel vm7, $0x0, v42;
	v7 =	vadd.f32 v43, v7  }
0x1d7: {  	v56 =	vld [tilespmem:$0x1FEF0];
	v4 =	vadd.f32 v29, v4;
	vm15 =	vnez.u8 v55;
	v8 =	vadd.f32 v10, v8  }
0x1d8: {  	v54 =	vld [tilespmem:$0x1FF30];
	v6 =	vadd.f32 v41, v6;
	v7 =	vadd.f32 v9, v7;
	v10 =	vnsel vm9, $0x0, v35  }
0x1d9: {  	v58 =	vld [tilespmem:$0x1FE90];
	vm11 =	vnez.u8 v48;
	v9 =	vnsel vm10, $0x0, v30;
	v8 =	vadd.f32 v10, v8  }
0x1da: {  	(xrf2) =	vadd.scan.msk.f32 $0xffff, v1;
	v1 =	vld [tilespmem:$0x1FE80];
	v4 =	vadd.f32 v49, v4;
	v7 =	vadd.f32 v9, v7;
	v10 =	vnsel vm11, $0x0, v30  }
0x1db: {  	v60 =	vld [tilespmem:$0x1FED0];
	v6 =	vadd.f32 v51, v6;
	v9 =	vnsel vm12, $0x0, v26;
	v8 =	vadd.f32 v10, v8  }
0x1dc: {  	(xrf2) =	vadd.scan.msk.f32 $0xffff, v2;
	v2 =	vld [tilespmem:$0x1FEC0];
	v4 =	vadd.f32 v31, v4;
	v7 =	vadd.f32 v9, v7;
	v10 =	vnsel vm13, $0x0, v26  }
0x1dd: {  	v6 =	vadd.f32 v54, v6;
	v9 =	vnsel vm14, $0x0, v17;
	v8 =	vadd.f32 v10, v8  }
0x1de: {  	v4 =	vadd.f32 v56, v4;
	v7 =	vadd.f32 v9, v7;
	v10 =	vnsel vm15, $0x0, v17  }
0x1df: {  	vm6 =	vnez.u8 v1;
	v6 =	vadd.f32 v18, v6;
	v8 =	vadd.f32 v10, v8  }
0x1e0: {  	v1 =	vnsel vm6, $0x0, v59;
	v4 =	vadd.f32 v58, v4;
	v3 =	vadd.f32 v3, v7  }
0x1e1: {  	vm7 =	vnez.u8 v2;
	v6 =	vadd.f32 v60, v6;
	v5 =	vadd.f32 v5, v8  }
0x1e2: {  	v2 =	vnsel vm7, $0x0, v59;
	(xrf2) =	vadd.scan.msk.f32 $0xffff, v4;
	v1 =	vadd.f32 v1, v3  }
0x1e3: {  	(xrf2) =	vadd.scan.msk.f32 $0xffff, v6;
	v2 =	vadd.f32 v2, v5  }
0x1e4: {  	(xrf2) =	vadd.scan.msk.f32 $0xffff, v1  }
0x1e5: {  	(xrf2) =	vadd.scan.msk.f32 $0xffff, v2  }
0x1e6: {  	v1, _, _ =	vpop (xrf2)  }
0x1e7: {  	v2, _, _ =	vpop (xrf2)  }
0x1e8: {  	v3, _, _ =	vpop (xrf2);
	v2 =	vbroadcast v2, $0xF  }
0x1e9: {  	v1 =	vbroadcast v1, $0xF;
	v3 =	vbroadcast v3, $0xF  }
0x1ea: {  	vm8 =	vmmov $0x1  }
0x1eb: {  	vm9 =	vcmask $0x320;
	v1 =	vnsel vm8, $0x0, v1;
	v61, _, _ =	vpop (xrf2)  }
0x1ec: {  	vm10 =	vcmask $0x720;
	v1 =	vsel vm9, v1, v2;
	v4 =	vbroadcast v61, $0xF;
	v2, _, _ =	vpop (xrf2)  }
0x1ed: {  	vm11 =	vcmask $0xB20;
	v1 =	vsel vm10, v1, v3;
	v3, _, _ =	vpop (xrf2);
	v2 =	vbroadcast v2, $0xF  }
0x1ee: {  	vm12 =	vcmask $0xF20;
	v1 =	vsel vm11, v1, v4;
	v62, _, _ =	vpop (xrf2);
	v3 =	vbroadcast v3, $0xF  }
0x1ef: {  	vm13 =	vcmask $0x1320;
	v1 =	vsel vm12, v1, v2;
	v2 =	vbroadcast v62, $0xF;
	v63, _, _ =	vpop (xrf2)  }
0x1f0: {  	vm14 =	vcmask $0x1720;
	v1 =	vsel vm13, v1, v3;
	v3 =	vbroadcast v63, $0xF  }
0x1f1: {  	s17 =	sadd.s32 $0x1, s17;
	vm15 =	vcmask $0x1B20;
	v1 =	vsel vm14, v1, v2  }
0x1f2: {  	p0 =	sne.s32 s17, s9;
	v1 =	vsel vm15, v1, v3  }
.Ltmp1:
0x1f3: {  	[tilespmem:$0x3C00] =	vst v1;
	(pc) =	sbr.rel @p0 .LBB2_1-.Ltmp1, $4  }
0x1f4: {  	[hbm4b:s8+s2] =	stream.linear.scatter [tilespmem:s15], [sflag:$0x2], $0x80, $0x38;
	[tilespmem:$0x3C80] =	vst v63  }
0x1f5: {  	_ =	swait.ge [sflag:s16], $0x80  }
0x1f6: {  	[sflag:s16] =	ssyncset.done $0x0  }
0x1f7: {  	[sflag:s16] =	ssyncadd.s32 $0xFFFFFF80  }
0x1f8: {  	_ =	sfence.sel $0x180000  }
0x1f9: {  	[bflag:$0x0] =	sbarrier.arrive $0xFFFF  }
0x1fa: {  	_ =	strace $0x90000047  }
0x1fb: {  	[bflag:$0x2] =	sbarrier.arrive $0xFFFF  }
0x1fc: {  	p0 =	sne.s32 s1, $0x0;
	s0 =	rddreg [dreg:$0x6]  }
0x1fd: {  	s0 =	sadd.s32 @!p0 $0x100000, s0  }
0x1fe: {  	[sflag:s0] =	ssyncadd.tile.s32 @!p0 $0x1;
	_ =	shalt  }
.Lfunc_end2:
_tile_overlayer_lowered:
.L_overlay_start_2:
0x1ff: {  	(tag) =	ssettag $0x2  }
0x200: {  	s0 =	rddreg [dreg:$0x0];
	s2 =	stileid.u32  }
0x201: {  	s1 =	rddreg [dreg:$0x1];
	p0 =	sne.s32 s2, $0x0  }
0x202: {  	s3 =	rddreg [dreg:$0x2];
	[bflag:$0x3] =	sbarrier.arrive $0xFFFF;
	s2 =	simm.s32 @!p0 $0x1C02  }
0x203: {  	[timem:s3], [sflag:s2] =	dma.local @!p0 [hbm:s0], s1  }
0x204: {  	s0 =	simm.s32 @!p0 $0x2  }
0x205: {  	_ =	swait.ge @!p0 [sflag:s0], s1  }
0x206: {  	s1 =	ssub.s32 @!p0 $0x0, s1;
	[sflag:s0] =	ssyncset.done @!p0 $0x0  }
0x207: {  	[sflag:s0] =	ssyncadd.s32 @!p0 s1  }
0x208: {  	[bflag:$0x3] =	sbarrier.arrive $0xFFFF  }
0x209: {  	_ =	shalt  }

</sc_bundles>
